<compile_context>
chip_gen: v7x
topology: tpu7x:2x2x1
jax: 0.10.2.dev20260603
libtpu: 0.0.44.dev20260713+nightly
codegen_flags: <defaults>
</compile_context>

<pallas_src>
import functools

import numpy as np

import jax
import jax.numpy as jnp
from jax import lax
from jax.experimental import pallas as pl
from jax.experimental.pallas import tpu as pltpu
from jax.experimental.pallas import tpu_sc as plsc

N = 10000
R = 10240
CH = 128
NC = 2
NS = 16
NW = NC * NS
K = 128
CPT = 80
SHIFT = 14
EPAD = NW * CPT * K
ZPT = R // NS
BR = 1024
GRID = R // BR

@functools.cache
def _mesh():
  return plsc.VectorSubcoreMesh(
      core_axis_name="c", subcore_axis_name="s", num_cores=NC, num_subcores=NS)



def _fill(ref, value):
  @pl.loop(0, K)
  def _row(r):
    for g in range(CH // 16):
      ref[r, pl.ds(g * 16, 16)] = jnp.full((16,), value, jnp.float32)


def _zero_my_slice(acc, zbuf, s):
  @pl.loop(0, ZPT // K)
  def _blk(t):
    pltpu.sync_copy(zbuf, acc.at[pl.ds(s * ZPT + t * K, K)])


def _deg_body(packed_hbm, out_hbm, packedv, onesv, dstb, acc, sem):
  c = lax.axis_index("c")
  s = lax.axis_index("s")
  wid = c * NS + s
  cp = pltpu.async_copy(packed_hbm.at[pl.ds(wid * CPT, CPT)], packedv, sem)
  _fill(onesv, 0.0)
  _zero_my_slice(acc, onesv, s)
  _fill(onesv, 1.0)
  cp.wait()
  plsc.subcore_barrier()

  @pl.loop(0, CPT)
  def _chunk(j):
    for i in range(K // 16):
      p = packedv[j, pl.ds(i * 16, 16)]
      dstb[pl.ds(i * 16, 16)] = lax.shift_right_logical(p, SHIFT)
    pltpu.sync_copy(onesv, acc.at[dstb], add=True)

  plsc.subcore_barrier()
  pltpu.sync_copy(acc.at[pl.ds(s * ZPT, ZPT)],
                  out_hbm.at[pl.ds(c * R + s * ZPT, ZPT)])


@functools.cache
def _deg_call():
  return pl.kernel(
      _deg_body,
      out_type=jax.ShapeDtypeStruct((NC * R, CH), jnp.float32),
      mesh=_mesh(),
      scratch_types=[
          pltpu.VMEM((CPT, K), jnp.int32),
          pltpu.VMEM((K, CH), jnp.float32),
          pltpu.VMEM((K,), jnp.int32),
          pltpu.VMEM_SHARED((R, CH), jnp.float32),
          pltpu.SemaphoreType.DMA,
      ],
  )


def _unpack(packedv, j, srcb, dstb):
  for i in range(K // 16):
    p = packedv[j, pl.ds(i * 16, 16)]
    srcb[pl.ds(i * 16, 16)] = lax.bitwise_and(p, (1 << SHIFT) - 1)
    dstb[pl.ds(i * 16, 16)] = lax.shift_right_logical(p, SHIFT)


def _prop_body(y_hbm, packed_hbm, out_hbm,
               packedv, srcb0, srcb1, dstb0, dstb1, rows0, rows1, acc,
               sem0, sem1):
  c = lax.axis_index("c")
  s = lax.axis_index("s")
  wid = c * NS + s
  cp = pltpu.async_copy(packed_hbm.at[pl.ds(wid * CPT, CPT)], packedv, sem1)
  srcb = (srcb0, srcb1)
  dstb = (dstb0, dstb1)
  rows = (rows0, rows1)
  sems = (sem0, sem1)
  _fill(rows0, 0.0)
  _zero_my_slice(acc, rows0, s)
  cp.wait()
  _unpack(packedv, 0, srcb0, dstb0)
  pltpu.async_copy(y_hbm.at[srcb0], rows0, sem0)
  plsc.subcore_barrier()

  @pl.loop(0, CPT, step=2)
  def _chunk(j):
    for b in range(2):
      jj = j + b
      nj = jnp.minimum(jj + 1, CPT - 1)
      _unpack(packedv, nj, srcb[1 - b], dstb[1 - b])
      pltpu.async_copy(y_hbm.at[srcb[1 - b]], rows[1 - b], sems[1 - b])
      pltpu.make_async_copy(y_hbm.at[srcb[b]], rows[b], sems[b]).wait()
      pltpu.sync_copy(rows[b], acc.at[dstb[b]], add=True)

  pltpu.make_async_copy(y_hbm.at[srcb0], rows0, sem0).wait()
  plsc.subcore_barrier()
  pltpu.sync_copy(acc.at[pl.ds(s * ZPT, ZPT)],
                  out_hbm.at[pl.ds(c * R + s * ZPT, ZPT)])


@functools.cache
def _prop_call():
  return pl.kernel(
      _prop_body,
      out_type=jax.ShapeDtypeStruct((NC * R, CH), jnp.float32),
      mesh=_mesh(),
      scratch_types=[
          pltpu.VMEM((CPT, K), jnp.int32),
          pltpu.VMEM((K,), jnp.int32),
          pltpu.VMEM((K,), jnp.int32),
          pltpu.VMEM((K,), jnp.int32),
          pltpu.VMEM((K,), jnp.int32),
          pltpu.VMEM((K, CH), jnp.float32),
          pltpu.VMEM((K, CH), jnp.float32),
          pltpu.VMEM_SHARED((R, CH), jnp.float32),
          pltpu.SemaphoreType.DMA,
          pltpu.SemaphoreType.DMA,
      ],
  )



def _dinv(d_ref):
  dsum = d_ref[0, :, 0:1] + d_ref[1, :, 0:1]
  return lax.rsqrt(1.0 + dsum)


def _y1_body(x_ref, w_ref, d_ref, y_ref):
  y_ref[...] = jnp.dot(x_ref[...], w_ref[...],
                       preferred_element_type=jnp.float32) * _dinv(d_ref)


_y1_call = pl.pallas_call(
    _y1_body,
    grid=(GRID,),
    in_specs=[
        pl.BlockSpec((BR, CH), lambda i: (i, 0)),
        pl.BlockSpec((CH, CH), lambda i: (0, 0)),
        pl.BlockSpec((2, BR, 16), lambda i: (0, i, 0)),
    ],
    out_specs=pl.BlockSpec((BR, CH), lambda i: (i, 0)),
    out_shape=jax.ShapeDtypeStruct((R, CH), jnp.float32),
)


def _mid_body(s_ref, y1_ref, d_ref, w_ref, b_ref, y2_ref):
  dinv = _dinv(d_ref)
  h = (s_ref[0] + s_ref[1] + y1_ref[...]) * dinv + b_ref[...]
  h = jnp.maximum(h, 0.0)
  y2_ref[...] = jnp.dot(h, w_ref[...],
                        preferred_element_type=jnp.float32) * dinv


_mid_call = pl.pallas_call(
    _mid_body,
    grid=(GRID,),
    in_specs=[
        pl.BlockSpec((2, BR, CH), lambda i: (0, i, 0)),
        pl.BlockSpec((BR, CH), lambda i: (i, 0)),
        pl.BlockSpec((2, BR, 16), lambda i: (0, i, 0)),
        pl.BlockSpec((CH, CH), lambda i: (0, 0)),
        pl.BlockSpec((1, CH), lambda i: (0, 0)),
    ],
    out_specs=pl.BlockSpec((BR, CH), lambda i: (i, 0)),
    out_shape=jax.ShapeDtypeStruct((R, CH), jnp.float32),
)


def _out_body(s_ref, y2_ref, d_ref, b_ref, mu_ref, ls_ref):
  o = (s_ref[0] + s_ref[1] + y2_ref[...]) * _dinv(d_ref) + b_ref[...]
  mu_ref[...] = o[:, :CH // 2]
  ls_ref[...] = o[:, CH // 2:]


_out_call = pl.pallas_call(
    _out_body,
    grid=(GRID,),
    in_specs=[
        pl.BlockSpec((2, BR, CH), lambda i: (0, i, 0)),
        pl.BlockSpec((BR, CH), lambda i: (i, 0)),
        pl.BlockSpec((2, BR, 16), lambda i: (0, i, 0)),
        pl.BlockSpec((1, CH), lambda i: (0, 0)),
    ],
    out_specs=[
        pl.BlockSpec((BR, CH // 2), lambda i: (i, 0)),
        pl.BlockSpec((BR, CH // 2), lambda i: (i, 0)),
    ],
    out_shape=[
        jax.ShapeDtypeStruct((N, CH // 2), jnp.float32),
        jax.ShapeDtypeStruct((N, CH // 2), jnp.float32),
    ],
)



@jax.jit
def _run(x, edge_index, W1, b1, Wmu, bmu, Wls, bls):
  Wml = jnp.concatenate([Wmu, Wls], axis=1)
  bml = jnp.concatenate([bmu, bls]).reshape(1, CH)
  b1r = b1.reshape(1, CH)

  npad = EPAD - edge_index.shape[1]
  fill = np.arange(npad)
  pad_packed = jnp.asarray(
      (fill % N + (N + fill % (R - N)) * (1 << SHIFT)).astype(np.int32))
  packed = jnp.concatenate(
      [edge_index[0] + edge_index[1] * (1 << SHIFT), pad_packed]
  ).reshape(NW * CPT, K)

  deg = _deg_call()(packed).reshape(NC, R, CH)[:, :, :16]
  y1 = _y1_call(x, W1, deg)
  s1 = _prop_call()(y1, packed).reshape(NC, R, CH)
  y2 = _mid_call(s1, y1, deg, Wml, b1r)
  s2 = _prop_call()(y2, packed).reshape(NC, R, CH)
  mu, logstd = _out_call(s2, y2, deg, bml)
  return mu, logstd


def kernel(x, edge_index, W1, b1, Wmu, bmu, Wls, bls):
  return _run(x, edge_index, W1, b1, Wmu, bmu, Wls, bls)

# --- scband reference (transcript-rebuilt; emitter-appended) ---
"""Pipeline reference for scband-encoder-5858335392034 (READ-ONLY COPY).

The authoritative reference and input builder live on the scoring server;
editing this copy changes nothing except your own understanding.
"""

import jax, jax.numpy as jnp
import numpy as np

N_NODES = 10000
N_EDGES = 320000
IN_CH = 128
HID_CH = 128
OUT_CH = 64


def setup_inputs(seed: int = 0) -> dict:
    key = jax.random.key(seed)
    ks = jax.random.split(key, 8)
    x = jax.random.normal(ks[0], (N_NODES, IN_CH), dtype=jnp.float32)
    edge_index = jax.random.randint(ks[1], (2, N_EDGES), 0, N_NODES, dtype=jnp.int64 if jax.config.jax_enable_x64 else jnp.int32).astype(jnp.int32)
    # Glorot-style init for GCNConv weights, zeros for bias (PyG default)
    def glorot(k, shape):
        limit = jnp.sqrt(6.0 / (shape[0] + shape[1]))
        return jax.random.uniform(k, shape, dtype=jnp.float32, minval=-limit, maxval=limit)
    W1 = glorot(ks[2], (IN_CH, HID_CH))
    b1 = jnp.zeros((HID_CH,), dtype=jnp.float32)
    Wmu = glorot(ks[3], (HID_CH, OUT_CH))
    bmu = jnp.zeros((OUT_CH,), dtype=jnp.float32)
    Wls = glorot(ks[4], (HID_CH, OUT_CH))
    bls = jnp.zeros((OUT_CH,), dtype=jnp.float32)
    return {"x": x, "edge_index": edge_index, "W1": W1, "b1": b1, "Wmu": Wmu, "bmu": bmu, "Wls": Wls, "bls": bls}


def _gcn_conv(x, edge_index, W, b):
    # Faithful GCNConv: y = D^{-1/2} (A + I) D^{-1/2} (x W) + b
    N = x.shape[0]
    xw = x @ W
    src = edge_index[0]
    dst = edge_index[1]
    loop = jnp.arange(N, dtype=src.dtype)
    src = jnp.concatenate([src, loop])
    dst = jnp.concatenate([dst, loop])
    deg = jax.ops.segment_sum(jnp.ones_like(dst, dtype=xw.dtype), dst, num_segments=N)
    deg_inv_sqrt = jnp.where(deg > 0, jax.lax.rsqrt(jnp.where(deg > 0, deg, 1.0)), 0.0)
    norm = deg_inv_sqrt[src] * deg_inv_sqrt[dst]
    msg = jnp.take(xw, src, axis=0) * norm[:, None]
    out = jax.ops.segment_sum(msg, dst, num_segments=N)
    return out + b


def reference(x, edge_index, W1, b1, Wmu, bmu, Wls, bls):
    h = _gcn_conv(x, edge_index, W1, b1)
    h = jax.nn.relu(h)
    mu = _gcn_conv(h, edge_index, Wmu, bmu)
    logstd = _gcn_conv(h, edge_index, Wls, bls)
    return (mu, logstd)

if __name__ == "__main__":
    import jax
    _d = setup_inputs()
    print(jax.jit(kernel)(*tuple(_d.values())))

</pallas_src>

<mosaic_0001>
#map = affine_map<(d0, d1) -> (0, 0)>
module attributes {stable_mosaic.version = 14 : i64} {
  func.func @_deg_body(%arg0: i32, %arg1: i32, %arg2: memref<2560x128xi32, #tpu.memory_space<hbm>>, %arg3: memref<20480x128xf32, #tpu.memory_space<hbm>>, %arg4: memref<80x128xi32, #tpu.memory_space<vmem>>, %arg5: memref<128x128xf32, #tpu.memory_space<vmem>>, %arg6: memref<128xi32, #tpu.memory_space<vmem>>, %arg7: memref<10240x128xf32, #tpu.memory_space<vmem_shared>>, %arg8: memref<!tpu.dma_semaphore, #tpu.memory_space<semaphore_mem>>) attributes {dimension_semantics = [#tpu.dimension_semantics<core_parallel>, #tpu.dimension_semantics<subcore_parallel>], iteration_bounds = array<i64: 2, 16>, scalar_prefetch = 0 : i64, scratch_operands = 5 : i64, tpu.core_type = #tpu.core_type<sc_vector_subcore>, window_params = [{transform_indices = #map}, {transform_indices = #map}]} {
    %mul3A = arith.constant 16 : i32
    %mul3A_0 = arith.muli %arg0, %mul3A : i32
    %add3A = arith.addi %mul3A_0, %arg1 : i32
    %mul3A_1 = arith.constant 80 : i32
    %mul3A_2 = arith.muli %add3A, %mul3A_1 : i32
    %dma_start3A = arith.constant 0 : i32
    %dma_start3A_3 = tpu.memref_slice %arg2[%mul3A_2, %dma_start3A] : memref<2560x128xi32, #tpu.memory_space<hbm>> -> memref<80x128xi32, #tpu.memory_space<hbm>>
    %dma_start3A_4 = arith.constant 0 : i32
    %dma_start3A_5 = tpu.memref_slice %arg2[%mul3A_2, %dma_start3A_4] : memref<2560x128xi32, #tpu.memory_space<hbm>> -> memref<80x128xi32, #tpu.memory_space<hbm>>
    tpu.enqueue_dma source(%dma_start3A_5 : memref<80x128xi32, #tpu.memory_space<hbm>>) target(%arg4 : memref<80x128xi32, #tpu.memory_space<vmem>>) target_semaphore(%arg8 : memref<!tpu.dma_semaphore, #tpu.memory_space<semaphore_mem>>)
    %scan3A = arith.constant 0 : i32
    %scan3A_6 = arith.constant 128 : i32
    %scan3A_7 = arith.addi %scan3A, %scan3A_6 : i32
    %scan3A_8 = arith.constant 1 : i32
    scf.for %scan3A_36 = %scan3A to %scan3A_7 step %scan3A_8  : i32 {
      %mul3A_37 = arith.constant 1 : i32
      %mul3A_38 = arith.muli %scan3A_36, %mul3A_37 : i32
      %add3A_39 = arith.constant 0 : i32
      %add3A_40 = arith.addi %add3A_39, %mul3A_38 : i32
      %broadcast_in_dim3A = arith.constant 0.000000e+00 : f32
      %broadcast_in_dim3A_41 = vector.broadcast %broadcast_in_dim3A : f32 to vector<16xf32>
      %swap3A = arith.index_cast %add3A_40 : i32 to index
      %swap3A_42 = arith.constant 0 : index
      %swap3A_43 = tpu.vector_load %arg5[%swap3A, %swap3A_42] {strides = array<i32>} : memref<128x128xf32, #tpu.memory_space<vmem>>, vector<1x16xf32>,
      %swap3A_44 = vector.shape_cast %swap3A_43 : vector<1x16xf32> to vector<16xf32>
      %swap3A_45 = vector.shape_cast %broadcast_in_dim3A_41 : vector<16xf32> to vector<1x16xf32>
      tpu.vector_store %arg5[%swap3A, %swap3A_42], %swap3A_45 {strides = array<i32>} : memref<128x128xf32, #tpu.memory_space<vmem>>, vector<1x16xf32>,
      %broadcast_in_dim3A_46 = arith.constant 0.000000e+00 : f32
      %broadcast_in_dim3A_47 = vector.broadcast %broadcast_in_dim3A_46 : f32 to vector<16xf32>
      %swap3A_48 = arith.index_cast %add3A_40 : i32 to index
      %swap3A_49 = arith.constant 16 : index
      %swap3A_50 = tpu.vector_load %arg5[%swap3A_48, %swap3A_49] {strides = array<i32>} : memref<128x128xf32, #tpu.memory_space<vmem>>, vector<1x16xf32>,
      %swap3A_51 = vector.shape_cast %swap3A_50 : vector<1x16xf32> to vector<16xf32>
      %swap3A_52 = vector.shape_cast %broadcast_in_dim3A_47 : vector<16xf32> to vector<1x16xf32>
      tpu.vector_store %arg5[%swap3A_48, %swap3A_49], %swap3A_52 {strides = array<i32>} : memref<128x128xf32, #tpu.memory_space<vmem>>, vector<1x16xf32>,
      %broadcast_in_dim3A_53 = arith.constant 0.000000e+00 : f32
      %broadcast_in_dim3A_54 = vector.broadcast %broadcast_in_dim3A_53 : f32 to vector<16xf32>
      %swap3A_55 = arith.index_cast %add3A_40 : i32 to index
      %swap3A_56 = arith.constant 32 : index
      %swap3A_57 = tpu.vector_load %arg5[%swap3A_55, %swap3A_56] {strides = array<i32>} : memref<128x128xf32, #tpu.memory_space<vmem>>, vector<1x16xf32>,
      %swap3A_58 = vector.shape_cast %swap3A_57 : vector<1x16xf32> to vector<16xf32>
      %swap3A_59 = vector.shape_cast %broadcast_in_dim3A_54 : vector<16xf32> to vector<1x16xf32>
      tpu.vector_store %arg5[%swap3A_55, %swap3A_56], %swap3A_59 {strides = array<i32>} : memref<128x128xf32, #tpu.memory_space<vmem>>, vector<1x16xf32>,
      %broadcast_in_dim3A_60 = arith.constant 0.000000e+00 : f32
      %broadcast_in_dim3A_61 = vector.broadcast %broadcast_in_dim3A_60 : f32 to vector<16xf32>
      %swap3A_62 = arith.index_cast %add3A_40 : i32 to index
      %swap3A_63 = arith.constant 48 : index
      %swap3A_64 = tpu.vector_load %arg5[%swap3A_62, %swap3A_63] {strides = array<i32>} : memref<128x128xf32, #tpu.memory_space<vmem>>, vector<1x16xf32>,
      %swap3A_65 = vector.shape_cast %swap3A_64 : vector<1x16xf32> to vector<16xf32>
      %swap3A_66 = vector.shape_cast %broadcast_in_dim3A_61 : vector<16xf32> to vector<1x16xf32>
      tpu.vector_store %arg5[%swap3A_62, %swap3A_63], %swap3A_66 {strides = array<i32>} : memref<128x128xf32, #tpu.memory_space<vmem>>, vector<1x16xf32>,
      %broadcast_in_dim3A_67 = arith.constant 0.000000e+00 : f32
      %broadcast_in_dim3A_68 = vector.broadcast %broadcast_in_dim3A_67 : f32 to vector<16xf32>
      %swap3A_69 = arith.index_cast %add3A_40 : i32 to index
      %swap3A_70 = arith.constant 64 : index
      %swap3A_71 = tpu.vector_load %arg5[%swap3A_69, %swap3A_70] {strides = array<i32>} : memref<128x128xf32, #tpu.memory_space<vmem>>, vector<1x16xf32>,
      %swap3A_72 = vector.shape_cast %swap3A_71 : vector<1x16xf32> to vector<16xf32>
      %swap3A_73 = vector.shape_cast %broadcast_in_dim3A_68 : vector<16xf32> to vector<1x16xf32>
      tpu.vector_store %arg5[%swap3A_69, %swap3A_70], %swap3A_73 {strides = array<i32>} : memref<128x128xf32, #tpu.memory_space<vmem>>, vector<1x16xf32>,
      %broadcast_in_dim3A_74 = arith.constant 0.000000e+00 : f32
      %broadcast_in_dim3A_75 = vector.broadcast %broadcast_in_dim3A_74 : f32 to vector<16xf32>
      %swap3A_76 = arith.index_cast %add3A_40 : i32 to index
      %swap3A_77 = arith.constant 80 : index
      %swap3A_78 = tpu.vector_load %arg5[%swap3A_76, %swap3A_77] {strides = array<i32>} : memref<128x128xf32, #tpu.memory_space<vmem>>, vector<1x16xf32>,
      %swap3A_79 = vector.shape_cast %swap3A_78 : vector<1x16xf32> to vector<16xf32>
      %swap3A_80 = vector.shape_cast %broadcast_in_dim3A_75 : vector<16xf32> to vector<1x16xf32>
      tpu.vector_store %arg5[%swap3A_76, %swap3A_77], %swap3A_80 {strides = array<i32>} : memref<128x128xf32, #tpu.memory_space<vmem>>, vector<1x16xf32>,
      %broadcast_in_dim3A_81 = arith.constant 0.000000e+00 : f32
      %broadcast_in_dim3A_82 = vector.broadcast %broadcast_in_dim3A_81 : f32 to vector<16xf32>
      %swap3A_83 = arith.index_cast %add3A_40 : i32 to index
      %swap3A_84 = arith.constant 96 : index
      %swap3A_85 = tpu.vector_load %arg5[%swap3A_83, %swap3A_84] {strides = array<i32>} : memref<128x128xf32, #tpu.memory_space<vmem>>, vector<1x16xf32>,
      %swap3A_86 = vector.shape_cast %swap3A_85 : vector<1x16xf32> to vector<16xf32>
      %swap3A_87 = vector.shape_cast %broadcast_in_dim3A_82 : vector<16xf32> to vector<1x16xf32>
      tpu.vector_store %arg5[%swap3A_83, %swap3A_84], %swap3A_87 {strides = array<i32>} : memref<128x128xf32, #tpu.memory_space<vmem>>, vector<1x16xf32>,
      %broadcast_in_dim3A_88 = arith.constant 0.000000e+00 : f32
      %broadcast_in_dim3A_89 = vector.broadcast %broadcast_in_dim3A_88 : f32 to vector<16xf32>
      %swap3A_90 = arith.index_cast %add3A_40 : i32 to index
      %swap3A_91 = arith.constant 112 : index
      %swap3A_92 = tpu.vector_load %arg5[%swap3A_90, %swap3A_91] {strides = array<i32>} : memref<128x128xf32, #tpu.memory_space<vmem>>, vector<1x16xf32>,
      %swap3A_93 = vector.shape_cast %swap3A_92 : vector<1x16xf32> to vector<16xf32>
      %swap3A_94 = vector.shape_cast %broadcast_in_dim3A_89 : vector<16xf32> to vector<1x16xf32>
      tpu.vector_store %arg5[%swap3A_90, %swap3A_91], %swap3A_94 {strides = array<i32>} : memref<128x128xf32, #tpu.memory_space<vmem>>, vector<1x16xf32>,
    }
    %scan3A_9 = arith.constant 128 : i32
    %scan3A_10 = arith.constant 0 : i32
    %scan3A_11 = arith.constant 5 : i32
    %scan3A_12 = arith.addi %scan3A_10, %scan3A_11 : i32
    %scan3A_13 = arith.constant 1 : i32
    scf.for %scan3A_36 = %scan3A_10 to %scan3A_12 step %scan3A_13  : i32 {
      %mul3A_37 = arith.constant 1 : i32
      %mul3A_38 = arith.muli %scan3A_36, %mul3A_37 : i32
      %add3A_39 = arith.constant 0 : i32
      %add3A_40 = arith.addi %add3A_39, %mul3A_38 : i32
      %mul3A_41 = arith.constant 640 : i32
      %mul3A_42 = arith.muli %arg1, %mul3A_41 : i32
      %mul3A_43 = arith.constant 128 : i32
      %mul3A_44 = arith.muli %add3A_40, %mul3A_43 : i32
      %add3A_45 = arith.addi %mul3A_42, %mul3A_44 : i32
      "tpu.region"() ({
        %run_scoped3A = tpu.sem_alloc : memref<!tpu.dma_semaphore, #tpu.memory_space<semaphore_mem>>
        %dma_start3A_46 = arith.constant 0 : i32
        %dma_start3A_47 = tpu.memref_slice %arg7[%add3A_45, %dma_start3A_46] : memref<10240x128xf32, #tpu.memory_space<vmem_shared>> -> memref<128x128xf32, #tpu.memory_space<vmem_shared>>
        %dma_start3A_48 = arith.constant 0 : i32
        %dma_start3A_49 = tpu.memref_slice %arg7[%add3A_45, %dma_start3A_48] : memref<10240x128xf32, #tpu.memory_space<vmem_shared>> -> memref<128x128xf32, #tpu.memory_space<vmem_shared>>
        tpu.enqueue_dma source(%arg5 : memref<128x128xf32, #tpu.memory_space<vmem>>) target(%dma_start3A_49 : memref<128x128xf32, #tpu.memory_space<vmem_shared>>) target_semaphore(%run_scoped3A : memref<!tpu.dma_semaphore, #tpu.memory_space<semaphore_mem>>)
        %dma_wait3A_50 = arith.constant 0 : i32
        %dma_wait3A_51 = tpu.memref_slice %arg7[%add3A_45, %dma_wait3A_50] : memref<10240x128xf32, #tpu.memory_space<vmem_shared>> -> memref<128x128xf32, #tpu.memory_space<vmem_shared>>
        %dma_wait3A_52 = arith.constant 0 : i32
        %dma_wait3A_53 = tpu.memref_slice %arg7[%add3A_45, %dma_wait3A_52] : memref<10240x128xf32, #tpu.memory_space<vmem_shared>> -> memref<128x128xf32, #tpu.memory_space<vmem_shared>>
        tpu.wait_dma2 semaphore(%run_scoped3A : memref<!tpu.dma_semaphore, #tpu.memory_space<semaphore_mem>>) src(%arg5 : memref<128x128xf32, #tpu.memory_space<vmem>>) dst(%dma_wait3A_53 : memref<128x128xf32, #tpu.memory_space<vmem_shared>>)
        tpu.yield
      }) : () -> ()
    }
    %scan3A_14 = arith.constant 5 : i32
    %scan3A_15 = arith.constant 0 : i32
    %scan3A_16 = arith.constant 128 : i32
    %scan3A_17 = arith.addi %scan3A_15, %scan3A_16 : i32
    %scan3A_18 = arith.constant 1 : i32
    scf.for %scan3A_36 = %scan3A_15 to %scan3A_17 step %scan3A_18  : i32 {
      %mul3A_37 = arith.constant 1 : i32
      %mul3A_38 = arith.muli %scan3A_36, %mul3A_37 : i32
      %add3A_39 = arith.constant 0 : i32
      %add3A_40 = arith.addi %add3A_39, %mul3A_38 : i32
      %broadcast_in_dim3A = arith.constant 1.000000e+00 : f32
      %broadcast_in_dim3A_41 = vector.broadcast %broadcast_in_dim3A : f32 to vector<16xf32>
      %swap3A = arith.index_cast %add3A_40 : i32 to index
      %swap3A_42 = arith.constant 0 : index
      %swap3A_43 = tpu.vector_load %arg5[%swap3A, %swap3A_42] {strides = array<i32>} : memref<128x128xf32, #tpu.memory_space<vmem>>, vector<1x16xf32>,
      %swap3A_44 = vector.shape_cast %swap3A_43 : vector<1x16xf32> to vector<16xf32>
      %swap3A_45 = vector.shape_cast %broadcast_in_dim3A_41 : vector<16xf32> to vector<1x16xf32>
      tpu.vector_store %arg5[%swap3A, %swap3A_42], %swap3A_45 {strides = array<i32>} : memref<128x128xf32, #tpu.memory_space<vmem>>, vector<1x16xf32>,
      %broadcast_in_dim3A_46 = arith.constant 1.000000e+00 : f32
      %broadcast_in_dim3A_47 = vector.broadcast %broadcast_in_dim3A_46 : f32 to vector<16xf32>
      %swap3A_48 = arith.index_cast %add3A_40 : i32 to index
      %swap3A_49 = arith.constant 16 : index
      %swap3A_50 = tpu.vector_load %arg5[%swap3A_48, %swap3A_49] {strides = array<i32>} : memref<128x128xf32, #tpu.memory_space<vmem>>, vector<1x16xf32>,
      %swap3A_51 = vector.shape_cast %swap3A_50 : vector<1x16xf32> to vector<16xf32>
      %swap3A_52 = vector.shape_cast %broadcast_in_dim3A_47 : vector<16xf32> to vector<1x16xf32>
      tpu.vector_store %arg5[%swap3A_48, %swap3A_49], %swap3A_52 {strides = array<i32>} : memref<128x128xf32, #tpu.memory_space<vmem>>, vector<1x16xf32>,
      %broadcast_in_dim3A_53 = arith.constant 1.000000e+00 : f32
      %broadcast_in_dim3A_54 = vector.broadcast %broadcast_in_dim3A_53 : f32 to vector<16xf32>
      %swap3A_55 = arith.index_cast %add3A_40 : i32 to index
      %swap3A_56 = arith.constant 32 : index
      %swap3A_57 = tpu.vector_load %arg5[%swap3A_55, %swap3A_56] {strides = array<i32>} : memref<128x128xf32, #tpu.memory_space<vmem>>, vector<1x16xf32>,
      %swap3A_58 = vector.shape_cast %swap3A_57 : vector<1x16xf32> to vector<16xf32>
      %swap3A_59 = vector.shape_cast %broadcast_in_dim3A_54 : vector<16xf32> to vector<1x16xf32>
      tpu.vector_store %arg5[%swap3A_55, %swap3A_56], %swap3A_59 {strides = array<i32>} : memref<128x128xf32, #tpu.memory_space<vmem>>, vector<1x16xf32>,
      %broadcast_in_dim3A_60 = arith.constant 1.000000e+00 : f32
      %broadcast_in_dim3A_61 = vector.broadcast %broadcast_in_dim3A_60 : f32 to vector<16xf32>
      %swap3A_62 = arith.index_cast %add3A_40 : i32 to index
      %swap3A_63 = arith.constant 48 : index
      %swap3A_64 = tpu.vector_load %arg5[%swap3A_62, %swap3A_63] {strides = array<i32>} : memref<128x128xf32, #tpu.memory_space<vmem>>, vector<1x16xf32>,
      %swap3A_65 = vector.shape_cast %swap3A_64 : vector<1x16xf32> to vector<16xf32>
      %swap3A_66 = vector.shape_cast %broadcast_in_dim3A_61 : vector<16xf32> to vector<1x16xf32>
      tpu.vector_store %arg5[%swap3A_62, %swap3A_63], %swap3A_66 {strides = array<i32>} : memref<128x128xf32, #tpu.memory_space<vmem>>, vector<1x16xf32>,
      %broadcast_in_dim3A_67 = arith.constant 1.000000e+00 : f32
      %broadcast_in_dim3A_68 = vector.broadcast %broadcast_in_dim3A_67 : f32 to vector<16xf32>
      %swap3A_69 = arith.index_cast %add3A_40 : i32 to index
      %swap3A_70 = arith.constant 64 : index
      %swap3A_71 = tpu.vector_load %arg5[%swap3A_69, %swap3A_70] {strides = array<i32>} : memref<128x128xf32, #tpu.memory_space<vmem>>, vector<1x16xf32>,
      %swap3A_72 = vector.shape_cast %swap3A_71 : vector<1x16xf32> to vector<16xf32>
      %swap3A_73 = vector.shape_cast %broadcast_in_dim3A_68 : vector<16xf32> to vector<1x16xf32>
      tpu.vector_store %arg5[%swap3A_69, %swap3A_70], %swap3A_73 {strides = array<i32>} : memref<128x128xf32, #tpu.memory_space<vmem>>, vector<1x16xf32>,
      %broadcast_in_dim3A_74 = arith.constant 1.000000e+00 : f32
      %broadcast_in_dim3A_75 = vector.broadcast %broadcast_in_dim3A_74 : f32 to vector<16xf32>
      %swap3A_76 = arith.index_cast %add3A_40 : i32 to index
      %swap3A_77 = arith.constant 80 : index
      %swap3A_78 = tpu.vector_load %arg5[%swap3A_76, %swap3A_77] {strides = array<i32>} : memref<128x128xf32, #tpu.memory_space<vmem>>, vector<1x16xf32>,
      %swap3A_79 = vector.shape_cast %swap3A_78 : vector<1x16xf32> to vector<16xf32>
      %swap3A_80 = vector.shape_cast %broadcast_in_dim3A_75 : vector<16xf32> to vector<1x16xf32>
      tpu.vector_store %arg5[%swap3A_76, %swap3A_77], %swap3A_80 {strides = array<i32>} : memref<128x128xf32, #tpu.memory_space<vmem>>, vector<1x16xf32>,
      %broadcast_in_dim3A_81 = arith.constant 1.000000e+00 : f32
      %broadcast_in_dim3A_82 = vector.broadcast %broadcast_in_dim3A_81 : f32 to vector<16xf32>
      %swap3A_83 = arith.index_cast %add3A_40 : i32 to index
      %swap3A_84 = arith.constant 96 : index
      %swap3A_85 = tpu.vector_load %arg5[%swap3A_83, %swap3A_84] {strides = array<i32>} : memref<128x128xf32, #tpu.memory_space<vmem>>, vector<1x16xf32>,
      %swap3A_86 = vector.shape_cast %swap3A_85 : vector<1x16xf32> to vector<16xf32>
      %swap3A_87 = vector.shape_cast %broadcast_in_dim3A_82 : vector<16xf32> to vector<1x16xf32>
      tpu.vector_store %arg5[%swap3A_83, %swap3A_84], %swap3A_87 {strides = array<i32>} : memref<128x128xf32, #tpu.memory_space<vmem>>, vector<1x16xf32>,
      %broadcast_in_dim3A_88 = arith.constant 1.000000e+00 : f32
      %broadcast_in_dim3A_89 = vector.broadcast %broadcast_in_dim3A_88 : f32 to vector<16xf32>
      %swap3A_90 = arith.index_cast %add3A_40 : i32 to index
      %swap3A_91 = arith.constant 112 : index
      %swap3A_92 = tpu.vector_load %arg5[%swap3A_90, %swap3A_91] {strides = array<i32>} : memref<128x128xf32, #tpu.memory_space<vmem>>, vector<1x16xf32>,
      %swap3A_93 = vector.shape_cast %swap3A_92 : vector<1x16xf32> to vector<16xf32>
      %swap3A_94 = vector.shape_cast %broadcast_in_dim3A_89 : vector<16xf32> to vector<1x16xf32>
      tpu.vector_store %arg5[%swap3A_90, %swap3A_91], %swap3A_94 {strides = array<i32>} : memref<128x128xf32, #tpu.memory_space<vmem>>, vector<1x16xf32>,
    }
    %scan3A_19 = arith.constant 128 : i32
    %dma_wait3A = arith.constant 0 : i32
    %dma_wait3A_20 = tpu.memref_slice %arg2[%mul3A_2, %dma_wait3A] : memref<2560x128xi32, #tpu.memory_space<hbm>> -> memref<80x128xi32, #tpu.memory_space<hbm>>
    %dma_wait3A_21 = arith.constant 0 : i32
    %dma_wait3A_22 = tpu.memref_slice %arg2[%mul3A_2, %dma_wait3A_21] : memref<2560x128xi32, #tpu.memory_space<hbm>> -> memref<80x128xi32, #tpu.memory_space<hbm>>
    tpu.wait_dma2 semaphore(%arg8 : memref<!tpu.dma_semaphore, #tpu.memory_space<semaphore_mem>>) src(%dma_wait3A_22 : memref<80x128xi32, #tpu.memory_space<hbm>>) dst(%arg4 : memref<80x128xi32, #tpu.memory_space<vmem>>)
    %barrier3A = arith.constant 0 : index
    tpu.barrier barrier_id(%barrier3A)
    %scan3A_23 = arith.constant 0 : i32
    %scan3A_24 = arith.constant 80 : i32
    %scan3A_25 = arith.addi %scan3A_23, %scan3A_24 : i32
    %scan3A_26 = arith.constant 1 : i32
    scf.for %scan3A_36 = %scan3A_23 to %scan3A_25 step %scan3A_26  : i32 {
      %mul3A_37 = arith.constant 1 : i32
      %mul3A_38 = arith.muli %scan3A_36, %mul3A_37 : i32
      %add3A_39 = arith.constant 0 : i32
      %add3A_40 = arith.addi %add3A_39, %mul3A_38 : i32
      %get3A = arith.index_cast %add3A_40 : i32 to index
      %get3A_41 = arith.constant 0 : index
      %get3A_42 = tpu.vector_load %arg4[%get3A, %get3A_41] {strides = array<i32>} : memref<80x128xi32, #tpu.memory_space<vmem>>, vector<1x16xi32>,
      %get3A_43 = vector.shape_cast %get3A_42 : vector<1x16xi32> to vector<16xi32>
      %shift_right_logical3A = arith.constant 14 : i32
      %shift_right_logical3A_44 = vector.broadcast %shift_right_logical3A : i32 to vector<16xi32>
      %shift_right_logical3A_45 = arith.shrui %get3A_43, %shift_right_logical3A_44 : vector<16xi32>
      %swap3A = arith.constant 0 : index
      %swap3A_46 = tpu.vector_load %arg6[%swap3A] {strides = array<i32>} : memref<128xi32, #tpu.memory_space<vmem>>, vector<16xi32>,
      %swap3A_47 = vector.shape_cast %swap3A_46 : vector<16xi32> to vector<16xi32>
      %swap3A_48 = vector.shape_cast %shift_right_logical3A_45 : vector<16xi32> to vector<16xi32>
      tpu.vector_store %arg6[%swap3A], %swap3A_48 {strides = array<i32>} : memref<128xi32, #tpu.memory_space<vmem>>, vector<16xi32>,
      %get3A_49 = arith.index_cast %add3A_40 : i32 to index
      %get3A_50 = arith.constant 16 : index
      %get3A_51 = tpu.vector_load %arg4[%get3A_49, %get3A_50] {strides = array<i32>} : memref<80x128xi32, #tpu.memory_space<vmem>>, vector<1x16xi32>,
      %get3A_52 = vector.shape_cast %get3A_51 : vector<1x16xi32> to vector<16xi32>
      %shift_right_logical3A_53 = arith.constant 14 : i32
      %shift_right_logical3A_54 = vector.broadcast %shift_right_logical3A_53 : i32 to vector<16xi32>
      %shift_right_logical3A_55 = arith.shrui %get3A_52, %shift_right_logical3A_54 : vector<16xi32>
      %swap3A_56 = arith.constant 16 : index
      %swap3A_57 = tpu.vector_load %arg6[%swap3A_56] {strides = array<i32>} : memref<128xi32, #tpu.memory_space<vmem>>, vector<16xi32>,
      %swap3A_58 = vector.shape_cast %swap3A_57 : vector<16xi32> to vector<16xi32>
      %swap3A_59 = vector.shape_cast %shift_right_logical3A_55 : vector<16xi32> to vector<16xi32>
      tpu.vector_store %arg6[%swap3A_56], %swap3A_59 {strides = array<i32>} : memref<128xi32, #tpu.memory_space<vmem>>, vector<16xi32>,
      %get3A_60 = arith.index_cast %add3A_40 : i32 to index
      %get3A_61 = arith.constant 32 : index
      %get3A_62 = tpu.vector_load %arg4[%get3A_60, %get3A_61] {strides = array<i32>} : memref<80x128xi32, #tpu.memory_space<vmem>>, vector<1x16xi32>,
      %get3A_63 = vector.shape_cast %get3A_62 : vector<1x16xi32> to vector<16xi32>
      %shift_right_logical3A_64 = arith.constant 14 : i32
      %shift_right_logical3A_65 = vector.broadcast %shift_right_logical3A_64 : i32 to vector<16xi32>
      %shift_right_logical3A_66 = arith.shrui %get3A_63, %shift_right_logical3A_65 : vector<16xi32>
      %swap3A_67 = arith.constant 32 : index
      %swap3A_68 = tpu.vector_load %arg6[%swap3A_67] {strides = array<i32>} : memref<128xi32, #tpu.memory_space<vmem>>, vector<16xi32>,
      %swap3A_69 = vector.shape_cast %swap3A_68 : vector<16xi32> to vector<16xi32>
      %swap3A_70 = vector.shape_cast %shift_right_logical3A_66 : vector<16xi32> to vector<16xi32>
      tpu.vector_store %arg6[%swap3A_67], %swap3A_70 {strides = array<i32>} : memref<128xi32, #tpu.memory_space<vmem>>, vector<16xi32>,
      %get3A_71 = arith.index_cast %add3A_40 : i32 to index
      %get3A_72 = arith.constant 48 : index
      %get3A_73 = tpu.vector_load %arg4[%get3A_71, %get3A_72] {strides = array<i32>} : memref<80x128xi32, #tpu.memory_space<vmem>>, vector<1x16xi32>,
      %get3A_74 = vector.shape_cast %get3A_73 : vector<1x16xi32> to vector<16xi32>
      %shift_right_logical3A_75 = arith.constant 14 : i32
      %shift_right_logical3A_76 = vector.broadcast %shift_right_logical3A_75 : i32 to vector<16xi32>
      %shift_right_logical3A_77 = arith.shrui %get3A_74, %shift_right_logical3A_76 : vector<16xi32>
      %swap3A_78 = arith.constant 48 : index
      %swap3A_79 = tpu.vector_load %arg6[%swap3A_78] {strides = array<i32>} : memref<128xi32, #tpu.memory_space<vmem>>, vector<16xi32>,
      %swap3A_80 = vector.shape_cast %swap3A_79 : vector<16xi32> to vector<16xi32>
      %swap3A_81 = vector.shape_cast %shift_right_logical3A_77 : vector<16xi32> to vector<16xi32>
      tpu.vector_store %arg6[%swap3A_78], %swap3A_81 {strides = array<i32>} : memref<128xi32, #tpu.memory_space<vmem>>, vector<16xi32>,
      %get3A_82 = arith.index_cast %add3A_40 : i32 to index
      %get3A_83 = arith.constant 64 : index
      %get3A_84 = tpu.vector_load %arg4[%get3A_82, %get3A_83] {strides = array<i32>} : memref<80x128xi32, #tpu.memory_space<vmem>>, vector<1x16xi32>,
      %get3A_85 = vector.shape_cast %get3A_84 : vector<1x16xi32> to vector<16xi32>
      %shift_right_logical3A_86 = arith.constant 14 : i32
      %shift_right_logical3A_87 = vector.broadcast %shift_right_logical3A_86 : i32 to vector<16xi32>
      %shift_right_logical3A_88 = arith.shrui %get3A_85, %shift_right_logical3A_87 : vector<16xi32>
      %swap3A_89 = arith.constant 64 : index
      %swap3A_90 = tpu.vector_load %arg6[%swap3A_89] {strides = array<i32>} : memref<128xi32, #tpu.memory_space<vmem>>, vector<16xi32>,
      %swap3A_91 = vector.shape_cast %swap3A_90 : vector<16xi32> to vector<16xi32>
      %swap3A_92 = vector.shape_cast %shift_right_logical3A_88 : vector<16xi32> to vector<16xi32>
      tpu.vector_store %arg6[%swap3A_89], %swap3A_92 {strides = array<i32>} : memref<128xi32, #tpu.memory_space<vmem>>, vector<16xi32>,
      %get3A_93 = arith.index_cast %add3A_40 : i32 to index
      %get3A_94 = arith.constant 80 : index
      %get3A_95 = tpu.vector_load %arg4[%get3A_93, %get3A_94] {strides = array<i32>} : memref<80x128xi32, #tpu.memory_space<vmem>>, vector<1x16xi32>,
      %get3A_96 = vector.shape_cast %get3A_95 : vector<1x16xi32> to vector<16xi32>
      %shift_right_logical3A_97 = arith.constant 14 : i32
      %shift_right_logical3A_98 = vector.broadcast %shift_right_logical3A_97 : i32 to vector<16xi32>
      %shift_right_logical3A_99 = arith.shrui %get3A_96, %shift_right_logical3A_98 : vector<16xi32>
      %swap3A_100 = arith.constant 80 : index
      %swap3A_101 = tpu.vector_load %arg6[%swap3A_100] {strides = array<i32>} : memref<128xi32, #tpu.memory_space<vmem>>, vector<16xi32>,
      %swap3A_102 = vector.shape_cast %swap3A_101 : vector<16xi32> to vector<16xi32>
      %swap3A_103 = vector.shape_cast %shift_right_logical3A_99 : vector<16xi32> to vector<16xi32>
      tpu.vector_store %arg6[%swap3A_100], %swap3A_103 {strides = array<i32>} : memref<128xi32, #tpu.memory_space<vmem>>, vector<16xi32>,
      %get3A_104 = arith.index_cast %add3A_40 : i32 to index
      %get3A_105 = arith.constant 96 : index
      %get3A_106 = tpu.vector_load %arg4[%get3A_104, %get3A_105] {strides = array<i32>} : memref<80x128xi32, #tpu.memory_space<vmem>>, vector<1x16xi32>,
      %get3A_107 = vector.shape_cast %get3A_106 : vector<1x16xi32> to vector<16xi32>
      %shift_right_logical3A_108 = arith.constant 14 : i32
      %shift_right_logical3A_109 = vector.broadcast %shift_right_logical3A_108 : i32 to vector<16xi32>
      %shift_right_logical3A_110 = arith.shrui %get3A_107, %shift_right_logical3A_109 : vector<16xi32>
      %swap3A_111 = arith.constant 96 : index
      %swap3A_112 = tpu.vector_load %arg6[%swap3A_111] {strides = array<i32>} : memref<128xi32, #tpu.memory_space<vmem>>, vector<16xi32>,
      %swap3A_113 = vector.shape_cast %swap3A_112 : vector<16xi32> to vector<16xi32>
      %swap3A_114 = vector.shape_cast %shift_right_logical3A_110 : vector<16xi32> to vector<16xi32>
      tpu.vector_store %arg6[%swap3A_111], %swap3A_114 {strides = array<i32>} : memref<128xi32, #tpu.memory_space<vmem>>, vector<16xi32>,
      %get3A_115 = arith.index_cast %add3A_40 : i32 to index
      %get3A_116 = arith.constant 112 : index
      %get3A_117 = tpu.vector_load %arg4[%get3A_115, %get3A_116] {strides = array<i32>} : memref<80x128xi32, #tpu.memory_space<vmem>>, vector<1x16xi32>,
      %get3A_118 = vector.shape_cast %get3A_117 : vector<1x16xi32> to vector<16xi32>
      %shift_right_logical3A_119 = arith.constant 14 : i32
      %shift_right_logical3A_120 = vector.broadcast %shift_right_logical3A_119 : i32 to vector<16xi32>
      %shift_right_logical3A_121 = arith.shrui %get3A_118, %shift_right_logical3A_120 : vector<16xi32>
      %swap3A_122 = arith.constant 112 : index
      %swap3A_123 = tpu.vector_load %arg6[%swap3A_122] {strides = array<i32>} : memref<128xi32, #tpu.memory_space<vmem>>, vector<16xi32>,
      %swap3A_124 = vector.shape_cast %swap3A_123 : vector<16xi32> to vector<16xi32>
      %swap3A_125 = vector.shape_cast %shift_right_logical3A_121 : vector<16xi32> to vector<16xi32>
      tpu.vector_store %arg6[%swap3A_122], %swap3A_125 {strides = array<i32>} : memref<128xi32, #tpu.memory_space<vmem>>, vector<16xi32>,
      "tpu.region"() ({
        %run_scoped3A = tpu.sem_alloc : memref<!tpu.dma_semaphore, #tpu.memory_space<semaphore_mem>>
        %dma_start3A_126 = arith.constant 0 : i32
        %dma_start3A_127 = arith.constant 0 : i32
        %dma_start3A_128 = tpu.memref_slice %arg7[%dma_start3A_126, %dma_start3A_127] : memref<10240x128xf32, #tpu.memory_space<vmem_shared>> -> memref<10240x128xf32, #tpu.memory_space<vmem_shared>>
        tpu.enqueue_indirect_dma source(%arg5 : memref<128x128xf32, #tpu.memory_space<vmem>>) target(%dma_start3A_128 : memref<10240x128xf32, #tpu.memory_space<vmem_shared>>) offsets(%arg6 : memref<128xi32, #tpu.memory_space<vmem>>) semaphore(%run_scoped3A : memref<!tpu.dma_semaphore, #tpu.memory_space<semaphore_mem>>) {add = true}
        %dma_wait3A_129 = arith.constant 0 : i32
        %dma_wait3A_130 = arith.constant 0 : i32
        %dma_wait3A_131 = tpu.memref_slice %arg7[%dma_wait3A_129, %dma_wait3A_130] : memref<10240x128xf32, #tpu.memory_space<vmem_shared>> -> memref<10240x128xf32, #tpu.memory_space<vmem_shared>>
        tpu.wait_indirect_dma semaphore(%run_scoped3A : memref<!tpu.dma_semaphore, #tpu.memory_space<semaphore_mem>>) src(%arg5 : memref<128x128xf32, #tpu.memory_space<vmem>>) dst(%dma_wait3A_131 : memref<10240x128xf32, #tpu.memory_space<vmem_shared>>)
        tpu.yield
      }) : () -> ()
    }
    %scan3A_27 = arith.constant 80 : i32
    %barrier3A_28 = arith.constant 0 : index
    tpu.barrier barrier_id(%barrier3A_28)
    %mul3A_29 = arith.constant 640 : i32
    %mul3A_30 = arith.muli %arg1, %mul3A_29 : i32
    %mul3A_31 = arith.constant 10240 : i32
    %mul3A_32 = arith.muli %arg0, %mul3A_31 : i32
    %mul3A_33 = arith.constant 640 : i32
    %mul3A_34 = arith.muli %arg1, %mul3A_33 : i32
    %add3A_35 = arith.addi %mul3A_32, %mul3A_34 : i32
    "tpu.region"() ({
      %run_scoped3A = tpu.sem_alloc : memref<!tpu.dma_semaphore, #tpu.memory_space<semaphore_mem>>
      %dma_start3A_36 = arith.constant 0 : i32
      %dma_start3A_37 = tpu.memref_slice %arg3[%add3A_35, %dma_start3A_36] : memref<20480x128xf32, #tpu.memory_space<hbm>> -> memref<640x128xf32, #tpu.memory_space<hbm>>
      %dma_start3A_38 = arith.constant 0 : i32
      %dma_start3A_39 = tpu.memref_slice %arg7[%mul3A_30, %dma_start3A_38] : memref<10240x128xf32, #tpu.memory_space<vmem_shared>> -> memref<640x128xf32, #tpu.memory_space<vmem_shared>>
      tpu.enqueue_dma source(%dma_start3A_39 : memref<640x128xf32, #tpu.memory_space<vmem_shared>>) target(%dma_start3A_37 : memref<640x128xf32, #tpu.memory_space<hbm>>) target_semaphore(%run_scoped3A : memref<!tpu.dma_semaphore, #tpu.memory_space<semaphore_mem>>)
      %dma_wait3A_40 = arith.constant 0 : i32
      %dma_wait3A_41 = tpu.memref_slice %arg3[%add3A_35, %dma_wait3A_40] : memref<20480x128xf32, #tpu.memory_space<hbm>> -> memref<640x128xf32, #tpu.memory_space<hbm>>
      %dma_wait3A_42 = arith.constant 0 : i32
      %dma_wait3A_43 = tpu.memref_slice %arg7[%mul3A_30, %dma_wait3A_42] : memref<10240x128xf32, #tpu.memory_space<vmem_shared>> -> memref<640x128xf32, #tpu.memory_space<vmem_shared>>
      tpu.wait_dma2 semaphore(%run_scoped3A : memref<!tpu.dma_semaphore, #tpu.memory_space<semaphore_mem>>) src(%dma_wait3A_43 : memref<640x128xf32, #tpu.memory_space<vmem_shared>>) dst(%dma_wait3A_41 : memref<640x128xf32, #tpu.memory_space<hbm>>)
      tpu.yield
    }) : () -> ()
    return
  }
}

#map = affine_map<(d0, d1) -> (0, 0)>
module attributes {stable_mosaic.version = 14 : i64} {
  func.func @_prop_body(%arg0: i32, %arg1: i32, %arg2: memref<10240x128xf32, #tpu.memory_space<hbm>>, %arg3: memref<2560x128xi32, #tpu.memory_space<hbm>>, %arg4: memref<20480x128xf32, #tpu.memory_space<hbm>>, %arg5: memref<80x128xi32, #tpu.memory_space<vmem>>, %arg6: memref<128xi32, #tpu.memory_space<vmem>>, %arg7: memref<128xi32, #tpu.memory_space<vmem>>, %arg8: memref<128xi32, #tpu.memory_space<vmem>>, %arg9: memref<128xi32, #tpu.memory_space<vmem>>, %arg10: memref<128x128xf32, #tpu.memory_space<vmem>>, %arg11: memref<128x128xf32, #tpu.memory_space<vmem>>, %arg12: memref<10240x128xf32, #tpu.memory_space<vmem_shared>>, %arg13: memref<!tpu.dma_semaphore, #tpu.memory_space<semaphore_mem>>, %arg14: memref<!tpu.dma_semaphore, #tpu.memory_space<semaphore_mem>>) attributes {dimension_semantics = [#tpu.dimension_semantics<core_parallel>, #tpu.dimension_semantics<subcore_parallel>], iteration_bounds = array<i64: 2, 16>, scalar_prefetch = 0 : i64, scratch_operands = 10 : i64, tpu.core_type = #tpu.core_type<sc_vector_subcore>, window_params = [{transform_indices = #map}, {transform_indices = #map}, {transform_indices = #map}]} {
    %mul3A = arith.constant 16 : i32
    %mul3A_0 = arith.muli %arg0, %mul3A : i32
    %add3A = arith.addi %mul3A_0, %arg1 : i32
    %mul3A_1 = arith.constant 80 : i32
    %mul3A_2 = arith.muli %add3A, %mul3A_1 : i32
    %dma_start3A = arith.constant 0 : i32
    %dma_start3A_3 = tpu.memref_slice %arg3[%mul3A_2, %dma_start3A] : memref<2560x128xi32, #tpu.memory_space<hbm>> -> memref<80x128xi32, #tpu.memory_space<hbm>>
    %dma_start3A_4 = arith.constant 0 : i32
    %dma_start3A_5 = tpu.memref_slice %arg3[%mul3A_2, %dma_start3A_4] : memref<2560x128xi32, #tpu.memory_space<hbm>> -> memref<80x128xi32, #tpu.memory_space<hbm>>
    tpu.enqueue_dma source(%dma_start3A_5 : memref<80x128xi32, #tpu.memory_space<hbm>>) target(%arg5 : memref<80x128xi32, #tpu.memory_space<vmem>>) target_semaphore(%arg14 : memref<!tpu.dma_semaphore, #tpu.memory_space<semaphore_mem>>)
    %scan3A = arith.constant 0 : i32
    %scan3A_6 = arith.constant 128 : i32
    %scan3A_7 = arith.addi %scan3A, %scan3A_6 : i32
    %scan3A_8 = arith.constant 1 : i32
    scf.for %scan3A_185 = %scan3A to %scan3A_7 step %scan3A_8  : i32 {
      %mul3A_186 = arith.constant 1 : i32
      %mul3A_187 = arith.muli %scan3A_185, %mul3A_186 : i32
      %add3A_188 = arith.constant 0 : i32
      %add3A_189 = arith.addi %add3A_188, %mul3A_187 : i32
      %broadcast_in_dim3A = arith.constant 0.000000e+00 : f32
      %broadcast_in_dim3A_190 = vector.broadcast %broadcast_in_dim3A : f32 to vector<16xf32>
      %swap3A_191 = arith.index_cast %add3A_189 : i32 to index
      %swap3A_192 = arith.constant 0 : index
      %swap3A_193 = tpu.vector_load %arg10[%swap3A_191, %swap3A_192] {strides = array<i32>} : memref<128x128xf32, #tpu.memory_space<vmem>>, vector<1x16xf32>,
      %swap3A_194 = vector.shape_cast %swap3A_193 : vector<1x16xf32> to vector<16xf32>
      %swap3A_195 = vector.shape_cast %broadcast_in_dim3A_190 : vector<16xf32> to vector<1x16xf32>
      tpu.vector_store %arg10[%swap3A_191, %swap3A_192], %swap3A_195 {strides = array<i32>} : memref<128x128xf32, #tpu.memory_space<vmem>>, vector<1x16xf32>,
      %broadcast_in_dim3A_196 = arith.constant 0.000000e+00 : f32
      %broadcast_in_dim3A_197 = vector.broadcast %broadcast_in_dim3A_196 : f32 to vector<16xf32>
      %swap3A_198 = arith.index_cast %add3A_189 : i32 to index
      %swap3A_199 = arith.constant 16 : index
      %swap3A_200 = tpu.vector_load %arg10[%swap3A_198, %swap3A_199] {strides = array<i32>} : memref<128x128xf32, #tpu.memory_space<vmem>>, vector<1x16xf32>,
      %swap3A_201 = vector.shape_cast %swap3A_200 : vector<1x16xf32> to vector<16xf32>
      %swap3A_202 = vector.shape_cast %broadcast_in_dim3A_197 : vector<16xf32> to vector<1x16xf32>
      tpu.vector_store %arg10[%swap3A_198, %swap3A_199], %swap3A_202 {strides = array<i32>} : memref<128x128xf32, #tpu.memory_space<vmem>>, vector<1x16xf32>,
      %broadcast_in_dim3A_203 = arith.constant 0.000000e+00 : f32
      %broadcast_in_dim3A_204 = vector.broadcast %broadcast_in_dim3A_203 : f32 to vector<16xf32>
      %swap3A_205 = arith.index_cast %add3A_189 : i32 to index
      %swap3A_206 = arith.constant 32 : index
      %swap3A_207 = tpu.vector_load %arg10[%swap3A_205, %swap3A_206] {strides = array<i32>} : memref<128x128xf32, #tpu.memory_space<vmem>>, vector<1x16xf32>,
      %swap3A_208 = vector.shape_cast %swap3A_207 : vector<1x16xf32> to vector<16xf32>
      %swap3A_209 = vector.shape_cast %broadcast_in_dim3A_204 : vector<16xf32> to vector<1x16xf32>
      tpu.vector_store %arg10[%swap3A_205, %swap3A_206], %swap3A_209 {strides = array<i32>} : memref<128x128xf32, #tpu.memory_space<vmem>>, vector<1x16xf32>,
      %broadcast_in_dim3A_210 = arith.constant 0.000000e+00 : f32
      %broadcast_in_dim3A_211 = vector.broadcast %broadcast_in_dim3A_210 : f32 to vector<16xf32>
      %swap3A_212 = arith.index_cast %add3A_189 : i32 to index
      %swap3A_213 = arith.constant 48 : index
      %swap3A_214 = tpu.vector_load %arg10[%swap3A_212, %swap3A_213] {strides = array<i32>} : memref<128x128xf32, #tpu.memory_space<vmem>>, vector<1x16xf32>,
      %swap3A_215 = vector.shape_cast %swap3A_214 : vector<1x16xf32> to vector<16xf32>
      %swap3A_216 = vector.shape_cast %broadcast_in_dim3A_211 : vector<16xf32> to vector<1x16xf32>
      tpu.vector_store %arg10[%swap3A_212, %swap3A_213], %swap3A_216 {strides = array<i32>} : memref<128x128xf32, #tpu.memory_space<vmem>>, vector<1x16xf32>,
      %broadcast_in_dim3A_217 = arith.constant 0.000000e+00 : f32
      %broadcast_in_dim3A_218 = vector.broadcast %broadcast_in_dim3A_217 : f32 to vector<16xf32>
      %swap3A_219 = arith.index_cast %add3A_189 : i32 to index
      %swap3A_220 = arith.constant 64 : index
      %swap3A_221 = tpu.vector_load %arg10[%swap3A_219, %swap3A_220] {strides = array<i32>} : memref<128x128xf32, #tpu.memory_space<vmem>>, vector<1x16xf32>,
      %swap3A_222 = vector.shape_cast %swap3A_221 : vector<1x16xf32> to vector<16xf32>
      %swap3A_223 = vector.shape_cast %broadcast_in_dim3A_218 : vector<16xf32> to vector<1x16xf32>
      tpu.vector_store %arg10[%swap3A_219, %swap3A_220], %swap3A_223 {strides = array<i32>} : memref<128x128xf32, #tpu.memory_space<vmem>>, vector<1x16xf32>,
      %broadcast_in_dim3A_224 = arith.constant 0.000000e+00 : f32
      %broadcast_in_dim3A_225 = vector.broadcast %broadcast_in_dim3A_224 : f32 to vector<16xf32>
      %swap3A_226 = arith.index_cast %add3A_189 : i32 to index
      %swap3A_227 = arith.constant 80 : index
      %swap3A_228 = tpu.vector_load %arg10[%swap3A_226, %swap3A_227] {strides = array<i32>} : memref<128x128xf32, #tpu.memory_space<vmem>>, vector<1x16xf32>,
      %swap3A_229 = vector.shape_cast %swap3A_228 : vector<1x16xf32> to vector<16xf32>
      %swap3A_230 = vector.shape_cast %broadcast_in_dim3A_225 : vector<16xf32> to vector<1x16xf32>
      tpu.vector_store %arg10[%swap3A_226, %swap3A_227], %swap3A_230 {strides = array<i32>} : memref<128x128xf32, #tpu.memory_space<vmem>>, vector<1x16xf32>,
      %broadcast_in_dim3A_231 = arith.constant 0.000000e+00 : f32
      %broadcast_in_dim3A_232 = vector.broadcast %broadcast_in_dim3A_231 : f32 to vector<16xf32>
      %swap3A_233 = arith.index_cast %add3A_189 : i32 to index
      %swap3A_234 = arith.constant 96 : index
      %swap3A_235 = tpu.vector_load %arg10[%swap3A_233, %swap3A_234] {strides = array<i32>} : memref<128x128xf32, #tpu.memory_space<vmem>>, vector<1x16xf32>,
      %swap3A_236 = vector.shape_cast %swap3A_235 : vector<1x16xf32> to vector<16xf32>
      %swap3A_237 = vector.shape_cast %broadcast_in_dim3A_232 : vector<16xf32> to vector<1x16xf32>
      tpu.vector_store %arg10[%swap3A_233, %swap3A_234], %swap3A_237 {strides = array<i32>} : memref<128x128xf32, #tpu.memory_space<vmem>>, vector<1x16xf32>,
      %broadcast_in_dim3A_238 = arith.constant 0.000000e+00 : f32
      %broadcast_in_dim3A_239 = vector.broadcast %broadcast_in_dim3A_238 : f32 to vector<16xf32>
      %swap3A_240 = arith.index_cast %add3A_189 : i32 to index
      %swap3A_241 = arith.constant 112 : index
      %swap3A_242 = tpu.vector_load %arg10[%swap3A_240, %swap3A_241] {strides = array<i32>} : memref<128x128xf32, #tpu.memory_space<vmem>>, vector<1x16xf32>,
      %swap3A_243 = vector.shape_cast %swap3A_242 : vector<1x16xf32> to vector<16xf32>
      %swap3A_244 = vector.shape_cast %broadcast_in_dim3A_239 : vector<16xf32> to vector<1x16xf32>
      tpu.vector_store %arg10[%swap3A_240, %swap3A_241], %swap3A_244 {strides = array<i32>} : memref<128x128xf32, #tpu.memory_space<vmem>>, vector<1x16xf32>,
    }
    %scan3A_9 = arith.constant 128 : i32
    %scan3A_10 = arith.constant 0 : i32
    %scan3A_11 = arith.constant 5 : i32
    %scan3A_12 = arith.addi %scan3A_10, %scan3A_11 : i32
    %scan3A_13 = arith.constant 1 : i32
    scf.for %scan3A_185 = %scan3A_10 to %scan3A_12 step %scan3A_13  : i32 {
      %mul3A_186 = arith.constant 1 : i32
      %mul3A_187 = arith.muli %scan3A_185, %mul3A_186 : i32
      %add3A_188 = arith.constant 0 : i32
      %add3A_189 = arith.addi %add3A_188, %mul3A_187 : i32
      %mul3A_190 = arith.constant 640 : i32
      %mul3A_191 = arith.muli %arg1, %mul3A_190 : i32
      %mul3A_192 = arith.constant 128 : i32
      %mul3A_193 = arith.muli %add3A_189, %mul3A_192 : i32
      %add3A_194 = arith.addi %mul3A_191, %mul3A_193 : i32
      "tpu.region"() ({
        %run_scoped3A = tpu.sem_alloc : memref<!tpu.dma_semaphore, #tpu.memory_space<semaphore_mem>>
        %dma_start3A_195 = arith.constant 0 : i32
        %dma_start3A_196 = tpu.memref_slice %arg12[%add3A_194, %dma_start3A_195] : memref<10240x128xf32, #tpu.memory_space<vmem_shared>> -> memref<128x128xf32, #tpu.memory_space<vmem_shared>>
        %dma_start3A_197 = arith.constant 0 : i32
        %dma_start3A_198 = tpu.memref_slice %arg12[%add3A_194, %dma_start3A_197] : memref<10240x128xf32, #tpu.memory_space<vmem_shared>> -> memref<128x128xf32, #tpu.memory_space<vmem_shared>>
        tpu.enqueue_dma source(%arg10 : memref<128x128xf32, #tpu.memory_space<vmem>>) target(%dma_start3A_198 : memref<128x128xf32, #tpu.memory_space<vmem_shared>>) target_semaphore(%run_scoped3A : memref<!tpu.dma_semaphore, #tpu.memory_space<semaphore_mem>>)
        %dma_wait3A_199 = arith.constant 0 : i32
        %dma_wait3A_200 = tpu.memref_slice %arg12[%add3A_194, %dma_wait3A_199] : memref<10240x128xf32, #tpu.memory_space<vmem_shared>> -> memref<128x128xf32, #tpu.memory_space<vmem_shared>>
        %dma_wait3A_201 = arith.constant 0 : i32
        %dma_wait3A_202 = tpu.memref_slice %arg12[%add3A_194, %dma_wait3A_201] : memref<10240x128xf32, #tpu.memory_space<vmem_shared>> -> memref<128x128xf32, #tpu.memory_space<vmem_shared>>
        tpu.wait_dma2 semaphore(%run_scoped3A : memref<!tpu.dma_semaphore, #tpu.memory_space<semaphore_mem>>) src(%arg10 : memref<128x128xf32, #tpu.memory_space<vmem>>) dst(%dma_wait3A_202 : memref<128x128xf32, #tpu.memory_space<vmem_shared>>)
        tpu.yield
      }) : () -> ()
    }
    %scan3A_14 = arith.constant 5 : i32
    %dma_wait3A = arith.constant 0 : i32
    %dma_wait3A_15 = tpu.memref_slice %arg3[%mul3A_2, %dma_wait3A] : memref<2560x128xi32, #tpu.memory_space<hbm>> -> memref<80x128xi32, #tpu.memory_space<hbm>>
    %dma_wait3A_16 = arith.constant 0 : i32
    %dma_wait3A_17 = tpu.memref_slice %arg3[%mul3A_2, %dma_wait3A_16] : memref<2560x128xi32, #tpu.memory_space<hbm>> -> memref<80x128xi32, #tpu.memory_space<hbm>>
    tpu.wait_dma2 semaphore(%arg14 : memref<!tpu.dma_semaphore, #tpu.memory_space<semaphore_mem>>) src(%dma_wait3A_17 : memref<80x128xi32, #tpu.memory_space<hbm>>) dst(%arg5 : memref<80x128xi32, #tpu.memory_space<vmem>>)
    %get3A = arith.constant 0 : i32
    %get3A_18 = arith.index_cast %get3A : i32 to index
    %get3A_19 = arith.constant 0 : index
    %get3A_20 = tpu.vector_load %arg5[%get3A_18, %get3A_19] {strides = array<i32>} : memref<80x128xi32, #tpu.memory_space<vmem>>, vector<1x16xi32>,
    %get3A_21 = vector.shape_cast %get3A_20 : vector<1x16xi32> to vector<16xi32>
    %and3A = arith.constant 16383 : i32
    %and3A_22 = vector.broadcast %and3A : i32 to vector<16xi32>
    %and3A_23 = arith.andi %get3A_21, %and3A_22 : vector<16xi32>
    %swap3A = arith.constant 0 : index
    %swap3A_24 = tpu.vector_load %arg6[%swap3A] {strides = array<i32>} : memref<128xi32, #tpu.memory_space<vmem>>, vector<16xi32>,
    %swap3A_25 = vector.shape_cast %swap3A_24 : vector<16xi32> to vector<16xi32>
    %swap3A_26 = vector.shape_cast %and3A_23 : vector<16xi32> to vector<16xi32>
    tpu.vector_store %arg6[%swap3A], %swap3A_26 {strides = array<i32>} : memref<128xi32, #tpu.memory_space<vmem>>, vector<16xi32>,
    %shift_right_logical3A = arith.constant 14 : i32
    %shift_right_logical3A_27 = vector.broadcast %shift_right_logical3A : i32 to vector<16xi32>
    %shift_right_logical3A_28 = arith.shrui %get3A_21, %shift_right_logical3A_27 : vector<16xi32>
    %swap3A_29 = arith.constant 0 : index
    %swap3A_30 = tpu.vector_load %arg8[%swap3A_29] {strides = array<i32>} : memref<128xi32, #tpu.memory_space<vmem>>, vector<16xi32>,
    %swap3A_31 = vector.shape_cast %swap3A_30 : vector<16xi32> to vector<16xi32>
    %swap3A_32 = vector.shape_cast %shift_right_logical3A_28 : vector<16xi32> to vector<16xi32>
    tpu.vector_store %arg8[%swap3A_29], %swap3A_32 {strides = array<i32>} : memref<128xi32, #tpu.memory_space<vmem>>, vector<16xi32>,
    %get3A_33 = arith.constant 0 : i32
    %get3A_34 = arith.index_cast %get3A_33 : i32 to index
    %get3A_35 = arith.constant 16 : index
    %get3A_36 = tpu.vector_load %arg5[%get3A_34, %get3A_35] {strides = array<i32>} : memref<80x128xi32, #tpu.memory_space<vmem>>, vector<1x16xi32>,
    %get3A_37 = vector.shape_cast %get3A_36 : vector<1x16xi32> to vector<16xi32>
    %and3A_38 = arith.constant 16383 : i32
    %and3A_39 = vector.broadcast %and3A_38 : i32 to vector<16xi32>
    %and3A_40 = arith.andi %get3A_37, %and3A_39 : vector<16xi32>
    %swap3A_41 = arith.constant 16 : index
    %swap3A_42 = tpu.vector_load %arg6[%swap3A_41] {strides = array<i32>} : memref<128xi32, #tpu.memory_space<vmem>>, vector<16xi32>,
    %swap3A_43 = vector.shape_cast %swap3A_42 : vector<16xi32> to vector<16xi32>
    %swap3A_44 = vector.shape_cast %and3A_40 : vector<16xi32> to vector<16xi32>
    tpu.vector_store %arg6[%swap3A_41], %swap3A_44 {strides = array<i32>} : memref<128xi32, #tpu.memory_space<vmem>>, vector<16xi32>,
    %shift_right_logical3A_45 = arith.constant 14 : i32
    %shift_right_logical3A_46 = vector.broadcast %shift_right_logical3A_45 : i32 to vector<16xi32>
    %shift_right_logical3A_47 = arith.shrui %get3A_37, %shift_right_logical3A_46 : vector<16xi32>
    %swap3A_48 = arith.constant 16 : index
    %swap3A_49 = tpu.vector_load %arg8[%swap3A_48] {strides = array<i32>} : memref<128xi32, #tpu.memory_space<vmem>>, vector<16xi32>,
    %swap3A_50 = vector.shape_cast %swap3A_49 : vector<16xi32> to vector<16xi32>
    %swap3A_51 = vector.shape_cast %shift_right_logical3A_47 : vector<16xi32> to vector<16xi32>
    tpu.vector_store %arg8[%swap3A_48], %swap3A_51 {strides = array<i32>} : memref<128xi32, #tpu.memory_space<vmem>>, vector<16xi32>,
    %get3A_52 = arith.constant 0 : i32
    %get3A_53 = arith.index_cast %get3A_52 : i32 to index
    %get3A_54 = arith.constant 32 : index
    %get3A_55 = tpu.vector_load %arg5[%get3A_53, %get3A_54] {strides = array<i32>} : memref<80x128xi32, #tpu.memory_space<vmem>>, vector<1x16xi32>,
    %get3A_56 = vector.shape_cast %get3A_55 : vector<1x16xi32> to vector<16xi32>
    %and3A_57 = arith.constant 16383 : i32
    %and3A_58 = vector.broadcast %and3A_57 : i32 to vector<16xi32>
    %and3A_59 = arith.andi %get3A_56, %and3A_58 : vector<16xi32>
    %swap3A_60 = arith.constant 32 : index
    %swap3A_61 = tpu.vector_load %arg6[%swap3A_60] {strides = array<i32>} : memref<128xi32, #tpu.memory_space<vmem>>, vector<16xi32>,
    %swap3A_62 = vector.shape_cast %swap3A_61 : vector<16xi32> to vector<16xi32>
    %swap3A_63 = vector.shape_cast %and3A_59 : vector<16xi32> to vector<16xi32>
    tpu.vector_store %arg6[%swap3A_60], %swap3A_63 {strides = array<i32>} : memref<128xi32, #tpu.memory_space<vmem>>, vector<16xi32>,
    %shift_right_logical3A_64 = arith.constant 14 : i32
    %shift_right_logical3A_65 = vector.broadcast %shift_right_logical3A_64 : i32 to vector<16xi32>
    %shift_right_logical3A_66 = arith.shrui %get3A_56, %shift_right_logical3A_65 : vector<16xi32>
    %swap3A_67 = arith.constant 32 : index
    %swap3A_68 = tpu.vector_load %arg8[%swap3A_67] {strides = array<i32>} : memref<128xi32, #tpu.memory_space<vmem>>, vector<16xi32>,
    %swap3A_69 = vector.shape_cast %swap3A_68 : vector<16xi32> to vector<16xi32>
    %swap3A_70 = vector.shape_cast %shift_right_logical3A_66 : vector<16xi32> to vector<16xi32>
    tpu.vector_store %arg8[%swap3A_67], %swap3A_70 {strides = array<i32>} : memref<128xi32, #tpu.memory_space<vmem>>, vector<16xi32>,
    %get3A_71 = arith.constant 0 : i32
    %get3A_72 = arith.index_cast %get3A_71 : i32 to index
    %get3A_73 = arith.constant 48 : index
    %get3A_74 = tpu.vector_load %arg5[%get3A_72, %get3A_73] {strides = array<i32>} : memref<80x128xi32, #tpu.memory_space<vmem>>, vector<1x16xi32>,
    %get3A_75 = vector.shape_cast %get3A_74 : vector<1x16xi32> to vector<16xi32>
    %and3A_76 = arith.constant 16383 : i32
    %and3A_77 = vector.broadcast %and3A_76 : i32 to vector<16xi32>
    %and3A_78 = arith.andi %get3A_75, %and3A_77 : vector<16xi32>
    %swap3A_79 = arith.constant 48 : index
    %swap3A_80 = tpu.vector_load %arg6[%swap3A_79] {strides = array<i32>} : memref<128xi32, #tpu.memory_space<vmem>>, vector<16xi32>,
    %swap3A_81 = vector.shape_cast %swap3A_80 : vector<16xi32> to vector<16xi32>
    %swap3A_82 = vector.shape_cast %and3A_78 : vector<16xi32> to vector<16xi32>
    tpu.vector_store %arg6[%swap3A_79], %swap3A_82 {strides = array<i32>} : memref<128xi32, #tpu.memory_space<vmem>>, vector<16xi32>,
    %shift_right_logical3A_83 = arith.constant 14 : i32
    %shift_right_logical3A_84 = vector.broadcast %shift_right_logical3A_83 : i32 to vector<16xi32>
    %shift_right_logical3A_85 = arith.shrui %get3A_75, %shift_right_logical3A_84 : vector<16xi32>
    %swap3A_86 = arith.constant 48 : index
    %swap3A_87 = tpu.vector_load %arg8[%swap3A_86] {strides = array<i32>} : memref<128xi32, #tpu.memory_space<vmem>>, vector<16xi32>,
    %swap3A_88 = vector.shape_cast %swap3A_87 : vector<16xi32> to vector<16xi32>
    %swap3A_89 = vector.shape_cast %shift_right_logical3A_85 : vector<16xi32> to vector<16xi32>
    tpu.vector_store %arg8[%swap3A_86], %swap3A_89 {strides = array<i32>} : memref<128xi32, #tpu.memory_space<vmem>>, vector<16xi32>,
    %get3A_90 = arith.constant 0 : i32
    %get3A_91 = arith.index_cast %get3A_90 : i32 to index
    %get3A_92 = arith.constant 64 : index
    %get3A_93 = tpu.vector_load %arg5[%get3A_91, %get3A_92] {strides = array<i32>} : memref<80x128xi32, #tpu.memory_space<vmem>>, vector<1x16xi32>,
    %get3A_94 = vector.shape_cast %get3A_93 : vector<1x16xi32> to vector<16xi32>
    %and3A_95 = arith.constant 16383 : i32
    %and3A_96 = vector.broadcast %and3A_95 : i32 to vector<16xi32>
    %and3A_97 = arith.andi %get3A_94, %and3A_96 : vector<16xi32>
    %swap3A_98 = arith.constant 64 : index
    %swap3A_99 = tpu.vector_load %arg6[%swap3A_98] {strides = array<i32>} : memref<128xi32, #tpu.memory_space<vmem>>, vector<16xi32>,
    %swap3A_100 = vector.shape_cast %swap3A_99 : vector<16xi32> to vector<16xi32>
    %swap3A_101 = vector.shape_cast %and3A_97 : vector<16xi32> to vector<16xi32>
    tpu.vector_store %arg6[%swap3A_98], %swap3A_101 {strides = array<i32>} : memref<128xi32, #tpu.memory_space<vmem>>, vector<16xi32>,
    %shift_right_logical3A_102 = arith.constant 14 : i32
    %shift_right_logical3A_103 = vector.broadcast %shift_right_logical3A_102 : i32 to vector<16xi32>
    %shift_right_logical3A_104 = arith.shrui %get3A_94, %shift_right_logical3A_103 : vector<16xi32>
    %swap3A_105 = arith.constant 64 : index
    %swap3A_106 = tpu.vector_load %arg8[%swap3A_105] {strides = array<i32>} : memref<128xi32, #tpu.memory_space<vmem>>, vector<16xi32>,
    %swap3A_107 = vector.shape_cast %swap3A_106 : vector<16xi32> to vector<16xi32>
    %swap3A_108 = vector.shape_cast %shift_right_logical3A_104 : vector<16xi32> to vector<16xi32>
    tpu.vector_store %arg8[%swap3A_105], %swap3A_108 {strides = array<i32>} : memref<128xi32, #tpu.memory_space<vmem>>, vector<16xi32>,
    %get3A_109 = arith.constant 0 : i32
    %get3A_110 = arith.index_cast %get3A_109 : i32 to index
    %get3A_111 = arith.constant 80 : index
    %get3A_112 = tpu.vector_load %arg5[%get3A_110, %get3A_111] {strides = array<i32>} : memref<80x128xi32, #tpu.memory_space<vmem>>, vector<1x16xi32>,
    %get3A_113 = vector.shape_cast %get3A_112 : vector<1x16xi32> to vector<16xi32>
    %and3A_114 = arith.constant 16383 : i32
    %and3A_115 = vector.broadcast %and3A_114 : i32 to vector<16xi32>
    %and3A_116 = arith.andi %get3A_113, %and3A_115 : vector<16xi32>
    %swap3A_117 = arith.constant 80 : index
    %swap3A_118 = tpu.vector_load %arg6[%swap3A_117] {strides = array<i32>} : memref<128xi32, #tpu.memory_space<vmem>>, vector<16xi32>,
    %swap3A_119 = vector.shape_cast %swap3A_118 : vector<16xi32> to vector<16xi32>
    %swap3A_120 = vector.shape_cast %and3A_116 : vector<16xi32> to vector<16xi32>
    tpu.vector_store %arg6[%swap3A_117], %swap3A_120 {strides = array<i32>} : memref<128xi32, #tpu.memory_space<vmem>>, vector<16xi32>,
    %shift_right_logical3A_121 = arith.constant 14 : i32
    %shift_right_logical3A_122 = vector.broadcast %shift_right_logical3A_121 : i32 to vector<16xi32>
    %shift_right_logical3A_123 = arith.shrui %get3A_113, %shift_right_logical3A_122 : vector<16xi32>
    %swap3A_124 = arith.constant 80 : index
    %swap3A_125 = tpu.vector_load %arg8[%swap3A_124] {strides = array<i32>} : memref<128xi32, #tpu.memory_space<vmem>>, vector<16xi32>,
    %swap3A_126 = vector.shape_cast %swap3A_125 : vector<16xi32> to vector<16xi32>
    %swap3A_127 = vector.shape_cast %shift_right_logical3A_123 : vector<16xi32> to vector<16xi32>
    tpu.vector_store %arg8[%swap3A_124], %swap3A_127 {strides = array<i32>} : memref<128xi32, #tpu.memory_space<vmem>>, vector<16xi32>,
    %get3A_128 = arith.constant 0 : i32
    %get3A_129 = arith.index_cast %get3A_128 : i32 to index
    %get3A_130 = arith.constant 96 : index
    %get3A_131 = tpu.vector_load %arg5[%get3A_129, %get3A_130] {strides = array<i32>} : memref<80x128xi32, #tpu.memory_space<vmem>>, vector<1x16xi32>,
    %get3A_132 = vector.shape_cast %get3A_131 : vector<1x16xi32> to vector<16xi32>
    %and3A_133 = arith.constant 16383 : i32
    %and3A_134 = vector.broadcast %and3A_133 : i32 to vector<16xi32>
    %and3A_135 = arith.andi %get3A_132, %and3A_134 : vector<16xi32>
    %swap3A_136 = arith.constant 96 : index
    %swap3A_137 = tpu.vector_load %arg6[%swap3A_136] {strides = array<i32>} : memref<128xi32, #tpu.memory_space<vmem>>, vector<16xi32>,
    %swap3A_138 = vector.shape_cast %swap3A_137 : vector<16xi32> to vector<16xi32>
    %swap3A_139 = vector.shape_cast %and3A_135 : vector<16xi32> to vector<16xi32>
    tpu.vector_store %arg6[%swap3A_136], %swap3A_139 {strides = array<i32>} : memref<128xi32, #tpu.memory_space<vmem>>, vector<16xi32>,
    %shift_right_logical3A_140 = arith.constant 14 : i32
    %shift_right_logical3A_141 = vector.broadcast %shift_right_logical3A_140 : i32 to vector<16xi32>
    %shift_right_logical3A_142 = arith.shrui %get3A_132, %shift_right_logical3A_141 : vector<16xi32>
    %swap3A_143 = arith.constant 96 : index
    %swap3A_144 = tpu.vector_load %arg8[%swap3A_143] {strides = array<i32>} : memref<128xi32, #tpu.memory_space<vmem>>, vector<16xi32>,
    %swap3A_145 = vector.shape_cast %swap3A_144 : vector<16xi32> to vector<16xi32>
    %swap3A_146 = vector.shape_cast %shift_right_logical3A_142 : vector<16xi32> to vector<16xi32>
    tpu.vector_store %arg8[%swap3A_143], %swap3A_146 {strides = array<i32>} : memref<128xi32, #tpu.memory_space<vmem>>, vector<16xi32>,
    %get3A_147 = arith.constant 0 : i32
    %get3A_148 = arith.index_cast %get3A_147 : i32 to index
    %get3A_149 = arith.constant 112 : index
    %get3A_150 = tpu.vector_load %arg5[%get3A_148, %get3A_149] {strides = array<i32>} : memref<80x128xi32, #tpu.memory_space<vmem>>, vector<1x16xi32>,
    %get3A_151 = vector.shape_cast %get3A_150 : vector<1x16xi32> to vector<16xi32>
    %and3A_152 = arith.constant 16383 : i32
    %and3A_153 = vector.broadcast %and3A_152 : i32 to vector<16xi32>
    %and3A_154 = arith.andi %get3A_151, %and3A_153 : vector<16xi32>
    %swap3A_155 = arith.constant 112 : index
    %swap3A_156 = tpu.vector_load %arg6[%swap3A_155] {strides = array<i32>} : memref<128xi32, #tpu.memory_space<vmem>>, vector<16xi32>,
    %swap3A_157 = vector.shape_cast %swap3A_156 : vector<16xi32> to vector<16xi32>
    %swap3A_158 = vector.shape_cast %and3A_154 : vector<16xi32> to vector<16xi32>
    tpu.vector_store %arg6[%swap3A_155], %swap3A_158 {strides = array<i32>} : memref<128xi32, #tpu.memory_space<vmem>>, vector<16xi32>,
    %shift_right_logical3A_159 = arith.constant 14 : i32
    %shift_right_logical3A_160 = vector.broadcast %shift_right_logical3A_159 : i32 to vector<16xi32>
    %shift_right_logical3A_161 = arith.shrui %get3A_151, %shift_right_logical3A_160 : vector<16xi32>
    %swap3A_162 = arith.constant 112 : index
    %swap3A_163 = tpu.vector_load %arg8[%swap3A_162] {strides = array<i32>} : memref<128xi32, #tpu.memory_space<vmem>>, vector<16xi32>,
    %swap3A_164 = vector.shape_cast %swap3A_163 : vector<16xi32> to vector<16xi32>
    %swap3A_165 = vector.shape_cast %shift_right_logical3A_161 : vector<16xi32> to vector<16xi32>
    tpu.vector_store %arg8[%swap3A_162], %swap3A_165 {strides = array<i32>} : memref<128xi32, #tpu.memory_space<vmem>>, vector<16xi32>,
    %dma_start3A_166 = arith.constant 0 : i32
    %dma_start3A_167 = arith.constant 0 : i32
    %dma_start3A_168 = tpu.memref_slice %arg2[%dma_start3A_166, %dma_start3A_167] : memref<10240x128xf32, #tpu.memory_space<hbm>> -> memref<10240x128xf32, #tpu.memory_space<hbm>>
    tpu.enqueue_indirect_dma source(%dma_start3A_168 : memref<10240x128xf32, #tpu.memory_space<hbm>>) target(%arg10 : memref<128x128xf32, #tpu.memory_space<vmem>>) offsets(%arg6 : memref<128xi32, #tpu.memory_space<vmem>>) semaphore(%arg13 : memref<!tpu.dma_semaphore, #tpu.memory_space<semaphore_mem>>)
    %barrier3A = arith.constant 0 : index
    tpu.barrier barrier_id(%barrier3A)
    %scan3A_169 = arith.constant 0 : i32
    %scan3A_170 = arith.constant 40 : i32
    %scan3A_171 = arith.addi %scan3A_169, %scan3A_170 : i32
    %scan3A_172 = arith.constant 1 : i32
    scf.for %scan3A_185 = %scan3A_169 to %scan3A_171 step %scan3A_172  : i32 {
      %mul3A_186 = arith.constant 2 : i32
      %mul3A_187 = arith.muli %scan3A_185, %mul3A_186 : i32
      %add3A_188 = arith.constant 0 : i32
      %add3A_189 = arith.addi %add3A_188, %mul3A_187 : i32
      %add3A_190 = arith.constant 0 : i32
      %add3A_191 = arith.addi %add3A_189, %add3A_190 : i32
      %add3A_192 = arith.constant 1 : i32
      %add3A_193 = arith.addi %add3A_191, %add3A_192 : i32
      %min3A = arith.constant 79 : i32
      %min3A_194 = arith.minsi %add3A_193, %min3A : i32
      %get3A_195 = arith.index_cast %min3A_194 : i32 to index
      %get3A_196 = arith.constant 0 : index
      %get3A_197 = tpu.vector_load %arg5[%get3A_195, %get3A_196] {strides = array<i32>} : memref<80x128xi32, #tpu.memory_space<vmem>>, vector<1x16xi32>,
      %get3A_198 = vector.shape_cast %get3A_197 : vector<1x16xi32> to vector<16xi32>
      %and3A_199 = arith.constant 16383 : i32
      %and3A_200 = vector.broadcast %and3A_199 : i32 to vector<16xi32>
      %and3A_201 = arith.andi %get3A_198, %and3A_200 : vector<16xi32>
      %swap3A_202 = arith.constant 0 : index
      %swap3A_203 = tpu.vector_load %arg7[%swap3A_202] {strides = array<i32>} : memref<128xi32, #tpu.memory_space<vmem>>, vector<16xi32>,
      %swap3A_204 = vector.shape_cast %swap3A_203 : vector<16xi32> to vector<16xi32>
      %swap3A_205 = vector.shape_cast %and3A_201 : vector<16xi32> to vector<16xi32>
      tpu.vector_store %arg7[%swap3A_202], %swap3A_205 {strides = array<i32>} : memref<128xi32, #tpu.memory_space<vmem>>, vector<16xi32>,
      %shift_right_logical3A_206 = arith.constant 14 : i32
      %shift_right_logical3A_207 = vector.broadcast %shift_right_logical3A_206 : i32 to vector<16xi32>
      %shift_right_logical3A_208 = arith.shrui %get3A_198, %shift_right_logical3A_207 : vector<16xi32>
      %swap3A_209 = arith.constant 0 : index
      %swap3A_210 = tpu.vector_load %arg9[%swap3A_209] {strides = array<i32>} : memref<128xi32, #tpu.memory_space<vmem>>, vector<16xi32>,
      %swap3A_211 = vector.shape_cast %swap3A_210 : vector<16xi32> to vector<16xi32>
      %swap3A_212 = vector.shape_cast %shift_right_logical3A_208 : vector<16xi32> to vector<16xi32>
      tpu.vector_store %arg9[%swap3A_209], %swap3A_212 {strides = array<i32>} : memref<128xi32, #tpu.memory_space<vmem>>, vector<16xi32>,
      %get3A_213 = arith.index_cast %min3A_194 : i32 to index
      %get3A_214 = arith.constant 16 : index
      %get3A_215 = tpu.vector_load %arg5[%get3A_213, %get3A_214] {strides = array<i32>} : memref<80x128xi32, #tpu.memory_space<vmem>>, vector<1x16xi32>,
      %get3A_216 = vector.shape_cast %get3A_215 : vector<1x16xi32> to vector<16xi32>
      %and3A_217 = arith.constant 16383 : i32
      %and3A_218 = vector.broadcast %and3A_217 : i32 to vector<16xi32>
      %and3A_219 = arith.andi %get3A_216, %and3A_218 : vector<16xi32>
      %swap3A_220 = arith.constant 16 : index
      %swap3A_221 = tpu.vector_load %arg7[%swap3A_220] {strides = array<i32>} : memref<128xi32, #tpu.memory_space<vmem>>, vector<16xi32>,
      %swap3A_222 = vector.shape_cast %swap3A_221 : vector<16xi32> to vector<16xi32>
      %swap3A_223 = vector.shape_cast %and3A_219 : vector<16xi32> to vector<16xi32>
      tpu.vector_store %arg7[%swap3A_220], %swap3A_223 {strides = array<i32>} : memref<128xi32, #tpu.memory_space<vmem>>, vector<16xi32>,
      %shift_right_logical3A_224 = arith.constant 14 : i32
      %shift_right_logical3A_225 = vector.broadcast %shift_right_logical3A_224 : i32 to vector<16xi32>
      %shift_right_logical3A_226 = arith.shrui %get3A_216, %shift_right_logical3A_225 : vector<16xi32>
      %swap3A_227 = arith.constant 16 : index
      %swap3A_228 = tpu.vector_load %arg9[%swap3A_227] {strides = array<i32>} : memref<128xi32, #tpu.memory_space<vmem>>, vector<16xi32>,
      %swap3A_229 = vector.shape_cast %swap3A_228 : vector<16xi32> to vector<16xi32>
      %swap3A_230 = vector.shape_cast %shift_right_logical3A_226 : vector<16xi32> to vector<16xi32>
      tpu.vector_store %arg9[%swap3A_227], %swap3A_230 {strides = array<i32>} : memref<128xi32, #tpu.memory_space<vmem>>, vector<16xi32>,
      %get3A_231 = arith.index_cast %min3A_194 : i32 to index
      %get3A_232 = arith.constant 32 : index
      %get3A_233 = tpu.vector_load %arg5[%get3A_231, %get3A_232] {strides = array<i32>} : memref<80x128xi32, #tpu.memory_space<vmem>>, vector<1x16xi32>,
      %get3A_234 = vector.shape_cast %get3A_233 : vector<1x16xi32> to vector<16xi32>
      %and3A_235 = arith.constant 16383 : i32
      %and3A_236 = vector.broadcast %and3A_235 : i32 to vector<16xi32>
      %and3A_237 = arith.andi %get3A_234, %and3A_236 : vector<16xi32>
      %swap3A_238 = arith.constant 32 : index
      %swap3A_239 = tpu.vector_load %arg7[%swap3A_238] {strides = array<i32>} : memref<128xi32, #tpu.memory_space<vmem>>, vector<16xi32>,
      %swap3A_240 = vector.shape_cast %swap3A_239 : vector<16xi32> to vector<16xi32>
      %swap3A_241 = vector.shape_cast %and3A_237 : vector<16xi32> to vector<16xi32>
      tpu.vector_store %arg7[%swap3A_238], %swap3A_241 {strides = array<i32>} : memref<128xi32, #tpu.memory_space<vmem>>, vector<16xi32>,
      %shift_right_logical3A_242 = arith.constant 14 : i32
      %shift_right_logical3A_243 = vector.broadcast %shift_right_logical3A_242 : i32 to vector<16xi32>
      %shift_right_logical3A_244 = arith.shrui %get3A_234, %shift_right_logical3A_243 : vector<16xi32>
      %swap3A_245 = arith.constant 32 : index
      %swap3A_246 = tpu.vector_load %arg9[%swap3A_245] {strides = array<i32>} : memref<128xi32, #tpu.memory_space<vmem>>, vector<16xi32>,
      %swap3A_247 = vector.shape_cast %swap3A_246 : vector<16xi32> to vector<16xi32>
      %swap3A_248 = vector.shape_cast %shift_right_logical3A_244 : vector<16xi32> to vector<16xi32>
      tpu.vector_store %arg9[%swap3A_245], %swap3A_248 {strides = array<i32>} : memref<128xi32, #tpu.memory_space<vmem>>, vector<16xi32>,
      %get3A_249 = arith.index_cast %min3A_194 : i32 to index
      %get3A_250 = arith.constant 48 : index
      %get3A_251 = tpu.vector_load %arg5[%get3A_249, %get3A_250] {strides = array<i32>} : memref<80x128xi32, #tpu.memory_space<vmem>>, vector<1x16xi32>,
      %get3A_252 = vector.shape_cast %get3A_251 : vector<1x16xi32> to vector<16xi32>
      %and3A_253 = arith.constant 16383 : i32
      %and3A_254 = vector.broadcast %and3A_253 : i32 to vector<16xi32>
      %and3A_255 = arith.andi %get3A_252, %and3A_254 : vector<16xi32>
      %swap3A_256 = arith.constant 48 : index
      %swap3A_257 = tpu.vector_load %arg7[%swap3A_256] {strides = array<i32>} : memref<128xi32, #tpu.memory_space<vmem>>, vector<16xi32>,
      %swap3A_258 = vector.shape_cast %swap3A_257 : vector<16xi32> to vector<16xi32>
      %swap3A_259 = vector.shape_cast %and3A_255 : vector<16xi32> to vector<16xi32>
      tpu.vector_store %arg7[%swap3A_256], %swap3A_259 {strides = array<i32>} : memref<128xi32, #tpu.memory_space<vmem>>, vector<16xi32>,
      %shift_right_logical3A_260 = arith.constant 14 : i32
      %shift_right_logical3A_261 = vector.broadcast %shift_right_logical3A_260 : i32 to vector<16xi32>
      %shift_right_logical3A_262 = arith.shrui %get3A_252, %shift_right_logical3A_261 : vector<16xi32>
      %swap3A_263 = arith.constant 48 : index
      %swap3A_264 = tpu.vector_load %arg9[%swap3A_263] {strides = array<i32>} : memref<128xi32, #tpu.memory_space<vmem>>, vector<16xi32>,
      %swap3A_265 = vector.shape_cast %swap3A_264 : vector<16xi32> to vector<16xi32>
      %swap3A_266 = vector.shape_cast %shift_right_logical3A_262 : vector<16xi32> to vector<16xi32>
      tpu.vector_store %arg9[%swap3A_263], %swap3A_266 {strides = array<i32>} : memref<128xi32, #tpu.memory_space<vmem>>, vector<16xi32>,
      %get3A_267 = arith.index_cast %min3A_194 : i32 to index
      %get3A_268 = arith.constant 64 : index
      %get3A_269 = tpu.vector_load %arg5[%get3A_267, %get3A_268] {strides = array<i32>} : memref<80x128xi32, #tpu.memory_space<vmem>>, vector<1x16xi32>,
      %get3A_270 = vector.shape_cast %get3A_269 : vector<1x16xi32> to vector<16xi32>
      %and3A_271 = arith.constant 16383 : i32
      %and3A_272 = vector.broadcast %and3A_271 : i32 to vector<16xi32>
      %and3A_273 = arith.andi %get3A_270, %and3A_272 : vector<16xi32>
      %swap3A_274 = arith.constant 64 : index
      %swap3A_275 = tpu.vector_load %arg7[%swap3A_274] {strides = array<i32>} : memref<128xi32, #tpu.memory_space<vmem>>, vector<16xi32>,
      %swap3A_276 = vector.shape_cast %swap3A_275 : vector<16xi32> to vector<16xi32>
      %swap3A_277 = vector.shape_cast %and3A_273 : vector<16xi32> to vector<16xi32>
      tpu.vector_store %arg7[%swap3A_274], %swap3A_277 {strides = array<i32>} : memref<128xi32, #tpu.memory_space<vmem>>, vector<16xi32>,
      %shift_right_logical3A_278 = arith.constant 14 : i32
      %shift_right_logical3A_279 = vector.broadcast %shift_right_logical3A_278 : i32 to vector<16xi32>
      %shift_right_logical3A_280 = arith.shrui %get3A_270, %shift_right_logical3A_279 : vector<16xi32>
      %swap3A_281 = arith.constant 64 : index
      %swap3A_282 = tpu.vector_load %arg9[%swap3A_281] {strides = array<i32>} : memref<128xi32, #tpu.memory_space<vmem>>, vector<16xi32>,
      %swap3A_283 = vector.shape_cast %swap3A_282 : vector<16xi32> to vector<16xi32>
      %swap3A_284 = vector.shape_cast %shift_right_logical3A_280 : vector<16xi32> to vector<16xi32>
      tpu.vector_store %arg9[%swap3A_281], %swap3A_284 {strides = array<i32>} : memref<128xi32, #tpu.memory_space<vmem>>, vector<16xi32>,
      %get3A_285 = arith.index_cast %min3A_194 : i32 to index
      %get3A_286 = arith.constant 80 : index
      %get3A_287 = tpu.vector_load %arg5[%get3A_285, %get3A_286] {strides = array<i32>} : memref<80x128xi32, #tpu.memory_space<vmem>>, vector<1x16xi32>,
      %get3A_288 = vector.shape_cast %get3A_287 : vector<1x16xi32> to vector<16xi32>
      %and3A_289 = arith.constant 16383 : i32
      %and3A_290 = vector.broadcast %and3A_289 : i32 to vector<16xi32>
      %and3A_291 = arith.andi %get3A_288, %and3A_290 : vector<16xi32>
      %swap3A_292 = arith.constant 80 : index
      %swap3A_293 = tpu.vector_load %arg7[%swap3A_292] {strides = array<i32>} : memref<128xi32, #tpu.memory_space<vmem>>, vector<16xi32>,
      %swap3A_294 = vector.shape_cast %swap3A_293 : vector<16xi32> to vector<16xi32>
      %swap3A_295 = vector.shape_cast %and3A_291 : vector<16xi32> to vector<16xi32>
      tpu.vector_store %arg7[%swap3A_292], %swap3A_295 {strides = array<i32>} : memref<128xi32, #tpu.memory_space<vmem>>, vector<16xi32>,
      %shift_right_logical3A_296 = arith.constant 14 : i32
      %shift_right_logical3A_297 = vector.broadcast %shift_right_logical3A_296 : i32 to vector<16xi32>
      %shift_right_logical3A_298 = arith.shrui %get3A_288, %shift_right_logical3A_297 : vector<16xi32>
      %swap3A_299 = arith.constant 80 : index
      %swap3A_300 = tpu.vector_load %arg9[%swap3A_299] {strides = array<i32>} : memref<128xi32, #tpu.memory_space<vmem>>, vector<16xi32>,
      %swap3A_301 = vector.shape_cast %swap3A_300 : vector<16xi32> to vector<16xi32>
      %swap3A_302 = vector.shape_cast %shift_right_logical3A_298 : vector<16xi32> to vector<16xi32>
      tpu.vector_store %arg9[%swap3A_299], %swap3A_302 {strides = array<i32>} : memref<128xi32, #tpu.memory_space<vmem>>, vector<16xi32>,
      %get3A_303 = arith.index_cast %min3A_194 : i32 to index
      %get3A_304 = arith.constant 96 : index
      %get3A_305 = tpu.vector_load %arg5[%get3A_303, %get3A_304] {strides = array<i32>} : memref<80x128xi32, #tpu.memory_space<vmem>>, vector<1x16xi32>,
      %get3A_306 = vector.shape_cast %get3A_305 : vector<1x16xi32> to vector<16xi32>
      %and3A_307 = arith.constant 16383 : i32
      %and3A_308 = vector.broadcast %and3A_307 : i32 to vector<16xi32>
      %and3A_309 = arith.andi %get3A_306, %and3A_308 : vector<16xi32>
      %swap3A_310 = arith.constant 96 : index
      %swap3A_311 = tpu.vector_load %arg7[%swap3A_310] {strides = array<i32>} : memref<128xi32, #tpu.memory_space<vmem>>, vector<16xi32>,
      %swap3A_312 = vector.shape_cast %swap3A_311 : vector<16xi32> to vector<16xi32>
      %swap3A_313 = vector.shape_cast %and3A_309 : vector<16xi32> to vector<16xi32>
      tpu.vector_store %arg7[%swap3A_310], %swap3A_313 {strides = array<i32>} : memref<128xi32, #tpu.memory_space<vmem>>, vector<16xi32>,
      %shift_right_logical3A_314 = arith.constant 14 : i32
      %shift_right_logical3A_315 = vector.broadcast %shift_right_logical3A_314 : i32 to vector<16xi32>
      %shift_right_logical3A_316 = arith.shrui %get3A_306, %shift_right_logical3A_315 : vector<16xi32>
      %swap3A_317 = arith.constant 96 : index
      %swap3A_318 = tpu.vector_load %arg9[%swap3A_317] {strides = array<i32>} : memref<128xi32, #tpu.memory_space<vmem>>, vector<16xi32>,
      %swap3A_319 = vector.shape_cast %swap3A_318 : vector<16xi32> to vector<16xi32>
      %swap3A_320 = vector.shape_cast %shift_right_logical3A_316 : vector<16xi32> to vector<16xi32>
      tpu.vector_store %arg9[%swap3A_317], %swap3A_320 {strides = array<i32>} : memref<128xi32, #tpu.memory_space<vmem>>, vector<16xi32>,
      %get3A_321 = arith.index_cast %min3A_194 : i32 to index
      %get3A_322 = arith.constant 112 : index
      %get3A_323 = tpu.vector_load %arg5[%get3A_321, %get3A_322] {strides = array<i32>} : memref<80x128xi32, #tpu.memory_space<vmem>>, vector<1x16xi32>,
      %get3A_324 = vector.shape_cast %get3A_323 : vector<1x16xi32> to vector<16xi32>
      %and3A_325 = arith.constant 16383 : i32
      %and3A_326 = vector.broadcast %and3A_325 : i32 to vector<16xi32>
      %and3A_327 = arith.andi %get3A_324, %and3A_326 : vector<16xi32>
      %swap3A_328 = arith.constant 112 : index
      %swap3A_329 = tpu.vector_load %arg7[%swap3A_328] {strides = array<i32>} : memref<128xi32, #tpu.memory_space<vmem>>, vector<16xi32>,
      %swap3A_330 = vector.shape_cast %swap3A_329 : vector<16xi32> to vector<16xi32>
      %swap3A_331 = vector.shape_cast %and3A_327 : vector<16xi32> to vector<16xi32>
      tpu.vector_store %arg7[%swap3A_328], %swap3A_331 {strides = array<i32>} : memref<128xi32, #tpu.memory_space<vmem>>, vector<16xi32>,
      %shift_right_logical3A_332 = arith.constant 14 : i32
      %shift_right_logical3A_333 = vector.broadcast %shift_right_logical3A_332 : i32 to vector<16xi32>
      %shift_right_logical3A_334 = arith.shrui %get3A_324, %shift_right_logical3A_333 : vector<16xi32>
      %swap3A_335 = arith.constant 112 : index
      %swap3A_336 = tpu.vector_load %arg9[%swap3A_335] {strides = array<i32>} : memref<128xi32, #tpu.memory_space<vmem>>, vector<16xi32>,
      %swap3A_337 = vector.shape_cast %swap3A_336 : vector<16xi32> to vector<16xi32>
      %swap3A_338 = vector.shape_cast %shift_right_logical3A_334 : vector<16xi32> to vector<16xi32>
      tpu.vector_store %arg9[%swap3A_335], %swap3A_338 {strides = array<i32>} : memref<128xi32, #tpu.memory_space<vmem>>, vector<16xi32>,
      %dma_start3A_339 = arith.constant 0 : i32
      %dma_start3A_340 = arith.constant 0 : i32
      %dma_start3A_341 = tpu.memref_slice %arg2[%dma_start3A_339, %dma_start3A_340] : memref<10240x128xf32, #tpu.memory_space<hbm>> -> memref<10240x128xf32, #tpu.memory_space<hbm>>
      tpu.enqueue_indirect_dma source(%dma_start3A_341 : memref<10240x128xf32, #tpu.memory_space<hbm>>) target(%arg11 : memref<128x128xf32, #tpu.memory_space<vmem>>) offsets(%arg7 : memref<128xi32, #tpu.memory_space<vmem>>) semaphore(%arg14 : memref<!tpu.dma_semaphore, #tpu.memory_space<semaphore_mem>>)
      %dma_wait3A_342 = arith.constant 0 : i32
      %dma_wait3A_343 = arith.constant 0 : i32
      %dma_wait3A_344 = tpu.memref_slice %arg2[%dma_wait3A_342, %dma_wait3A_343] : memref<10240x128xf32, #tpu.memory_space<hbm>> -> memref<10240x128xf32, #tpu.memory_space<hbm>>
      tpu.wait_indirect_dma semaphore(%arg13 : memref<!tpu.dma_semaphore, #tpu.memory_space<semaphore_mem>>) src(%dma_wait3A_344 : memref<10240x128xf32, #tpu.memory_space<hbm>>) dst(%arg10 : memref<128x128xf32, #tpu.memory_space<vmem>>)
      "tpu.region"() ({
        %run_scoped3A = tpu.sem_alloc : memref<!tpu.dma_semaphore, #tpu.memory_space<semaphore_mem>>
        %dma_start3A_501 = arith.constant 0 : i32
        %dma_start3A_502 = arith.constant 0 : i32
        %dma_start3A_503 = tpu.memref_slice %arg12[%dma_start3A_501, %dma_start3A_502] : memref<10240x128xf32, #tpu.memory_space<vmem_shared>> -> memref<10240x128xf32, #tpu.memory_space<vmem_shared>>
        tpu.enqueue_indirect_dma source(%arg10 : memref<128x128xf32, #tpu.memory_space<vmem>>) target(%dma_start3A_503 : memref<10240x128xf32, #tpu.memory_space<vmem_shared>>) offsets(%arg8 : memref<128xi32, #tpu.memory_space<vmem>>) semaphore(%run_scoped3A : memref<!tpu.dma_semaphore, #tpu.memory_space<semaphore_mem>>) {add = true}
        %dma_wait3A_504 = arith.constant 0 : i32
        %dma_wait3A_505 = arith.constant 0 : i32
        %dma_wait3A_506 = tpu.memref_slice %arg12[%dma_wait3A_504, %dma_wait3A_505] : memref<10240x128xf32, #tpu.memory_space<vmem_shared>> -> memref<10240x128xf32, #tpu.memory_space<vmem_shared>>
        tpu.wait_indirect_dma semaphore(%run_scoped3A : memref<!tpu.dma_semaphore, #tpu.memory_space<semaphore_mem>>) src(%arg10 : memref<128x128xf32, #tpu.memory_space<vmem>>) dst(%dma_wait3A_506 : memref<10240x128xf32, #tpu.memory_space<vmem_shared>>)
        tpu.yield
      }) : () -> ()
      %add3A_345 = arith.constant 1 : i32
      %add3A_346 = arith.addi %add3A_189, %add3A_345 : i32
      %add3A_347 = arith.constant 1 : i32
      %add3A_348 = arith.addi %add3A_346, %add3A_347 : i32
      %min3A_349 = arith.constant 79 : i32
      %min3A_350 = arith.minsi %add3A_348, %min3A_349 : i32
      %get3A_351 = arith.index_cast %min3A_350 : i32 to index
      %get3A_352 = arith.constant 0 : index
      %get3A_353 = tpu.vector_load %arg5[%get3A_351, %get3A_352] {strides = array<i32>} : memref<80x128xi32, #tpu.memory_space<vmem>>, vector<1x16xi32>,
      %get3A_354 = vector.shape_cast %get3A_353 : vector<1x16xi32> to vector<16xi32>
      %and3A_355 = arith.constant 16383 : i32
      %and3A_356 = vector.broadcast %and3A_355 : i32 to vector<16xi32>
      %and3A_357 = arith.andi %get3A_354, %and3A_356 : vector<16xi32>
      %swap3A_358 = arith.constant 0 : index
      %swap3A_359 = tpu.vector_load %arg6[%swap3A_358] {strides = array<i32>} : memref<128xi32, #tpu.memory_space<vmem>>, vector<16xi32>,
      %swap3A_360 = vector.shape_cast %swap3A_359 : vector<16xi32> to vector<16xi32>
      %swap3A_361 = vector.shape_cast %and3A_357 : vector<16xi32> to vector<16xi32>
      tpu.vector_store %arg6[%swap3A_358], %swap3A_361 {strides = array<i32>} : memref<128xi32, #tpu.memory_space<vmem>>, vector<16xi32>,
      %shift_right_logical3A_362 = arith.constant 14 : i32
      %shift_right_logical3A_363 = vector.broadcast %shift_right_logical3A_362 : i32 to vector<16xi32>
      %shift_right_logical3A_364 = arith.shrui %get3A_354, %shift_right_logical3A_363 : vector<16xi32>
      %swap3A_365 = arith.constant 0 : index
      %swap3A_366 = tpu.vector_load %arg8[%swap3A_365] {strides = array<i32>} : memref<128xi32, #tpu.memory_space<vmem>>, vector<16xi32>,
      %swap3A_367 = vector.shape_cast %swap3A_366 : vector<16xi32> to vector<16xi32>
      %swap3A_368 = vector.shape_cast %shift_right_logical3A_364 : vector<16xi32> to vector<16xi32>
      tpu.vector_store %arg8[%swap3A_365], %swap3A_368 {strides = array<i32>} : memref<128xi32, #tpu.memory_space<vmem>>, vector<16xi32>,
      %get3A_369 = arith.index_cast %min3A_350 : i32 to index
      %get3A_370 = arith.constant 16 : index
      %get3A_371 = tpu.vector_load %arg5[%get3A_369, %get3A_370] {strides = array<i32>} : memref<80x128xi32, #tpu.memory_space<vmem>>, vector<1x16xi32>,
      %get3A_372 = vector.shape_cast %get3A_371 : vector<1x16xi32> to vector<16xi32>
      %and3A_373 = arith.constant 16383 : i32
      %and3A_374 = vector.broadcast %and3A_373 : i32 to vector<16xi32>
      %and3A_375 = arith.andi %get3A_372, %and3A_374 : vector<16xi32>
      %swap3A_376 = arith.constant 16 : index
      %swap3A_377 = tpu.vector_load %arg6[%swap3A_376] {strides = array<i32>} : memref<128xi32, #tpu.memory_space<vmem>>, vector<16xi32>,
      %swap3A_378 = vector.shape_cast %swap3A_377 : vector<16xi32> to vector<16xi32>
      %swap3A_379 = vector.shape_cast %and3A_375 : vector<16xi32> to vector<16xi32>
      tpu.vector_store %arg6[%swap3A_376], %swap3A_379 {strides = array<i32>} : memref<128xi32, #tpu.memory_space<vmem>>, vector<16xi32>,
      %shift_right_logical3A_380 = arith.constant 14 : i32
      %shift_right_logical3A_381 = vector.broadcast %shift_right_logical3A_380 : i32 to vector<16xi32>
      %shift_right_logical3A_382 = arith.shrui %get3A_372, %shift_right_logical3A_381 : vector<16xi32>
      %swap3A_383 = arith.constant 16 : index
      %swap3A_384 = tpu.vector_load %arg8[%swap3A_383] {strides = array<i32>} : memref<128xi32, #tpu.memory_space<vmem>>, vector<16xi32>,
      %swap3A_385 = vector.shape_cast %swap3A_384 : vector<16xi32> to vector<16xi32>
      %swap3A_386 = vector.shape_cast %shift_right_logical3A_382 : vector<16xi32> to vector<16xi32>
      tpu.vector_store %arg8[%swap3A_383], %swap3A_386 {strides = array<i32>} : memref<128xi32, #tpu.memory_space<vmem>>, vector<16xi32>,
      %get3A_387 = arith.index_cast %min3A_350 : i32 to index
      %get3A_388 = arith.constant 32 : index
      %get3A_389 = tpu.vector_load %arg5[%get3A_387, %get3A_388] {strides = array<i32>} : memref<80x128xi32, #tpu.memory_space<vmem>>, vector<1x16xi32>,
      %get3A_390 = vector.shape_cast %get3A_389 : vector<1x16xi32> to vector<16xi32>
      %and3A_391 = arith.constant 16383 : i32
      %and3A_392 = vector.broadcast %and3A_391 : i32 to vector<16xi32>
      %and3A_393 = arith.andi %get3A_390, %and3A_392 : vector<16xi32>
      %swap3A_394 = arith.constant 32 : index
      %swap3A_395 = tpu.vector_load %arg6[%swap3A_394] {strides = array<i32>} : memref<128xi32, #tpu.memory_space<vmem>>, vector<16xi32>,
      %swap3A_396 = vector.shape_cast %swap3A_395 : vector<16xi32> to vector<16xi32>
      %swap3A_397 = vector.shape_cast %and3A_393 : vector<16xi32> to vector<16xi32>
      tpu.vector_store %arg6[%swap3A_394], %swap3A_397 {strides = array<i32>} : memref<128xi32, #tpu.memory_space<vmem>>, vector<16xi32>,
      %shift_right_logical3A_398 = arith.constant 14 : i32
      %shift_right_logical3A_399 = vector.broadcast %shift_right_logical3A_398 : i32 to vector<16xi32>
      %shift_right_logical3A_400 = arith.shrui %get3A_390, %shift_right_logical3A_399 : vector<16xi32>
      %swap3A_401 = arith.constant 32 : index
      %swap3A_402 = tpu.vector_load %arg8[%swap3A_401] {strides = array<i32>} : memref<128xi32, #tpu.memory_space<vmem>>, vector<16xi32>,
      %swap3A_403 = vector.shape_cast %swap3A_402 : vector<16xi32> to vector<16xi32>
      %swap3A_404 = vector.shape_cast %shift_right_logical3A_400 : vector<16xi32> to vector<16xi32>
      tpu.vector_store %arg8[%swap3A_401], %swap3A_404 {strides = array<i32>} : memref<128xi32, #tpu.memory_space<vmem>>, vector<16xi32>,
      %get3A_405 = arith.index_cast %min3A_350 : i32 to index
      %get3A_406 = arith.constant 48 : index
      %get3A_407 = tpu.vector_load %arg5[%get3A_405, %get3A_406] {strides = array<i32>} : memref<80x128xi32, #tpu.memory_space<vmem>>, vector<1x16xi32>,
      %get3A_408 = vector.shape_cast %get3A_407 : vector<1x16xi32> to vector<16xi32>
      %and3A_409 = arith.constant 16383 : i32
      %and3A_410 = vector.broadcast %and3A_409 : i32 to vector<16xi32>
      %and3A_411 = arith.andi %get3A_408, %and3A_410 : vector<16xi32>
      %swap3A_412 = arith.constant 48 : index
      %swap3A_413 = tpu.vector_load %arg6[%swap3A_412] {strides = array<i32>} : memref<128xi32, #tpu.memory_space<vmem>>, vector<16xi32>,
      %swap3A_414 = vector.shape_cast %swap3A_413 : vector<16xi32> to vector<16xi32>
      %swap3A_415 = vector.shape_cast %and3A_411 : vector<16xi32> to vector<16xi32>
      tpu.vector_store %arg6[%swap3A_412], %swap3A_415 {strides = array<i32>} : memref<128xi32, #tpu.memory_space<vmem>>, vector<16xi32>,
      %shift_right_logical3A_416 = arith.constant 14 : i32
      %shift_right_logical3A_417 = vector.broadcast %shift_right_logical3A_416 : i32 to vector<16xi32>
      %shift_right_logical3A_418 = arith.shrui %get3A_408, %shift_right_logical3A_417 : vector<16xi32>
      %swap3A_419 = arith.constant 48 : index
      %swap3A_420 = tpu.vector_load %arg8[%swap3A_419] {strides = array<i32>} : memref<128xi32, #tpu.memory_space<vmem>>, vector<16xi32>,
      %swap3A_421 = vector.shape_cast %swap3A_420 : vector<16xi32> to vector<16xi32>
      %swap3A_422 = vector.shape_cast %shift_right_logical3A_418 : vector<16xi32> to vector<16xi32>
      tpu.vector_store %arg8[%swap3A_419], %swap3A_422 {strides = array<i32>} : memref<128xi32, #tpu.memory_space<vmem>>, vector<16xi32>,
      %get3A_423 = arith.index_cast %min3A_350 : i32 to index
      %get3A_424 = arith.constant 64 : index
      %get3A_425 = tpu.vector_load %arg5[%get3A_423, %get3A_424] {strides = array<i32>} : memref<80x128xi32, #tpu.memory_space<vmem>>, vector<1x16xi32>,
      %get3A_426 = vector.shape_cast %get3A_425 : vector<1x16xi32> to vector<16xi32>
      %and3A_427 = arith.constant 16383 : i32
      %and3A_428 = vector.broadcast %and3A_427 : i32 to vector<16xi32>
      %and3A_429 = arith.andi %get3A_426, %and3A_428 : vector<16xi32>
      %swap3A_430 = arith.constant 64 : index
      %swap3A_431 = tpu.vector_load %arg6[%swap3A_430] {strides = array<i32>} : memref<128xi32, #tpu.memory_space<vmem>>, vector<16xi32>,
      %swap3A_432 = vector.shape_cast %swap3A_431 : vector<16xi32> to vector<16xi32>
      %swap3A_433 = vector.shape_cast %and3A_429 : vector<16xi32> to vector<16xi32>
      tpu.vector_store %arg6[%swap3A_430], %swap3A_433 {strides = array<i32>} : memref<128xi32, #tpu.memory_space<vmem>>, vector<16xi32>,
      %shift_right_logical3A_434 = arith.constant 14 : i32
      %shift_right_logical3A_435 = vector.broadcast %shift_right_logical3A_434 : i32 to vector<16xi32>
      %shift_right_logical3A_436 = arith.shrui %get3A_426, %shift_right_logical3A_435 : vector<16xi32>
      %swap3A_437 = arith.constant 64 : index
      %swap3A_438 = tpu.vector_load %arg8[%swap3A_437] {strides = array<i32>} : memref<128xi32, #tpu.memory_space<vmem>>, vector<16xi32>,
      %swap3A_439 = vector.shape_cast %swap3A_438 : vector<16xi32> to vector<16xi32>
      %swap3A_440 = vector.shape_cast %shift_right_logical3A_436 : vector<16xi32> to vector<16xi32>
      tpu.vector_store %arg8[%swap3A_437], %swap3A_440 {strides = array<i32>} : memref<128xi32, #tpu.memory_space<vmem>>, vector<16xi32>,
      %get3A_441 = arith.index_cast %min3A_350 : i32 to index
      %get3A_442 = arith.constant 80 : index
      %get3A_443 = tpu.vector_load %arg5[%get3A_441, %get3A_442] {strides = array<i32>} : memref<80x128xi32, #tpu.memory_space<vmem>>, vector<1x16xi32>,
      %get3A_444 = vector.shape_cast %get3A_443 : vector<1x16xi32> to vector<16xi32>
      %and3A_445 = arith.constant 16383 : i32
      %and3A_446 = vector.broadcast %and3A_445 : i32 to vector<16xi32>
      %and3A_447 = arith.andi %get3A_444, %and3A_446 : vector<16xi32>
      %swap3A_448 = arith.constant 80 : index
      %swap3A_449 = tpu.vector_load %arg6[%swap3A_448] {strides = array<i32>} : memref<128xi32, #tpu.memory_space<vmem>>, vector<16xi32>,
      %swap3A_450 = vector.shape_cast %swap3A_449 : vector<16xi32> to vector<16xi32>
      %swap3A_451 = vector.shape_cast %and3A_447 : vector<16xi32> to vector<16xi32>
      tpu.vector_store %arg6[%swap3A_448], %swap3A_451 {strides = array<i32>} : memref<128xi32, #tpu.memory_space<vmem>>, vector<16xi32>,
      %shift_right_logical3A_452 = arith.constant 14 : i32
      %shift_right_logical3A_453 = vector.broadcast %shift_right_logical3A_452 : i32 to vector<16xi32>
      %shift_right_logical3A_454 = arith.shrui %get3A_444, %shift_right_logical3A_453 : vector<16xi32>
      %swap3A_455 = arith.constant 80 : index
      %swap3A_456 = tpu.vector_load %arg8[%swap3A_455] {strides = array<i32>} : memref<128xi32, #tpu.memory_space<vmem>>, vector<16xi32>,
      %swap3A_457 = vector.shape_cast %swap3A_456 : vector<16xi32> to vector<16xi32>
      %swap3A_458 = vector.shape_cast %shift_right_logical3A_454 : vector<16xi32> to vector<16xi32>
      tpu.vector_store %arg8[%swap3A_455], %swap3A_458 {strides = array<i32>} : memref<128xi32, #tpu.memory_space<vmem>>, vector<16xi32>,
      %get3A_459 = arith.index_cast %min3A_350 : i32 to index
      %get3A_460 = arith.constant 96 : index
      %get3A_461 = tpu.vector_load %arg5[%get3A_459, %get3A_460] {strides = array<i32>} : memref<80x128xi32, #tpu.memory_space<vmem>>, vector<1x16xi32>,
      %get3A_462 = vector.shape_cast %get3A_461 : vector<1x16xi32> to vector<16xi32>
      %and3A_463 = arith.constant 16383 : i32
      %and3A_464 = vector.broadcast %and3A_463 : i32 to vector<16xi32>
      %and3A_465 = arith.andi %get3A_462, %and3A_464 : vector<16xi32>
      %swap3A_466 = arith.constant 96 : index
      %swap3A_467 = tpu.vector_load %arg6[%swap3A_466] {strides = array<i32>} : memref<128xi32, #tpu.memory_space<vmem>>, vector<16xi32>,
      %swap3A_468 = vector.shape_cast %swap3A_467 : vector<16xi32> to vector<16xi32>
      %swap3A_469 = vector.shape_cast %and3A_465 : vector<16xi32> to vector<16xi32>
      tpu.vector_store %arg6[%swap3A_466], %swap3A_469 {strides = array<i32>} : memref<128xi32, #tpu.memory_space<vmem>>, vector<16xi32>,
      %shift_right_logical3A_470 = arith.constant 14 : i32
      %shift_right_logical3A_471 = vector.broadcast %shift_right_logical3A_470 : i32 to vector<16xi32>
      %shift_right_logical3A_472 = arith.shrui %get3A_462, %shift_right_logical3A_471 : vector<16xi32>
      %swap3A_473 = arith.constant 96 : index
      %swap3A_474 = tpu.vector_load %arg8[%swap3A_473] {strides = array<i32>} : memref<128xi32, #tpu.memory_space<vmem>>, vector<16xi32>,
      %swap3A_475 = vector.shape_cast %swap3A_474 : vector<16xi32> to vector<16xi32>
      %swap3A_476 = vector.shape_cast %shift_right_logical3A_472 : vector<16xi32> to vector<16xi32>
      tpu.vector_store %arg8[%swap3A_473], %swap3A_476 {strides = array<i32>} : memref<128xi32, #tpu.memory_space<vmem>>, vector<16xi32>,
      %get3A_477 = arith.index_cast %min3A_350 : i32 to index
      %get3A_478 = arith.constant 112 : index
      %get3A_479 = tpu.vector_load %arg5[%get3A_477, %get3A_478] {strides = array<i32>} : memref<80x128xi32, #tpu.memory_space<vmem>>, vector<1x16xi32>,
      %get3A_480 = vector.shape_cast %get3A_479 : vector<1x16xi32> to vector<16xi32>
      %and3A_481 = arith.constant 16383 : i32
      %and3A_482 = vector.broadcast %and3A_481 : i32 to vector<16xi32>
      %and3A_483 = arith.andi %get3A_480, %and3A_482 : vector<16xi32>
      %swap3A_484 = arith.constant 112 : index
      %swap3A_485 = tpu.vector_load %arg6[%swap3A_484] {strides = array<i32>} : memref<128xi32, #tpu.memory_space<vmem>>, vector<16xi32>,
      %swap3A_486 = vector.shape_cast %swap3A_485 : vector<16xi32> to vector<16xi32>
      %swap3A_487 = vector.shape_cast %and3A_483 : vector<16xi32> to vector<16xi32>
      tpu.vector_store %arg6[%swap3A_484], %swap3A_487 {strides = array<i32>} : memref<128xi32, #tpu.memory_space<vmem>>, vector<16xi32>,
      %shift_right_logical3A_488 = arith.constant 14 : i32
      %shift_right_logical3A_489 = vector.broadcast %shift_right_logical3A_488 : i32 to vector<16xi32>
      %shift_right_logical3A_490 = arith.shrui %get3A_480, %shift_right_logical3A_489 : vector<16xi32>
      %swap3A_491 = arith.constant 112 : index
      %swap3A_492 = tpu.vector_load %arg8[%swap3A_491] {strides = array<i32>} : memref<128xi32, #tpu.memory_space<vmem>>, vector<16xi32>,
      %swap3A_493 = vector.shape_cast %swap3A_492 : vector<16xi32> to vector<16xi32>
      %swap3A_494 = vector.shape_cast %shift_right_logical3A_490 : vector<16xi32> to vector<16xi32>
      tpu.vector_store %arg8[%swap3A_491], %swap3A_494 {strides = array<i32>} : memref<128xi32, #tpu.memory_space<vmem>>, vector<16xi32>,
      %dma_start3A_495 = arith.constant 0 : i32
      %dma_start3A_496 = arith.constant 0 : i32
      %dma_start3A_497 = tpu.memref_slice %arg2[%dma_start3A_495, %dma_start3A_496] : memref<10240x128xf32, #tpu.memory_space<hbm>> -> memref<10240x128xf32, #tpu.memory_space<hbm>>
      tpu.enqueue_indirect_dma source(%dma_start3A_497 : memref<10240x128xf32, #tpu.memory_space<hbm>>) target(%arg10 : memref<128x128xf32, #tpu.memory_space<vmem>>) offsets(%arg6 : memref<128xi32, #tpu.memory_space<vmem>>) semaphore(%arg13 : memref<!tpu.dma_semaphore, #tpu.memory_space<semaphore_mem>>)
      %dma_wait3A_498 = arith.constant 0 : i32
      %dma_wait3A_499 = arith.constant 0 : i32
      %dma_wait3A_500 = tpu.memref_slice %arg2[%dma_wait3A_498, %dma_wait3A_499] : memref<10240x128xf32, #tpu.memory_space<hbm>> -> memref<10240x128xf32, #tpu.memory_space<hbm>>
      tpu.wait_indirect_dma semaphore(%arg14 : memref<!tpu.dma_semaphore, #tpu.memory_space<semaphore_mem>>) src(%dma_wait3A_500 : memref<10240x128xf32, #tpu.memory_space<hbm>>) dst(%arg11 : memref<128x128xf32, #tpu.memory_space<vmem>>)
      "tpu.region"() ({
        %run_scoped3A = tpu.sem_alloc : memref<!tpu.dma_semaphore, #tpu.memory_space<semaphore_mem>>
        %dma_start3A_501 = arith.constant 0 : i32
        %dma_start3A_502 = arith.constant 0 : i32
        %dma_start3A_503 = tpu.memref_slice %arg12[%dma_start3A_501, %dma_start3A_502] : memref<10240x128xf32, #tpu.memory_space<vmem_shared>> -> memref<10240x128xf32, #tpu.memory_space<vmem_shared>>
        tpu.enqueue_indirect_dma source(%arg11 : memref<128x128xf32, #tpu.memory_space<vmem>>) target(%dma_start3A_503 : memref<10240x128xf32, #tpu.memory_space<vmem_shared>>) offsets(%arg9 : memref<128xi32, #tpu.memory_space<vmem>>) semaphore(%run_scoped3A : memref<!tpu.dma_semaphore, #tpu.memory_space<semaphore_mem>>) {add = true}
        %dma_wait3A_504 = arith.constant 0 : i32
        %dma_wait3A_505 = arith.constant 0 : i32
        %dma_wait3A_506 = tpu.memref_slice %arg12[%dma_wait3A_504, %dma_wait3A_505] : memref<10240x128xf32, #tpu.memory_space<vmem_shared>> -> memref<10240x128xf32, #tpu.memory_space<vmem_shared>>
        tpu.wait_indirect_dma semaphore(%run_scoped3A : memref<!tpu.dma_semaphore, #tpu.memory_space<semaphore_mem>>) src(%arg11 : memref<128x128xf32, #tpu.memory_space<vmem>>) dst(%dma_wait3A_506 : memref<10240x128xf32, #tpu.memory_space<vmem_shared>>)
        tpu.yield
      }) : () -> ()
    }
    %scan3A_173 = arith.constant 40 : i32
    %dma_wait3A_174 = arith.constant 0 : i32
    %dma_wait3A_175 = arith.constant 0 : i32
    %dma_wait3A_176 = tpu.memref_slice %arg2[%dma_wait3A_174, %dma_wait3A_175] : memref<10240x128xf32, #tpu.memory_space<hbm>> -> memref<10240x128xf32, #tpu.memory_space<hbm>>
    tpu.wait_indirect_dma semaphore(%arg13 : memref<!tpu.dma_semaphore, #tpu.memory_space<semaphore_mem>>) src(%dma_wait3A_176 : memref<10240x128xf32, #tpu.memory_space<hbm>>) dst(%arg10 : memref<128x128xf32, #tpu.memory_space<vmem>>)
    %barrier3A_177 = arith.constant 0 : index
    tpu.barrier barrier_id(%barrier3A_177)
    %mul3A_178 = arith.constant 640 : i32
    %mul3A_179 = arith.muli %arg1, %mul3A_178 : i32
    %mul3A_180 = arith.constant 10240 : i32
    %mul3A_181 = arith.muli %arg0, %mul3A_180 : i32
    %mul3A_182 = arith.constant 640 : i32
    %mul3A_183 = arith.muli %arg1, %mul3A_182 : i32
    %add3A_184 = arith.addi %mul3A_181, %mul3A_183 : i32
    "tpu.region"() ({
      %run_scoped3A = tpu.sem_alloc : memref<!tpu.dma_semaphore, #tpu.memory_space<semaphore_mem>>
      %dma_start3A_185 = arith.constant 0 : i32
      %dma_start3A_186 = tpu.memref_slice %arg4[%add3A_184, %dma_start3A_185] : memref<20480x128xf32, #tpu.memory_space<hbm>> -> memref<640x128xf32, #tpu.memory_space<hbm>>
      %dma_start3A_187 = arith.constant 0 : i32
      %dma_start3A_188 = tpu.memref_slice %arg12[%mul3A_179, %dma_start3A_187] : memref<10240x128xf32, #tpu.memory_space<vmem_shared>> -> memref<640x128xf32, #tpu.memory_space<vmem_shared>>
      tpu.enqueue_dma source(%dma_start3A_188 : memref<640x128xf32, #tpu.memory_space<vmem_shared>>) target(%dma_start3A_186 : memref<640x128xf32, #tpu.memory_space<hbm>>) target_semaphore(%run_scoped3A : memref<!tpu.dma_semaphore, #tpu.memory_space<semaphore_mem>>)
      %dma_wait3A_189 = arith.constant 0 : i32
      %dma_wait3A_190 = tpu.memref_slice %arg4[%add3A_184, %dma_wait3A_189] : memref<20480x128xf32, #tpu.memory_space<hbm>> -> memref<640x128xf32, #tpu.memory_space<hbm>>
      %dma_wait3A_191 = arith.constant 0 : i32
      %dma_wait3A_192 = tpu.memref_slice %arg12[%mul3A_179, %dma_wait3A_191] : memref<10240x128xf32, #tpu.memory_space<vmem_shared>> -> memref<640x128xf32, #tpu.memory_space<vmem_shared>>
      tpu.wait_dma2 semaphore(%run_scoped3A : memref<!tpu.dma_semaphore, #tpu.memory_space<semaphore_mem>>) src(%dma_wait3A_192 : memref<640x128xf32, #tpu.memory_space<vmem_shared>>) dst(%dma_wait3A_190 : memref<640x128xf32, #tpu.memory_space<hbm>>)
      tpu.yield
    }) : () -> ()
    return
  }
}

#map = affine_map<(d0, d1) -> (0, 0)>
module attributes {stable_mosaic.version = 14 : i64} {
  func.func @_prop_body(%arg0: i32, %arg1: i32, %arg2: memref<10240x128xf32, #tpu.memory_space<hbm>>, %arg3: memref<2560x128xi32, #tpu.memory_space<hbm>>, %arg4: memref<20480x128xf32, #tpu.memory_space<hbm>>, %arg5: memref<80x128xi32, #tpu.memory_space<vmem>>, %arg6: memref<128xi32, #tpu.memory_space<vmem>>, %arg7: memref<128xi32, #tpu.memory_space<vmem>>, %arg8: memref<128xi32, #tpu.memory_space<vmem>>, %arg9: memref<128xi32, #tpu.memory_space<vmem>>, %arg10: memref<128x128xf32, #tpu.memory_space<vmem>>, %arg11: memref<128x128xf32, #tpu.memory_space<vmem>>, %arg12: memref<10240x128xf32, #tpu.memory_space<vmem_shared>>, %arg13: memref<!tpu.dma_semaphore, #tpu.memory_space<semaphore_mem>>, %arg14: memref<!tpu.dma_semaphore, #tpu.memory_space<semaphore_mem>>) attributes {dimension_semantics = [#tpu.dimension_semantics<core_parallel>, #tpu.dimension_semantics<subcore_parallel>], iteration_bounds = array<i64: 2, 16>, scalar_prefetch = 0 : i64, scratch_operands = 10 : i64, tpu.core_type = #tpu.core_type<sc_vector_subcore>, window_params = [{transform_indices = #map}, {transform_indices = #map}, {transform_indices = #map}]} {
    %mul3A = arith.constant 16 : i32
    %mul3A_0 = arith.muli %arg0, %mul3A : i32
    %add3A = arith.addi %mul3A_0, %arg1 : i32
    %mul3A_1 = arith.constant 80 : i32
    %mul3A_2 = arith.muli %add3A, %mul3A_1 : i32
    %dma_start3A = arith.constant 0 : i32
    %dma_start3A_3 = tpu.memref_slice %arg3[%mul3A_2, %dma_start3A] : memref<2560x128xi32, #tpu.memory_space<hbm>> -> memref<80x128xi32, #tpu.memory_space<hbm>>
    %dma_start3A_4 = arith.constant 0 : i32
    %dma_start3A_5 = tpu.memref_slice %arg3[%mul3A_2, %dma_start3A_4] : memref<2560x128xi32, #tpu.memory_space<hbm>> -> memref<80x128xi32, #tpu.memory_space<hbm>>
    tpu.enqueue_dma source(%dma_start3A_5 : memref<80x128xi32, #tpu.memory_space<hbm>>) target(%arg5 : memref<80x128xi32, #tpu.memory_space<vmem>>) target_semaphore(%arg14 : memref<!tpu.dma_semaphore, #tpu.memory_space<semaphore_mem>>)
    %scan3A = arith.constant 0 : i32
    %scan3A_6 = arith.constant 128 : i32
    %scan3A_7 = arith.addi %scan3A, %scan3A_6 : i32
    %scan3A_8 = arith.constant 1 : i32
    scf.for %scan3A_185 = %scan3A to %scan3A_7 step %scan3A_8  : i32 {
      %mul3A_186 = arith.constant 1 : i32
      %mul3A_187 = arith.muli %scan3A_185, %mul3A_186 : i32
      %add3A_188 = arith.constant 0 : i32
      %add3A_189 = arith.addi %add3A_188, %mul3A_187 : i32
      %broadcast_in_dim3A = arith.constant 0.000000e+00 : f32
      %broadcast_in_dim3A_190 = vector.broadcast %broadcast_in_dim3A : f32 to vector<16xf32>
      %swap3A_191 = arith.index_cast %add3A_189 : i32 to index
      %swap3A_192 = arith.constant 0 : index
      %swap3A_193 = tpu.vector_load %arg10[%swap3A_191, %swap3A_192] {strides = array<i32>} : memref<128x128xf32, #tpu.memory_space<vmem>>, vector<1x16xf32>,
      %swap3A_194 = vector.shape_cast %swap3A_193 : vector<1x16xf32> to vector<16xf32>
      %swap3A_195 = vector.shape_cast %broadcast_in_dim3A_190 : vector<16xf32> to vector<1x16xf32>
      tpu.vector_store %arg10[%swap3A_191, %swap3A_192], %swap3A_195 {strides = array<i32>} : memref<128x128xf32, #tpu.memory_space<vmem>>, vector<1x16xf32>,
      %broadcast_in_dim3A_196 = arith.constant 0.000000e+00 : f32
      %broadcast_in_dim3A_197 = vector.broadcast %broadcast_in_dim3A_196 : f32 to vector<16xf32>
      %swap3A_198 = arith.index_cast %add3A_189 : i32 to index
      %swap3A_199 = arith.constant 16 : index
      %swap3A_200 = tpu.vector_load %arg10[%swap3A_198, %swap3A_199] {strides = array<i32>} : memref<128x128xf32, #tpu.memory_space<vmem>>, vector<1x16xf32>,
      %swap3A_201 = vector.shape_cast %swap3A_200 : vector<1x16xf32> to vector<16xf32>
      %swap3A_202 = vector.shape_cast %broadcast_in_dim3A_197 : vector<16xf32> to vector<1x16xf32>
      tpu.vector_store %arg10[%swap3A_198, %swap3A_199], %swap3A_202 {strides = array<i32>} : memref<128x128xf32, #tpu.memory_space<vmem>>, vector<1x16xf32>,
      %broadcast_in_dim3A_203 = arith.constant 0.000000e+00 : f32
      %broadcast_in_dim3A_204 = vector.broadcast %broadcast_in_dim3A_203 : f32 to vector<16xf32>
      %swap3A_205 = arith.index_cast %add3A_189 : i32 to index
      %swap3A_206 = arith.constant 32 : index
      %swap3A_207 = tpu.vector_load %arg10[%swap3A_205, %swap3A_206] {strides = array<i32>} : memref<128x128xf32, #tpu.memory_space<vmem>>, vector<1x16xf32>,
      %swap3A_208 = vector.shape_cast %swap3A_207 : vector<1x16xf32> to vector<16xf32>
      %swap3A_209 = vector.shape_cast %broadcast_in_dim3A_204 : vector<16xf32> to vector<1x16xf32>
      tpu.vector_store %arg10[%swap3A_205, %swap3A_206], %swap3A_209 {strides = array<i32>} : memref<128x128xf32, #tpu.memory_space<vmem>>, vector<1x16xf32>,
      %broadcast_in_dim3A_210 = arith.constant 0.000000e+00 : f32
      %broadcast_in_dim3A_211 = vector.broadcast %broadcast_in_dim3A_210 : f32 to vector<16xf32>
      %swap3A_212 = arith.index_cast %add3A_189 : i32 to index
      %swap3A_213 = arith.constant 48 : index
      %swap3A_214 = tpu.vector_load %arg10[%swap3A_212, %swap3A_213] {strides = array<i32>} : memref<128x128xf32, #tpu.memory_space<vmem>>, vector<1x16xf32>,
      %swap3A_215 = vector.shape_cast %swap3A_214 : vector<1x16xf32> to vector<16xf32>
      %swap3A_216 = vector.shape_cast %broadcast_in_dim3A_211 : vector<16xf32> to vector<1x16xf32>
      tpu.vector_store %arg10[%swap3A_212, %swap3A_213], %swap3A_216 {strides = array<i32>} : memref<128x128xf32, #tpu.memory_space<vmem>>, vector<1x16xf32>,
      %broadcast_in_dim3A_217 = arith.constant 0.000000e+00 : f32
      %broadcast_in_dim3A_218 = vector.broadcast %broadcast_in_dim3A_217 : f32 to vector<16xf32>
      %swap3A_219 = arith.index_cast %add3A_189 : i32 to index
      %swap3A_220 = arith.constant 64 : index
      %swap3A_221 = tpu.vector_load %arg10[%swap3A_219, %swap3A_220] {strides = array<i32>} : memref<128x128xf32, #tpu.memory_space<vmem>>, vector<1x16xf32>,
      %swap3A_222 = vector.shape_cast %swap3A_221 : vector<1x16xf32> to vector<16xf32>
      %swap3A_223 = vector.shape_cast %broadcast_in_dim3A_218 : vector<16xf32> to vector<1x16xf32>
      tpu.vector_store %arg10[%swap3A_219, %swap3A_220], %swap3A_223 {strides = array<i32>} : memref<128x128xf32, #tpu.memory_space<vmem>>, vector<1x16xf32>,
      %broadcast_in_dim3A_224 = arith.constant 0.000000e+00 : f32
      %broadcast_in_dim3A_225 = vector.broadcast %broadcast_in_dim3A_224 : f32 to vector<16xf32>
      %swap3A_226 = arith.index_cast %add3A_189 : i32 to index
      %swap3A_227 = arith.constant 80 : index
      %swap3A_228 = tpu.vector_load %arg10[%swap3A_226, %swap3A_227] {strides = array<i32>} : memref<128x128xf32, #tpu.memory_space<vmem>>, vector<1x16xf32>,
      %swap3A_229 = vector.shape_cast %swap3A_228 : vector<1x16xf32> to vector<16xf32>
      %swap3A_230 = vector.shape_cast %broadcast_in_dim3A_225 : vector<16xf32> to vector<1x16xf32>
      tpu.vector_store %arg10[%swap3A_226, %swap3A_227], %swap3A_230 {strides = array<i32>} : memref<128x128xf32, #tpu.memory_space<vmem>>, vector<1x16xf32>,
      %broadcast_in_dim3A_231 = arith.constant 0.000000e+00 : f32
      %broadcast_in_dim3A_232 = vector.broadcast %broadcast_in_dim3A_231 : f32 to vector<16xf32>
      %swap3A_233 = arith.index_cast %add3A_189 : i32 to index
      %swap3A_234 = arith.constant 96 : index
      %swap3A_235 = tpu.vector_load %arg10[%swap3A_233, %swap3A_234] {strides = array<i32>} : memref<128x128xf32, #tpu.memory_space<vmem>>, vector<1x16xf32>,
      %swap3A_236 = vector.shape_cast %swap3A_235 : vector<1x16xf32> to vector<16xf32>
      %swap3A_237 = vector.shape_cast %broadcast_in_dim3A_232 : vector<16xf32> to vector<1x16xf32>
      tpu.vector_store %arg10[%swap3A_233, %swap3A_234], %swap3A_237 {strides = array<i32>} : memref<128x128xf32, #tpu.memory_space<vmem>>, vector<1x16xf32>,
      %broadcast_in_dim3A_238 = arith.constant 0.000000e+00 : f32
      %broadcast_in_dim3A_239 = vector.broadcast %broadcast_in_dim3A_238 : f32 to vector<16xf32>
      %swap3A_240 = arith.index_cast %add3A_189 : i32 to index
      %swap3A_241 = arith.constant 112 : index
      %swap3A_242 = tpu.vector_load %arg10[%swap3A_240, %swap3A_241] {strides = array<i32>} : memref<128x128xf32, #tpu.memory_space<vmem>>, vector<1x16xf32>,
      %swap3A_243 = vector.shape_cast %swap3A_242 : vector<1x16xf32> to vector<16xf32>
      %swap3A_244 = vector.shape_cast %broadcast_in_dim3A_239 : vector<16xf32> to vector<1x16xf32>
      tpu.vector_store %arg10[%swap3A_240, %swap3A_241], %swap3A_244 {strides = array<i32>} : memref<128x128xf32, #tpu.memory_space<vmem>>, vector<1x16xf32>,
    }
    %scan3A_9 = arith.constant 128 : i32
    %scan3A_10 = arith.constant 0 : i32
    %scan3A_11 = arith.constant 5 : i32
    %scan3A_12 = arith.addi %scan3A_10, %scan3A_11 : i32
    %scan3A_13 = arith.constant 1 : i32
    scf.for %scan3A_185 = %scan3A_10 to %scan3A_12 step %scan3A_13  : i32 {
      %mul3A_186 = arith.constant 1 : i32
      %mul3A_187 = arith.muli %scan3A_185, %mul3A_186 : i32
      %add3A_188 = arith.constant 0 : i32
      %add3A_189 = arith.addi %add3A_188, %mul3A_187 : i32
      %mul3A_190 = arith.constant 640 : i32
      %mul3A_191 = arith.muli %arg1, %mul3A_190 : i32
      %mul3A_192 = arith.constant 128 : i32
      %mul3A_193 = arith.muli %add3A_189, %mul3A_192 : i32
      %add3A_194 = arith.addi %mul3A_191, %mul3A_193 : i32
      "tpu.region"() ({
        %run_scoped3A = tpu.sem_alloc : memref<!tpu.dma_semaphore, #tpu.memory_space<semaphore_mem>>
        %dma_start3A_195 = arith.constant 0 : i32
        %dma_start3A_196 = tpu.memref_slice %arg12[%add3A_194, %dma_start3A_195] : memref<10240x128xf32, #tpu.memory_space<vmem_shared>> -> memref<128x128xf32, #tpu.memory_space<vmem_shared>>
        %dma_start3A_197 = arith.constant 0 : i32
        %dma_start3A_198 = tpu.memref_slice %arg12[%add3A_194, %dma_start3A_197] : memref<10240x128xf32, #tpu.memory_space<vmem_shared>> -> memref<128x128xf32, #tpu.memory_space<vmem_shared>>
        tpu.enqueue_dma source(%arg10 : memref<128x128xf32, #tpu.memory_space<vmem>>) target(%dma_start3A_198 : memref<128x128xf32, #tpu.memory_space<vmem_shared>>) target_semaphore(%run_scoped3A : memref<!tpu.dma_semaphore, #tpu.memory_space<semaphore_mem>>)
        %dma_wait3A_199 = arith.constant 0 : i32
        %dma_wait3A_200 = tpu.memref_slice %arg12[%add3A_194, %dma_wait3A_199] : memref<10240x128xf32, #tpu.memory_space<vmem_shared>> -> memref<128x128xf32, #tpu.memory_space<vmem_shared>>
        %dma_wait3A_201 = arith.constant 0 : i32
        %dma_wait3A_202 = tpu.memref_slice %arg12[%add3A_194, %dma_wait3A_201] : memref<10240x128xf32, #tpu.memory_space<vmem_shared>> -> memref<128x128xf32, #tpu.memory_space<vmem_shared>>
        tpu.wait_dma2 semaphore(%run_scoped3A : memref<!tpu.dma_semaphore, #tpu.memory_space<semaphore_mem>>) src(%arg10 : memref<128x128xf32, #tpu.memory_space<vmem>>) dst(%dma_wait3A_202 : memref<128x128xf32, #tpu.memory_space<vmem_shared>>)
        tpu.yield
      }) : () -> ()
    }
    %scan3A_14 = arith.constant 5 : i32
    %dma_wait3A = arith.constant 0 : i32
    %dma_wait3A_15 = tpu.memref_slice %arg3[%mul3A_2, %dma_wait3A] : memref<2560x128xi32, #tpu.memory_space<hbm>> -> memref<80x128xi32, #tpu.memory_space<hbm>>
    %dma_wait3A_16 = arith.constant 0 : i32
    %dma_wait3A_17 = tpu.memref_slice %arg3[%mul3A_2, %dma_wait3A_16] : memref<2560x128xi32, #tpu.memory_space<hbm>> -> memref<80x128xi32, #tpu.memory_space<hbm>>
    tpu.wait_dma2 semaphore(%arg14 : memref<!tpu.dma_semaphore, #tpu.memory_space<semaphore_mem>>) src(%dma_wait3A_17 : memref<80x128xi32, #tpu.memory_space<hbm>>) dst(%arg5 : memref<80x128xi32, #tpu.memory_space<vmem>>)
    %get3A = arith.constant 0 : i32
    %get3A_18 = arith.index_cast %get3A : i32 to index
    %get3A_19 = arith.constant 0 : index
    %get3A_20 = tpu.vector_load %arg5[%get3A_18, %get3A_19] {strides = array<i32>} : memref<80x128xi32, #tpu.memory_space<vmem>>, vector<1x16xi32>,
    %get3A_21 = vector.shape_cast %get3A_20 : vector<1x16xi32> to vector<16xi32>
    %and3A = arith.constant 16383 : i32
    %and3A_22 = vector.broadcast %and3A : i32 to vector<16xi32>
    %and3A_23 = arith.andi %get3A_21, %and3A_22 : vector<16xi32>
    %swap3A = arith.constant 0 : index
    %swap3A_24 = tpu.vector_load %arg6[%swap3A] {strides = array<i32>} : memref<128xi32, #tpu.memory_space<vmem>>, vector<16xi32>,
    %swap3A_25 = vector.shape_cast %swap3A_24 : vector<16xi32> to vector<16xi32>
    %swap3A_26 = vector.shape_cast %and3A_23 : vector<16xi32> to vector<16xi32>
    tpu.vector_store %arg6[%swap3A], %swap3A_26 {strides = array<i32>} : memref<128xi32, #tpu.memory_space<vmem>>, vector<16xi32>,
    %shift_right_logical3A = arith.constant 14 : i32
    %shift_right_logical3A_27 = vector.broadcast %shift_right_logical3A : i32 to vector<16xi32>
    %shift_right_logical3A_28 = arith.shrui %get3A_21, %shift_right_logical3A_27 : vector<16xi32>
    %swap3A_29 = arith.constant 0 : index
    %swap3A_30 = tpu.vector_load %arg8[%swap3A_29] {strides = array<i32>} : memref<128xi32, #tpu.memory_space<vmem>>, vector<16xi32>,
    %swap3A_31 = vector.shape_cast %swap3A_30 : vector<16xi32> to vector<16xi32>
    %swap3A_32 = vector.shape_cast %shift_right_logical3A_28 : vector<16xi32> to vector<16xi32>
    tpu.vector_store %arg8[%swap3A_29], %swap3A_32 {strides = array<i32>} : memref<128xi32, #tpu.memory_space<vmem>>, vector<16xi32>,
    %get3A_33 = arith.constant 0 : i32
    %get3A_34 = arith.index_cast %get3A_33 : i32 to index
    %get3A_35 = arith.constant 16 : index
    %get3A_36 = tpu.vector_load %arg5[%get3A_34, %get3A_35] {strides = array<i32>} : memref<80x128xi32, #tpu.memory_space<vmem>>, vector<1x16xi32>,
    %get3A_37 = vector.shape_cast %get3A_36 : vector<1x16xi32> to vector<16xi32>
    %and3A_38 = arith.constant 16383 : i32
    %and3A_39 = vector.broadcast %and3A_38 : i32 to vector<16xi32>
    %and3A_40 = arith.andi %get3A_37, %and3A_39 : vector<16xi32>
    %swap3A_41 = arith.constant 16 : index
    %swap3A_42 = tpu.vector_load %arg6[%swap3A_41] {strides = array<i32>} : memref<128xi32, #tpu.memory_space<vmem>>, vector<16xi32>,
    %swap3A_43 = vector.shape_cast %swap3A_42 : vector<16xi32> to vector<16xi32>
    %swap3A_44 = vector.shape_cast %and3A_40 : vector<16xi32> to vector<16xi32>
    tpu.vector_store %arg6[%swap3A_41], %swap3A_44 {strides = array<i32>} : memref<128xi32, #tpu.memory_space<vmem>>, vector<16xi32>,
    %shift_right_logical3A_45 = arith.constant 14 : i32
    %shift_right_logical3A_46 = vector.broadcast %shift_right_logical3A_45 : i32 to vector<16xi32>
    %shift_right_logical3A_47 = arith.shrui %get3A_37, %shift_right_logical3A_46 : vector<16xi32>
    %swap3A_48 = arith.constant 16 : index
    %swap3A_49 = tpu.vector_load %arg8[%swap3A_48] {strides = array<i32>} : memref<128xi32, #tpu.memory_space<vmem>>, vector<16xi32>,
    %swap3A_50 = vector.shape_cast %swap3A_49 : vector<16xi32> to vector<16xi32>
    %swap3A_51 = vector.shape_cast %shift_right_logical3A_47 : vector<16xi32> to vector<16xi32>
    tpu.vector_store %arg8[%swap3A_48], %swap3A_51 {strides = array<i32>} : memref<128xi32, #tpu.memory_space<vmem>>, vector<16xi32>,
    %get3A_52 = arith.constant 0 : i32
    %get3A_53 = arith.index_cast %get3A_52 : i32 to index
    %get3A_54 = arith.constant 32 : index
    %get3A_55 = tpu.vector_load %arg5[%get3A_53, %get3A_54] {strides = array<i32>} : memref<80x128xi32, #tpu.memory_space<vmem>>, vector<1x16xi32>,
    %get3A_56 = vector.shape_cast %get3A_55 : vector<1x16xi32> to vector<16xi32>
    %and3A_57 = arith.constant 16383 : i32
    %and3A_58 = vector.broadcast %and3A_57 : i32 to vector<16xi32>
    %and3A_59 = arith.andi %get3A_56, %and3A_58 : vector<16xi32>
    %swap3A_60 = arith.constant 32 : index
    %swap3A_61 = tpu.vector_load %arg6[%swap3A_60] {strides = array<i32>} : memref<128xi32, #tpu.memory_space<vmem>>, vector<16xi32>,
    %swap3A_62 = vector.shape_cast %swap3A_61 : vector<16xi32> to vector<16xi32>
    %swap3A_63 = vector.shape_cast %and3A_59 : vector<16xi32> to vector<16xi32>
    tpu.vector_store %arg6[%swap3A_60], %swap3A_63 {strides = array<i32>} : memref<128xi32, #tpu.memory_space<vmem>>, vector<16xi32>,
    %shift_right_logical3A_64 = arith.constant 14 : i32
    %shift_right_logical3A_65 = vector.broadcast %shift_right_logical3A_64 : i32 to vector<16xi32>
    %shift_right_logical3A_66 = arith.shrui %get3A_56, %shift_right_logical3A_65 : vector<16xi32>
    %swap3A_67 = arith.constant 32 : index
    %swap3A_68 = tpu.vector_load %arg8[%swap3A_67] {strides = array<i32>} : memref<128xi32, #tpu.memory_space<vmem>>, vector<16xi32>,
    %swap3A_69 = vector.shape_cast %swap3A_68 : vector<16xi32> to vector<16xi32>
    %swap3A_70 = vector.shape_cast %shift_right_logical3A_66 : vector<16xi32> to vector<16xi32>
    tpu.vector_store %arg8[%swap3A_67], %swap3A_70 {strides = array<i32>} : memref<128xi32, #tpu.memory_space<vmem>>, vector<16xi32>,
    %get3A_71 = arith.constant 0 : i32
    %get3A_72 = arith.index_cast %get3A_71 : i32 to index
    %get3A_73 = arith.constant 48 : index
    %get3A_74 = tpu.vector_load %arg5[%get3A_72, %get3A_73] {strides = array<i32>} : memref<80x128xi32, #tpu.memory_space<vmem>>, vector<1x16xi32>,
    %get3A_75 = vector.shape_cast %get3A_74 : vector<1x16xi32> to vector<16xi32>
    %and3A_76 = arith.constant 16383 : i32
    %and3A_77 = vector.broadcast %and3A_76 : i32 to vector<16xi32>
    %and3A_78 = arith.andi %get3A_75, %and3A_77 : vector<16xi32>
    %swap3A_79 = arith.constant 48 : index
    %swap3A_80 = tpu.vector_load %arg6[%swap3A_79] {strides = array<i32>} : memref<128xi32, #tpu.memory_space<vmem>>, vector<16xi32>,
    %swap3A_81 = vector.shape_cast %swap3A_80 : vector<16xi32> to vector<16xi32>
    %swap3A_82 = vector.shape_cast %and3A_78 : vector<16xi32> to vector<16xi32>
    tpu.vector_store %arg6[%swap3A_79], %swap3A_82 {strides = array<i32>} : memref<128xi32, #tpu.memory_space<vmem>>, vector<16xi32>,
    %shift_right_logical3A_83 = arith.constant 14 : i32
    %shift_right_logical3A_84 = vector.broadcast %shift_right_logical3A_83 : i32 to vector<16xi32>
    %shift_right_logical3A_85 = arith.shrui %get3A_75, %shift_right_logical3A_84 : vector<16xi32>
    %swap3A_86 = arith.constant 48 : index
    %swap3A_87 = tpu.vector_load %arg8[%swap3A_86] {strides = array<i32>} : memref<128xi32, #tpu.memory_space<vmem>>, vector<16xi32>,
    %swap3A_88 = vector.shape_cast %swap3A_87 : vector<16xi32> to vector<16xi32>
    %swap3A_89 = vector.shape_cast %shift_right_logical3A_85 : vector<16xi32> to vector<16xi32>
    tpu.vector_store %arg8[%swap3A_86], %swap3A_89 {strides = array<i32>} : memref<128xi32, #tpu.memory_space<vmem>>, vector<16xi32>,
    %get3A_90 = arith.constant 0 : i32
    %get3A_91 = arith.index_cast %get3A_90 : i32 to index
    %get3A_92 = arith.constant 64 : index
    %get3A_93 = tpu.vector_load %arg5[%get3A_91, %get3A_92] {strides = array<i32>} : memref<80x128xi32, #tpu.memory_space<vmem>>, vector<1x16xi32>,
    %get3A_94 = vector.shape_cast %get3A_93 : vector<1x16xi32> to vector<16xi32>
    %and3A_95 = arith.constant 16383 : i32
    %and3A_96 = vector.broadcast %and3A_95 : i32 to vector<16xi32>
    %and3A_97 = arith.andi %get3A_94, %and3A_96 : vector<16xi32>
    %swap3A_98 = arith.constant 64 : index
    %swap3A_99 = tpu.vector_load %arg6[%swap3A_98] {strides = array<i32>} : memref<128xi32, #tpu.memory_space<vmem>>, vector<16xi32>,
    %swap3A_100 = vector.shape_cast %swap3A_99 : vector<16xi32> to vector<16xi32>
    %swap3A_101 = vector.shape_cast %and3A_97 : vector<16xi32> to vector<16xi32>
    tpu.vector_store %arg6[%swap3A_98], %swap3A_101 {strides = array<i32>} : memref<128xi32, #tpu.memory_space<vmem>>, vector<16xi32>,
    %shift_right_logical3A_102 = arith.constant 14 : i32
    %shift_right_logical3A_103 = vector.broadcast %shift_right_logical3A_102 : i32 to vector<16xi32>
    %shift_right_logical3A_104 = arith.shrui %get3A_94, %shift_right_logical3A_103 : vector<16xi32>
    %swap3A_105 = arith.constant 64 : index
    %swap3A_106 = tpu.vector_load %arg8[%swap3A_105] {strides = array<i32>} : memref<128xi32, #tpu.memory_space<vmem>>, vector<16xi32>,
    %swap3A_107 = vector.shape_cast %swap3A_106 : vector<16xi32> to vector<16xi32>
    %swap3A_108 = vector.shape_cast %shift_right_logical3A_104 : vector<16xi32> to vector<16xi32>
    tpu.vector_store %arg8[%swap3A_105], %swap3A_108 {strides = array<i32>} : memref<128xi32, #tpu.memory_space<vmem>>, vector<16xi32>,
    %get3A_109 = arith.constant 0 : i32
    %get3A_110 = arith.index_cast %get3A_109 : i32 to index
    %get3A_111 = arith.constant 80 : index
    %get3A_112 = tpu.vector_load %arg5[%get3A_110, %get3A_111] {strides = array<i32>} : memref<80x128xi32, #tpu.memory_space<vmem>>, vector<1x16xi32>,
    %get3A_113 = vector.shape_cast %get3A_112 : vector<1x16xi32> to vector<16xi32>
    %and3A_114 = arith.constant 16383 : i32
    %and3A_115 = vector.broadcast %and3A_114 : i32 to vector<16xi32>
    %and3A_116 = arith.andi %get3A_113, %and3A_115 : vector<16xi32>
    %swap3A_117 = arith.constant 80 : index
    %swap3A_118 = tpu.vector_load %arg6[%swap3A_117] {strides = array<i32>} : memref<128xi32, #tpu.memory_space<vmem>>, vector<16xi32>,
    %swap3A_119 = vector.shape_cast %swap3A_118 : vector<16xi32> to vector<16xi32>
    %swap3A_120 = vector.shape_cast %and3A_116 : vector<16xi32> to vector<16xi32>
    tpu.vector_store %arg6[%swap3A_117], %swap3A_120 {strides = array<i32>} : memref<128xi32, #tpu.memory_space<vmem>>, vector<16xi32>,
    %shift_right_logical3A_121 = arith.constant 14 : i32
    %shift_right_logical3A_122 = vector.broadcast %shift_right_logical3A_121 : i32 to vector<16xi32>
    %shift_right_logical3A_123 = arith.shrui %get3A_113, %shift_right_logical3A_122 : vector<16xi32>
    %swap3A_124 = arith.constant 80 : index
    %swap3A_125 = tpu.vector_load %arg8[%swap3A_124] {strides = array<i32>} : memref<128xi32, #tpu.memory_space<vmem>>, vector<16xi32>,
    %swap3A_126 = vector.shape_cast %swap3A_125 : vector<16xi32> to vector<16xi32>
    %swap3A_127 = vector.shape_cast %shift_right_logical3A_123 : vector<16xi32> to vector<16xi32>
    tpu.vector_store %arg8[%swap3A_124], %swap3A_127 {strides = array<i32>} : memref<128xi32, #tpu.memory_space<vmem>>, vector<16xi32>,
    %get3A_128 = arith.constant 0 : i32
    %get3A_129 = arith.index_cast %get3A_128 : i32 to index
    %get3A_130 = arith.constant 96 : index
    %get3A_131 = tpu.vector_load %arg5[%get3A_129, %get3A_130] {strides = array<i32>} : memref<80x128xi32, #tpu.memory_space<vmem>>, vector<1x16xi32>,
    %get3A_132 = vector.shape_cast %get3A_131 : vector<1x16xi32> to vector<16xi32>
    %and3A_133 = arith.constant 16383 : i32
    %and3A_134 = vector.broadcast %and3A_133 : i32 to vector<16xi32>
    %and3A_135 = arith.andi %get3A_132, %and3A_134 : vector<16xi32>
    %swap3A_136 = arith.constant 96 : index
    %swap3A_137 = tpu.vector_load %arg6[%swap3A_136] {strides = array<i32>} : memref<128xi32, #tpu.memory_space<vmem>>, vector<16xi32>,
    %swap3A_138 = vector.shape_cast %swap3A_137 : vector<16xi32> to vector<16xi32>
    %swap3A_139 = vector.shape_cast %and3A_135 : vector<16xi32> to vector<16xi32>
    tpu.vector_store %arg6[%swap3A_136], %swap3A_139 {strides = array<i32>} : memref<128xi32, #tpu.memory_space<vmem>>, vector<16xi32>,
    %shift_right_logical3A_140 = arith.constant 14 : i32
    %shift_right_logical3A_141 = vector.broadcast %shift_right_logical3A_140 : i32 to vector<16xi32>
    %shift_right_logical3A_142 = arith.shrui %get3A_132, %shift_right_logical3A_141 : vector<16xi32>
    %swap3A_143 = arith.constant 96 : index
    %swap3A_144 = tpu.vector_load %arg8[%swap3A_143] {strides = array<i32>} : memref<128xi32, #tpu.memory_space<vmem>>, vector<16xi32>,
    %swap3A_145 = vector.shape_cast %swap3A_144 : vector<16xi32> to vector<16xi32>
    %swap3A_146 = vector.shape_cast %shift_right_logical3A_142 : vector<16xi32> to vector<16xi32>
    tpu.vector_store %arg8[%swap3A_143], %swap3A_146 {strides = array<i32>} : memref<128xi32, #tpu.memory_space<vmem>>, vector<16xi32>,
    %get3A_147 = arith.constant 0 : i32
    %get3A_148 = arith.index_cast %get3A_147 : i32 to index
    %get3A_149 = arith.constant 112 : index
    %get3A_150 = tpu.vector_load %arg5[%get3A_148, %get3A_149] {strides = array<i32>} : memref<80x128xi32, #tpu.memory_space<vmem>>, vector<1x16xi32>,
    %get3A_151 = vector.shape_cast %get3A_150 : vector<1x16xi32> to vector<16xi32>
    %and3A_152 = arith.constant 16383 : i32
    %and3A_153 = vector.broadcast %and3A_152 : i32 to vector<16xi32>
    %and3A_154 = arith.andi %get3A_151, %and3A_153 : vector<16xi32>
    %swap3A_155 = arith.constant 112 : index
    %swap3A_156 = tpu.vector_load %arg6[%swap3A_155] {strides = array<i32>} : memref<128xi32, #tpu.memory_space<vmem>>, vector<16xi32>,
    %swap3A_157 = vector.shape_cast %swap3A_156 : vector<16xi32> to vector<16xi32>
    %swap3A_158 = vector.shape_cast %and3A_154 : vector<16xi32> to vector<16xi32>
    tpu.vector_store %arg6[%swap3A_155], %swap3A_158 {strides = array<i32>} : memref<128xi32, #tpu.memory_space<vmem>>, vector<16xi32>,
    %shift_right_logical3A_159 = arith.constant 14 : i32
    %shift_right_logical3A_160 = vector.broadcast %shift_right_logical3A_159 : i32 to vector<16xi32>
    %shift_right_logical3A_161 = arith.shrui %get3A_151, %shift_right_logical3A_160 : vector<16xi32>
    %swap3A_162 = arith.constant 112 : index
    %swap3A_163 = tpu.vector_load %arg8[%swap3A_162] {strides = array<i32>} : memref<128xi32, #tpu.memory_space<vmem>>, vector<16xi32>,
    %swap3A_164 = vector.shape_cast %swap3A_163 : vector<16xi32> to vector<16xi32>
    %swap3A_165 = vector.shape_cast %shift_right_logical3A_161 : vector<16xi32> to vector<16xi32>
    tpu.vector_store %arg8[%swap3A_162], %swap3A_165 {strides = array<i32>} : memref<128xi32, #tpu.memory_space<vmem>>, vector<16xi32>,
    %dma_start3A_166 = arith.constant 0 : i32
    %dma_start3A_167 = arith.constant 0 : i32
    %dma_start3A_168 = tpu.memref_slice %arg2[%dma_start3A_166, %dma_start3A_167] : memref<10240x128xf32, #tpu.memory_space<hbm>> -> memref<10240x128xf32, #tpu.memory_space<hbm>>
    tpu.enqueue_indirect_dma source(%dma_start3A_168 : memref<10240x128xf32, #tpu.memory_space<hbm>>) target(%arg10 : memref<128x128xf32, #tpu.memory_space<vmem>>) offsets(%arg6 : memref<128xi32, #tpu.memory_space<vmem>>) semaphore(%arg13 : memref<!tpu.dma_semaphore, #tpu.memory_space<semaphore_mem>>)
    %barrier3A = arith.constant 0 : index
    tpu.barrier barrier_id(%barrier3A)
    %scan3A_169 = arith.constant 0 : i32
    %scan3A_170 = arith.constant 40 : i32
    %scan3A_171 = arith.addi %scan3A_169, %scan3A_170 : i32
    %scan3A_172 = arith.constant 1 : i32
    scf.for %scan3A_185 = %scan3A_169 to %scan3A_171 step %scan3A_172  : i32 {
      %mul3A_186 = arith.constant 2 : i32
      %mul3A_187 = arith.muli %scan3A_185, %mul3A_186 : i32
      %add3A_188 = arith.constant 0 : i32
      %add3A_189 = arith.addi %add3A_188, %mul3A_187 : i32
      %add3A_190 = arith.constant 0 : i32
      %add3A_191 = arith.addi %add3A_189, %add3A_190 : i32
      %add3A_192 = arith.constant 1 : i32
      %add3A_193 = arith.addi %add3A_191, %add3A_192 : i32
      %min3A = arith.constant 79 : i32
      %min3A_194 = arith.minsi %add3A_193, %min3A : i32
      %get3A_195 = arith.index_cast %min3A_194 : i32 to index
      %get3A_196 = arith.constant 0 : index
      %get3A_197 = tpu.vector_load %arg5[%get3A_195, %get3A_196] {strides = array<i32>} : memref<80x128xi32, #tpu.memory_space<vmem>>, vector<1x16xi32>,
      %get3A_198 = vector.shape_cast %get3A_197 : vector<1x16xi32> to vector<16xi32>
      %and3A_199 = arith.constant 16383 : i32
      %and3A_200 = vector.broadcast %and3A_199 : i32 to vector<16xi32>
      %and3A_201 = arith.andi %get3A_198, %and3A_200 : vector<16xi32>
      %swap3A_202 = arith.constant 0 : index
      %swap3A_203 = tpu.vector_load %arg7[%swap3A_202] {strides = array<i32>} : memref<128xi32, #tpu.memory_space<vmem>>, vector<16xi32>,
      %swap3A_204 = vector.shape_cast %swap3A_203 : vector<16xi32> to vector<16xi32>
      %swap3A_205 = vector.shape_cast %and3A_201 : vector<16xi32> to vector<16xi32>
      tpu.vector_store %arg7[%swap3A_202], %swap3A_205 {strides = array<i32>} : memref<128xi32, #tpu.memory_space<vmem>>, vector<16xi32>,
      %shift_right_logical3A_206 = arith.constant 14 : i32
      %shift_right_logical3A_207 = vector.broadcast %shift_right_logical3A_206 : i32 to vector<16xi32>
      %shift_right_logical3A_208 = arith.shrui %get3A_198, %shift_right_logical3A_207 : vector<16xi32>
      %swap3A_209 = arith.constant 0 : index
      %swap3A_210 = tpu.vector_load %arg9[%swap3A_209] {strides = array<i32>} : memref<128xi32, #tpu.memory_space<vmem>>, vector<16xi32>,
      %swap3A_211 = vector.shape_cast %swap3A_210 : vector<16xi32> to vector<16xi32>
      %swap3A_212 = vector.shape_cast %shift_right_logical3A_208 : vector<16xi32> to vector<16xi32>
      tpu.vector_store %arg9[%swap3A_209], %swap3A_212 {strides = array<i32>} : memref<128xi32, #tpu.memory_space<vmem>>, vector<16xi32>,
      %get3A_213 = arith.index_cast %min3A_194 : i32 to index
      %get3A_214 = arith.constant 16 : index
      %get3A_215 = tpu.vector_load %arg5[%get3A_213, %get3A_214] {strides = array<i32>} : memref<80x128xi32, #tpu.memory_space<vmem>>, vector<1x16xi32>,
      %get3A_216 = vector.shape_cast %get3A_215 : vector<1x16xi32> to vector<16xi32>
      %and3A_217 = arith.constant 16383 : i32
      %and3A_218 = vector.broadcast %and3A_217 : i32 to vector<16xi32>
      %and3A_219 = arith.andi %get3A_216, %and3A_218 : vector<16xi32>
      %swap3A_220 = arith.constant 16 : index
      %swap3A_221 = tpu.vector_load %arg7[%swap3A_220] {strides = array<i32>} : memref<128xi32, #tpu.memory_space<vmem>>, vector<16xi32>,
      %swap3A_222 = vector.shape_cast %swap3A_221 : vector<16xi32> to vector<16xi32>
      %swap3A_223 = vector.shape_cast %and3A_219 : vector<16xi32> to vector<16xi32>
      tpu.vector_store %arg7[%swap3A_220], %swap3A_223 {strides = array<i32>} : memref<128xi32, #tpu.memory_space<vmem>>, vector<16xi32>,
      %shift_right_logical3A_224 = arith.constant 14 : i32
      %shift_right_logical3A_225 = vector.broadcast %shift_right_logical3A_224 : i32 to vector<16xi32>
      %shift_right_logical3A_226 = arith.shrui %get3A_216, %shift_right_logical3A_225 : vector<16xi32>
      %swap3A_227 = arith.constant 16 : index
      %swap3A_228 = tpu.vector_load %arg9[%swap3A_227] {strides = array<i32>} : memref<128xi32, #tpu.memory_space<vmem>>, vector<16xi32>,
      %swap3A_229 = vector.shape_cast %swap3A_228 : vector<16xi32> to vector<16xi32>
      %swap3A_230 = vector.shape_cast %shift_right_logical3A_226 : vector<16xi32> to vector<16xi32>
      tpu.vector_store %arg9[%swap3A_227], %swap3A_230 {strides = array<i32>} : memref<128xi32, #tpu.memory_space<vmem>>, vector<16xi32>,
      %get3A_231 = arith.index_cast %min3A_194 : i32 to index
      %get3A_232 = arith.constant 32 : index
      %get3A_233 = tpu.vector_load %arg5[%get3A_231, %get3A_232] {strides = array<i32>} : memref<80x128xi32, #tpu.memory_space<vmem>>, vector<1x16xi32>,
      %get3A_234 = vector.shape_cast %get3A_233 : vector<1x16xi32> to vector<16xi32>
      %and3A_235 = arith.constant 16383 : i32
      %and3A_236 = vector.broadcast %and3A_235 : i32 to vector<16xi32>
      %and3A_237 = arith.andi %get3A_234, %and3A_236 : vector<16xi32>
      %swap3A_238 = arith.constant 32 : index
      %swap3A_239 = tpu.vector_load %arg7[%swap3A_238] {strides = array<i32>} : memref<128xi32, #tpu.memory_space<vmem>>, vector<16xi32>,
      %swap3A_240 = vector.shape_cast %swap3A_239 : vector<16xi32> to vector<16xi32>
      %swap3A_241 = vector.shape_cast %and3A_237 : vector<16xi32> to vector<16xi32>
      tpu.vector_store %arg7[%swap3A_238], %swap3A_241 {strides = array<i32>} : memref<128xi32, #tpu.memory_space<vmem>>, vector<16xi32>,
      %shift_right_logical3A_242 = arith.constant 14 : i32
      %shift_right_logical3A_243 = vector.broadcast %shift_right_logical3A_242 : i32 to vector<16xi32>
      %shift_right_logical3A_244 = arith.shrui %get3A_234, %shift_right_logical3A_243 : vector<16xi32>
      %swap3A_245 = arith.constant 32 : index
      %swap3A_246 = tpu.vector_load %arg9[%swap3A_245] {strides = array<i32>} : memref<128xi32, #tpu.memory_space<vmem>>, vector<16xi32>,
      %swap3A_247 = vector.shape_cast %swap3A_246 : vector<16xi32> to vector<16xi32>
      %swap3A_248 = vector.shape_cast %shift_right_logical3A_244 : vector<16xi32> to vector<16xi32>
      tpu.vector_store %arg9[%swap3A_245], %swap3A_248 {strides = array<i32>} : memref<128xi32, #tpu.memory_space<vmem>>, vector<16xi32>,
      %get3A_249 = arith.index_cast %min3A_194 : i32 to index
      %get3A_250 = arith.constant 48 : index
      %get3A_251 = tpu.vector_load %arg5[%get3A_249, %get3A_250] {strides = array<i32>} : memref<80x128xi32, #tpu.memory_space<vmem>>, vector<1x16xi32>,
      %get3A_252 = vector.shape_cast %get3A_251 : vector<1x16xi32> to vector<16xi32>
      %and3A_253 = arith.constant 16383 : i32
      %and3A_254 = vector.broadcast %and3A_253 : i32 to vector<16xi32>
      %and3A_255 = arith.andi %get3A_252, %and3A_254 : vector<16xi32>
      %swap3A_256 = arith.constant 48 : index
      %swap3A_257 = tpu.vector_load %arg7[%swap3A_256] {strides = array<i32>} : memref<128xi32, #tpu.memory_space<vmem>>, vector<16xi32>,
      %swap3A_258 = vector.shape_cast %swap3A_257 : vector<16xi32> to vector<16xi32>
      %swap3A_259 = vector.shape_cast %and3A_255 : vector<16xi32> to vector<16xi32>
      tpu.vector_store %arg7[%swap3A_256], %swap3A_259 {strides = array<i32>} : memref<128xi32, #tpu.memory_space<vmem>>, vector<16xi32>,
      %shift_right_logical3A_260 = arith.constant 14 : i32
      %shift_right_logical3A_261 = vector.broadcast %shift_right_logical3A_260 : i32 to vector<16xi32>
      %shift_right_logical3A_262 = arith.shrui %get3A_252, %shift_right_logical3A_261 : vector<16xi32>
      %swap3A_263 = arith.constant 48 : index
      %swap3A_264 = tpu.vector_load %arg9[%swap3A_263] {strides = array<i32>} : memref<128xi32, #tpu.memory_space<vmem>>, vector<16xi32>,
      %swap3A_265 = vector.shape_cast %swap3A_264 : vector<16xi32> to vector<16xi32>
      %swap3A_266 = vector.shape_cast %shift_right_logical3A_262 : vector<16xi32> to vector<16xi32>
      tpu.vector_store %arg9[%swap3A_263], %swap3A_266 {strides = array<i32>} : memref<128xi32, #tpu.memory_space<vmem>>, vector<16xi32>,
      %get3A_267 = arith.index_cast %min3A_194 : i32 to index
      %get3A_268 = arith.constant 64 : index
      %get3A_269 = tpu.vector_load %arg5[%get3A_267, %get3A_268] {strides = array<i32>} : memref<80x128xi32, #tpu.memory_space<vmem>>, vector<1x16xi32>,
      %get3A_270 = vector.shape_cast %get3A_269 : vector<1x16xi32> to vector<16xi32>
      %and3A_271 = arith.constant 16383 : i32
      %and3A_272 = vector.broadcast %and3A_271 : i32 to vector<16xi32>
      %and3A_273 = arith.andi %get3A_270, %and3A_272 : vector<16xi32>
      %swap3A_274 = arith.constant 64 : index
      %swap3A_275 = tpu.vector_load %arg7[%swap3A_274] {strides = array<i32>} : memref<128xi32, #tpu.memory_space<vmem>>, vector<16xi32>,
      %swap3A_276 = vector.shape_cast %swap3A_275 : vector<16xi32> to vector<16xi32>
      %swap3A_277 = vector.shape_cast %and3A_273 : vector<16xi32> to vector<16xi32>
      tpu.vector_store %arg7[%swap3A_274], %swap3A_277 {strides = array<i32>} : memref<128xi32, #tpu.memory_space<vmem>>, vector<16xi32>,
      %shift_right_logical3A_278 = arith.constant 14 : i32
      %shift_right_logical3A_279 = vector.broadcast %shift_right_logical3A_278 : i32 to vector<16xi32>
      %shift_right_logical3A_280 = arith.shrui %get3A_270, %shift_right_logical3A_279 : vector<16xi32>
      %swap3A_281 = arith.constant 64 : index
      %swap3A_282 = tpu.vector_load %arg9[%swap3A_281] {strides = array<i32>} : memref<128xi32, #tpu.memory_space<vmem>>, vector<16xi32>,
      %swap3A_283 = vector.shape_cast %swap3A_282 : vector<16xi32> to vector<16xi32>
      %swap3A_284 = vector.shape_cast %shift_right_logical3A_280 : vector<16xi32> to vector<16xi32>
      tpu.vector_store %arg9[%swap3A_281], %swap3A_284 {strides = array<i32>} : memref<128xi32, #tpu.memory_space<vmem>>, vector<16xi32>,
      %get3A_285 = arith.index_cast %min3A_194 : i32 to index
      %get3A_286 = arith.constant 80 : index
      %get3A_287 = tpu.vector_load %arg5[%get3A_285, %get3A_286] {strides = array<i32>} : memref<80x128xi32, #tpu.memory_space<vmem>>, vector<1x16xi32>,
      %get3A_288 = vector.shape_cast %get3A_287 : vector<1x16xi32> to vector<16xi32>
      %and3A_289 = arith.constant 16383 : i32
      %and3A_290 = vector.broadcast %and3A_289 : i32 to vector<16xi32>
      %and3A_291 = arith.andi %get3A_288, %and3A_290 : vector<16xi32>
      %swap3A_292 = arith.constant 80 : index
      %swap3A_293 = tpu.vector_load %arg7[%swap3A_292] {strides = array<i32>} : memref<128xi32, #tpu.memory_space<vmem>>, vector<16xi32>,
      %swap3A_294 = vector.shape_cast %swap3A_293 : vector<16xi32> to vector<16xi32>
      %swap3A_295 = vector.shape_cast %and3A_291 : vector<16xi32> to vector<16xi32>
      tpu.vector_store %arg7[%swap3A_292], %swap3A_295 {strides = array<i32>} : memref<128xi32, #tpu.memory_space<vmem>>, vector<16xi32>,
      %shift_right_logical3A_296 = arith.constant 14 : i32
      %shift_right_logical3A_297 = vector.broadcast %shift_right_logical3A_296 : i32 to vector<16xi32>
      %shift_right_logical3A_298 = arith.shrui %get3A_288, %shift_right_logical3A_297 : vector<16xi32>
      %swap3A_299 = arith.constant 80 : index
      %swap3A_300 = tpu.vector_load %arg9[%swap3A_299] {strides = array<i32>} : memref<128xi32, #tpu.memory_space<vmem>>, vector<16xi32>,
      %swap3A_301 = vector.shape_cast %swap3A_300 : vector<16xi32> to vector<16xi32>
      %swap3A_302 = vector.shape_cast %shift_right_logical3A_298 : vector<16xi32> to vector<16xi32>
      tpu.vector_store %arg9[%swap3A_299], %swap3A_302 {strides = array<i32>} : memref<128xi32, #tpu.memory_space<vmem>>, vector<16xi32>,
      %get3A_303 = arith.index_cast %min3A_194 : i32 to index
      %get3A_304 = arith.constant 96 : index
      %get3A_305 = tpu.vector_load %arg5[%get3A_303, %get3A_304] {strides = array<i32>} : memref<80x128xi32, #tpu.memory_space<vmem>>, vector<1x16xi32>,
      %get3A_306 = vector.shape_cast %get3A_305 : vector<1x16xi32> to vector<16xi32>
      %and3A_307 = arith.constant 16383 : i32
      %and3A_308 = vector.broadcast %and3A_307 : i32 to vector<16xi32>
      %and3A_309 = arith.andi %get3A_306, %and3A_308 : vector<16xi32>
      %swap3A_310 = arith.constant 96 : index
      %swap3A_311 = tpu.vector_load %arg7[%swap3A_310] {strides = array<i32>} : memref<128xi32, #tpu.memory_space<vmem>>, vector<16xi32>,
      %swap3A_312 = vector.shape_cast %swap3A_311 : vector<16xi32> to vector<16xi32>
      %swap3A_313 = vector.shape_cast %and3A_309 : vector<16xi32> to vector<16xi32>
      tpu.vector_store %arg7[%swap3A_310], %swap3A_313 {strides = array<i32>} : memref<128xi32, #tpu.memory_space<vmem>>, vector<16xi32>,
      %shift_right_logical3A_314 = arith.constant 14 : i32
      %shift_right_logical3A_315 = vector.broadcast %shift_right_logical3A_314 : i32 to vector<16xi32>
      %shift_right_logical3A_316 = arith.shrui %get3A_306, %shift_right_logical3A_315 : vector<16xi32>
      %swap3A_317 = arith.constant 96 : index
      %swap3A_318 = tpu.vector_load %arg9[%swap3A_317] {strides = array<i32>} : memref<128xi32, #tpu.memory_space<vmem>>, vector<16xi32>,
      %swap3A_319 = vector.shape_cast %swap3A_318 : vector<16xi32> to vector<16xi32>
      %swap3A_320 = vector.shape_cast %shift_right_logical3A_316 : vector<16xi32> to vector<16xi32>
      tpu.vector_store %arg9[%swap3A_317], %swap3A_320 {strides = array<i32>} : memref<128xi32, #tpu.memory_space<vmem>>, vector<16xi32>,
      %get3A_321 = arith.index_cast %min3A_194 : i32 to index
      %get3A_322 = arith.constant 112 : index
      %get3A_323 = tpu.vector_load %arg5[%get3A_321, %get3A_322] {strides = array<i32>} : memref<80x128xi32, #tpu.memory_space<vmem>>, vector<1x16xi32>,
      %get3A_324 = vector.shape_cast %get3A_323 : vector<1x16xi32> to vector<16xi32>
      %and3A_325 = arith.constant 16383 : i32
      %and3A_326 = vector.broadcast %and3A_325 : i32 to vector<16xi32>
      %and3A_327 = arith.andi %get3A_324, %and3A_326 : vector<16xi32>
      %swap3A_328 = arith.constant 112 : index
      %swap3A_329 = tpu.vector_load %arg7[%swap3A_328] {strides = array<i32>} : memref<128xi32, #tpu.memory_space<vmem>>, vector<16xi32>,
      %swap3A_330 = vector.shape_cast %swap3A_329 : vector<16xi32> to vector<16xi32>
      %swap3A_331 = vector.shape_cast %and3A_327 : vector<16xi32> to vector<16xi32>
      tpu.vector_store %arg7[%swap3A_328], %swap3A_331 {strides = array<i32>} : memref<128xi32, #tpu.memory_space<vmem>>, vector<16xi32>,
      %shift_right_logical3A_332 = arith.constant 14 : i32
      %shift_right_logical3A_333 = vector.broadcast %shift_right_logical3A_332 : i32 to vector<16xi32>
      %shift_right_logical3A_334 = arith.shrui %get3A_324, %shift_right_logical3A_333 : vector<16xi32>
      %swap3A_335 = arith.constant 112 : index
      %swap3A_336 = tpu.vector_load %arg9[%swap3A_335] {strides = array<i32>} : memref<128xi32, #tpu.memory_space<vmem>>, vector<16xi32>,
      %swap3A_337 = vector.shape_cast %swap3A_336 : vector<16xi32> to vector<16xi32>
      %swap3A_338 = vector.shape_cast %shift_right_logical3A_334 : vector<16xi32> to vector<16xi32>
      tpu.vector_store %arg9[%swap3A_335], %swap3A_338 {strides = array<i32>} : memref<128xi32, #tpu.memory_space<vmem>>, vector<16xi32>,
      %dma_start3A_339 = arith.constant 0 : i32
      %dma_start3A_340 = arith.constant 0 : i32
      %dma_start3A_341 = tpu.memref_slice %arg2[%dma_start3A_339, %dma_start3A_340] : memref<10240x128xf32, #tpu.memory_space<hbm>> -> memref<10240x128xf32, #tpu.memory_space<hbm>>
      tpu.enqueue_indirect_dma source(%dma_start3A_341 : memref<10240x128xf32, #tpu.memory_space<hbm>>) target(%arg11 : memref<128x128xf32, #tpu.memory_space<vmem>>) offsets(%arg7 : memref<128xi32, #tpu.memory_space<vmem>>) semaphore(%arg14 : memref<!tpu.dma_semaphore, #tpu.memory_space<semaphore_mem>>)
      %dma_wait3A_342 = arith.constant 0 : i32
      %dma_wait3A_343 = arith.constant 0 : i32
      %dma_wait3A_344 = tpu.memref_slice %arg2[%dma_wait3A_342, %dma_wait3A_343] : memref<10240x128xf32, #tpu.memory_space<hbm>> -> memref<10240x128xf32, #tpu.memory_space<hbm>>
      tpu.wait_indirect_dma semaphore(%arg13 : memref<!tpu.dma_semaphore, #tpu.memory_space<semaphore_mem>>) src(%dma_wait3A_344 : memref<10240x128xf32, #tpu.memory_space<hbm>>) dst(%arg10 : memref<128x128xf32, #tpu.memory_space<vmem>>)
      "tpu.region"() ({
        %run_scoped3A = tpu.sem_alloc : memref<!tpu.dma_semaphore, #tpu.memory_space<semaphore_mem>>
        %dma_start3A_501 = arith.constant 0 : i32
        %dma_start3A_502 = arith.constant 0 : i32
        %dma_start3A_503 = tpu.memref_slice %arg12[%dma_start3A_501, %dma_start3A_502] : memref<10240x128xf32, #tpu.memory_space<vmem_shared>> -> memref<10240x128xf32, #tpu.memory_space<vmem_shared>>
        tpu.enqueue_indirect_dma source(%arg10 : memref<128x128xf32, #tpu.memory_space<vmem>>) target(%dma_start3A_503 : memref<10240x128xf32, #tpu.memory_space<vmem_shared>>) offsets(%arg8 : memref<128xi32, #tpu.memory_space<vmem>>) semaphore(%run_scoped3A : memref<!tpu.dma_semaphore, #tpu.memory_space<semaphore_mem>>) {add = true}
        %dma_wait3A_504 = arith.constant 0 : i32
        %dma_wait3A_505 = arith.constant 0 : i32
        %dma_wait3A_506 = tpu.memref_slice %arg12[%dma_wait3A_504, %dma_wait3A_505] : memref<10240x128xf32, #tpu.memory_space<vmem_shared>> -> memref<10240x128xf32, #tpu.memory_space<vmem_shared>>
        tpu.wait_indirect_dma semaphore(%run_scoped3A : memref<!tpu.dma_semaphore, #tpu.memory_space<semaphore_mem>>) src(%arg10 : memref<128x128xf32, #tpu.memory_space<vmem>>) dst(%dma_wait3A_506 : memref<10240x128xf32, #tpu.memory_space<vmem_shared>>)
        tpu.yield
      }) : () -> ()
      %add3A_345 = arith.constant 1 : i32
      %add3A_346 = arith.addi %add3A_189, %add3A_345 : i32
      %add3A_347 = arith.constant 1 : i32
      %add3A_348 = arith.addi %add3A_346, %add3A_347 : i32
      %min3A_349 = arith.constant 79 : i32
      %min3A_350 = arith.minsi %add3A_348, %min3A_349 : i32
      %get3A_351 = arith.index_cast %min3A_350 : i32 to index
      %get3A_352 = arith.constant 0 : index
      %get3A_353 = tpu.vector_load %arg5[%get3A_351, %get3A_352] {strides = array<i32>} : memref<80x128xi32, #tpu.memory_space<vmem>>, vector<1x16xi32>,
      %get3A_354 = vector.shape_cast %get3A_353 : vector<1x16xi32> to vector<16xi32>
      %and3A_355 = arith.constant 16383 : i32
      %and3A_356 = vector.broadcast %and3A_355 : i32 to vector<16xi32>
      %and3A_357 = arith.andi %get3A_354, %and3A_356 : vector<16xi32>
      %swap3A_358 = arith.constant 0 : index
      %swap3A_359 = tpu.vector_load %arg6[%swap3A_358] {strides = array<i32>} : memref<128xi32, #tpu.memory_space<vmem>>, vector<16xi32>,
      %swap3A_360 = vector.shape_cast %swap3A_359 : vector<16xi32> to vector<16xi32>
      %swap3A_361 = vector.shape_cast %and3A_357 : vector<16xi32> to vector<16xi32>
      tpu.vector_store %arg6[%swap3A_358], %swap3A_361 {strides = array<i32>} : memref<128xi32, #tpu.memory_space<vmem>>, vector<16xi32>,
      %shift_right_logical3A_362 = arith.constant 14 : i32
      %shift_right_logical3A_363 = vector.broadcast %shift_right_logical3A_362 : i32 to vector<16xi32>
      %shift_right_logical3A_364 = arith.shrui %get3A_354, %shift_right_logical3A_363 : vector<16xi32>
      %swap3A_365 = arith.constant 0 : index
      %swap3A_366 = tpu.vector_load %arg8[%swap3A_365] {strides = array<i32>} : memref<128xi32, #tpu.memory_space<vmem>>, vector<16xi32>,
      %swap3A_367 = vector.shape_cast %swap3A_366 : vector<16xi32> to vector<16xi32>
      %swap3A_368 = vector.shape_cast %shift_right_logical3A_364 : vector<16xi32> to vector<16xi32>
      tpu.vector_store %arg8[%swap3A_365], %swap3A_368 {strides = array<i32>} : memref<128xi32, #tpu.memory_space<vmem>>, vector<16xi32>,
      %get3A_369 = arith.index_cast %min3A_350 : i32 to index
      %get3A_370 = arith.constant 16 : index
      %get3A_371 = tpu.vector_load %arg5[%get3A_369, %get3A_370] {strides = array<i32>} : memref<80x128xi32, #tpu.memory_space<vmem>>, vector<1x16xi32>,
      %get3A_372 = vector.shape_cast %get3A_371 : vector<1x16xi32> to vector<16xi32>
      %and3A_373 = arith.constant 16383 : i32
      %and3A_374 = vector.broadcast %and3A_373 : i32 to vector<16xi32>
      %and3A_375 = arith.andi %get3A_372, %and3A_374 : vector<16xi32>
      %swap3A_376 = arith.constant 16 : index
      %swap3A_377 = tpu.vector_load %arg6[%swap3A_376] {strides = array<i32>} : memref<128xi32, #tpu.memory_space<vmem>>, vector<16xi32>,
      %swap3A_378 = vector.shape_cast %swap3A_377 : vector<16xi32> to vector<16xi32>
      %swap3A_379 = vector.shape_cast %and3A_375 : vector<16xi32> to vector<16xi32>
      tpu.vector_store %arg6[%swap3A_376], %swap3A_379 {strides = array<i32>} : memref<128xi32, #tpu.memory_space<vmem>>, vector<16xi32>,
      %shift_right_logical3A_380 = arith.constant 14 : i32
      %shift_right_logical3A_381 = vector.broadcast %shift_right_logical3A_380 : i32 to vector<16xi32>
      %shift_right_logical3A_382 = arith.shrui %get3A_372, %shift_right_logical3A_381 : vector<16xi32>
      %swap3A_383 = arith.constant 16 : index
      %swap3A_384 = tpu.vector_load %arg8[%swap3A_383] {strides = array<i32>} : memref<128xi32, #tpu.memory_space<vmem>>, vector<16xi32>,
      %swap3A_385 = vector.shape_cast %swap3A_384 : vector<16xi32> to vector<16xi32>
      %swap3A_386 = vector.shape_cast %shift_right_logical3A_382 : vector<16xi32> to vector<16xi32>
      tpu.vector_store %arg8[%swap3A_383], %swap3A_386 {strides = array<i32>} : memref<128xi32, #tpu.memory_space<vmem>>, vector<16xi32>,
      %get3A_387 = arith.index_cast %min3A_350 : i32 to index
      %get3A_388 = arith.constant 32 : index
      %get3A_389 = tpu.vector_load %arg5[%get3A_387, %get3A_388] {strides = array<i32>} : memref<80x128xi32, #tpu.memory_space<vmem>>, vector<1x16xi32>,
      %get3A_390 = vector.shape_cast %get3A_389 : vector<1x16xi32> to vector<16xi32>
      %and3A_391 = arith.constant 16383 : i32
      %and3A_392 = vector.broadcast %and3A_391 : i32 to vector<16xi32>
      %and3A_393 = arith.andi %get3A_390, %and3A_392 : vector<16xi32>
      %swap3A_394 = arith.constant 32 : index
      %swap3A_395 = tpu.vector_load %arg6[%swap3A_394] {strides = array<i32>} : memref<128xi32, #tpu.memory_space<vmem>>, vector<16xi32>,
      %swap3A_396 = vector.shape_cast %swap3A_395 : vector<16xi32> to vector<16xi32>
      %swap3A_397 = vector.shape_cast %and3A_393 : vector<16xi32> to vector<16xi32>
      tpu.vector_store %arg6[%swap3A_394], %swap3A_397 {strides = array<i32>} : memref<128xi32, #tpu.memory_space<vmem>>, vector<16xi32>,
      %shift_right_logical3A_398 = arith.constant 14 : i32
      %shift_right_logical3A_399 = vector.broadcast %shift_right_logical3A_398 : i32 to vector<16xi32>
      %shift_right_logical3A_400 = arith.shrui %get3A_390, %shift_right_logical3A_399 : vector<16xi32>
      %swap3A_401 = arith.constant 32 : index
      %swap3A_402 = tpu.vector_load %arg8[%swap3A_401] {strides = array<i32>} : memref<128xi32, #tpu.memory_space<vmem>>, vector<16xi32>,
      %swap3A_403 = vector.shape_cast %swap3A_402 : vector<16xi32> to vector<16xi32>
      %swap3A_404 = vector.shape_cast %shift_right_logical3A_400 : vector<16xi32> to vector<16xi32>
      tpu.vector_store %arg8[%swap3A_401], %swap3A_404 {strides = array<i32>} : memref<128xi32, #tpu.memory_space<vmem>>, vector<16xi32>,
      %get3A_405 = arith.index_cast %min3A_350 : i32 to index
      %get3A_406 = arith.constant 48 : index
      %get3A_407 = tpu.vector_load %arg5[%get3A_405, %get3A_406] {strides = array<i32>} : memref<80x128xi32, #tpu.memory_space<vmem>>, vector<1x16xi32>,
      %get3A_408 = vector.shape_cast %get3A_407 : vector<1x16xi32> to vector<16xi32>
      %and3A_409 = arith.constant 16383 : i32
      %and3A_410 = vector.broadcast %and3A_409 : i32 to vector<16xi32>
      %and3A_411 = arith.andi %get3A_408, %and3A_410 : vector<16xi32>
      %swap3A_412 = arith.constant 48 : index
      %swap3A_413 = tpu.vector_load %arg6[%swap3A_412] {strides = array<i32>} : memref<128xi32, #tpu.memory_space<vmem>>, vector<16xi32>,
      %swap3A_414 = vector.shape_cast %swap3A_413 : vector<16xi32> to vector<16xi32>
      %swap3A_415 = vector.shape_cast %and3A_411 : vector<16xi32> to vector<16xi32>
      tpu.vector_store %arg6[%swap3A_412], %swap3A_415 {strides = array<i32>} : memref<128xi32, #tpu.memory_space<vmem>>, vector<16xi32>,
      %shift_right_logical3A_416 = arith.constant 14 : i32
      %shift_right_logical3A_417 = vector.broadcast %shift_right_logical3A_416 : i32 to vector<16xi32>
      %shift_right_logical3A_418 = arith.shrui %get3A_408, %shift_right_logical3A_417 : vector<16xi32>
      %swap3A_419 = arith.constant 48 : index
      %swap3A_420 = tpu.vector_load %arg8[%swap3A_419] {strides = array<i32>} : memref<128xi32, #tpu.memory_space<vmem>>, vector<16xi32>,
      %swap3A_421 = vector.shape_cast %swap3A_420 : vector<16xi32> to vector<16xi32>
      %swap3A_422 = vector.shape_cast %shift_right_logical3A_418 : vector<16xi32> to vector<16xi32>
      tpu.vector_store %arg8[%swap3A_419], %swap3A_422 {strides = array<i32>} : memref<128xi32, #tpu.memory_space<vmem>>, vector<16xi32>,
      %get3A_423 = arith.index_cast %min3A_350 : i32 to index
      %get3A_424 = arith.constant 64 : index
      %get3A_425 = tpu.vector_load %arg5[%get3A_423, %get3A_424] {strides = array<i32>} : memref<80x128xi32, #tpu.memory_space<vmem>>, vector<1x16xi32>,
      %get3A_426 = vector.shape_cast %get3A_425 : vector<1x16xi32> to vector<16xi32>
      %and3A_427 = arith.constant 16383 : i32
      %and3A_428 = vector.broadcast %and3A_427 : i32 to vector<16xi32>
      %and3A_429 = arith.andi %get3A_426, %and3A_428 : vector<16xi32>
      %swap3A_430 = arith.constant 64 : index
      %swap3A_431 = tpu.vector_load %arg6[%swap3A_430] {strides = array<i32>} : memref<128xi32, #tpu.memory_space<vmem>>, vector<16xi32>,
      %swap3A_432 = vector.shape_cast %swap3A_431 : vector<16xi32> to vector<16xi32>
      %swap3A_433 = vector.shape_cast %and3A_429 : vector<16xi32> to vector<16xi32>
      tpu.vector_store %arg6[%swap3A_430], %swap3A_433 {strides = array<i32>} : memref<128xi32, #tpu.memory_space<vmem>>, vector<16xi32>,
      %shift_right_logical3A_434 = arith.constant 14 : i32
      %shift_right_logical3A_435 = vector.broadcast %shift_right_logical3A_434 : i32 to vector<16xi32>
      %shift_right_logical3A_436 = arith.shrui %get3A_426, %shift_right_logical3A_435 : vector<16xi32>
      %swap3A_437 = arith.constant 64 : index
      %swap3A_438 = tpu.vector_load %arg8[%swap3A_437] {strides = array<i32>} : memref<128xi32, #tpu.memory_space<vmem>>, vector<16xi32>,
      %swap3A_439 = vector.shape_cast %swap3A_438 : vector<16xi32> to vector<16xi32>
      %swap3A_440 = vector.shape_cast %shift_right_logical3A_436 : vector<16xi32> to vector<16xi32>
      tpu.vector_store %arg8[%swap3A_437], %swap3A_440 {strides = array<i32>} : memref<128xi32, #tpu.memory_space<vmem>>, vector<16xi32>,
      %get3A_441 = arith.index_cast %min3A_350 : i32 to index
      %get3A_442 = arith.constant 80 : index
      %get3A_443 = tpu.vector_load %arg5[%get3A_441, %get3A_442] {strides = array<i32>} : memref<80x128xi32, #tpu.memory_space<vmem>>, vector<1x16xi32>,
      %get3A_444 = vector.shape_cast %get3A_443 : vector<1x16xi32> to vector<16xi32>
      %and3A_445 = arith.constant 16383 : i32
      %and3A_446 = vector.broadcast %and3A_445 : i32 to vector<16xi32>
      %and3A_447 = arith.andi %get3A_444, %and3A_446 : vector<16xi32>
      %swap3A_448 = arith.constant 80 : index
      %swap3A_449 = tpu.vector_load %arg6[%swap3A_448] {strides = array<i32>} : memref<128xi32, #tpu.memory_space<vmem>>, vector<16xi32>,
      %swap3A_450 = vector.shape_cast %swap3A_449 : vector<16xi32> to vector<16xi32>
      %swap3A_451 = vector.shape_cast %and3A_447 : vector<16xi32> to vector<16xi32>
      tpu.vector_store %arg6[%swap3A_448], %swap3A_451 {strides = array<i32>} : memref<128xi32, #tpu.memory_space<vmem>>, vector<16xi32>,
      %shift_right_logical3A_452 = arith.constant 14 : i32
      %shift_right_logical3A_453 = vector.broadcast %shift_right_logical3A_452 : i32 to vector<16xi32>
      %shift_right_logical3A_454 = arith.shrui %get3A_444, %shift_right_logical3A_453 : vector<16xi32>
      %swap3A_455 = arith.constant 80 : index
      %swap3A_456 = tpu.vector_load %arg8[%swap3A_455] {strides = array<i32>} : memref<128xi32, #tpu.memory_space<vmem>>, vector<16xi32>,
      %swap3A_457 = vector.shape_cast %swap3A_456 : vector<16xi32> to vector<16xi32>
      %swap3A_458 = vector.shape_cast %shift_right_logical3A_454 : vector<16xi32> to vector<16xi32>
      tpu.vector_store %arg8[%swap3A_455], %swap3A_458 {strides = array<i32>} : memref<128xi32, #tpu.memory_space<vmem>>, vector<16xi32>,
      %get3A_459 = arith.index_cast %min3A_350 : i32 to index
      %get3A_460 = arith.constant 96 : index
      %get3A_461 = tpu.vector_load %arg5[%get3A_459, %get3A_460] {strides = array<i32>} : memref<80x128xi32, #tpu.memory_space<vmem>>, vector<1x16xi32>,
      %get3A_462 = vector.shape_cast %get3A_461 : vector<1x16xi32> to vector<16xi32>
      %and3A_463 = arith.constant 16383 : i32
      %and3A_464 = vector.broadcast %and3A_463 : i32 to vector<16xi32>
      %and3A_465 = arith.andi %get3A_462, %and3A_464 : vector<16xi32>
      %swap3A_466 = arith.constant 96 : index
      %swap3A_467 = tpu.vector_load %arg6[%swap3A_466] {strides = array<i32>} : memref<128xi32, #tpu.memory_space<vmem>>, vector<16xi32>,
      %swap3A_468 = vector.shape_cast %swap3A_467 : vector<16xi32> to vector<16xi32>
      %swap3A_469 = vector.shape_cast %and3A_465 : vector<16xi32> to vector<16xi32>
      tpu.vector_store %arg6[%swap3A_466], %swap3A_469 {strides = array<i32>} : memref<128xi32, #tpu.memory_space<vmem>>, vector<16xi32>,
      %shift_right_logical3A_470 = arith.constant 14 : i32
      %shift_right_logical3A_471 = vector.broadcast %shift_right_logical3A_470 : i32 to vector<16xi32>
      %shift_right_logical3A_472 = arith.shrui %get3A_462, %shift_right_logical3A_471 : vector<16xi32>
      %swap3A_473 = arith.constant 96 : index
      %swap3A_474 = tpu.vector_load %arg8[%swap3A_473] {strides = array<i32>} : memref<128xi32, #tpu.memory_space<vmem>>, vector<16xi32>,
      %swap3A_475 = vector.shape_cast %swap3A_474 : vector<16xi32> to vector<16xi32>
      %swap3A_476 = vector.shape_cast %shift_right_logical3A_472 : vector<16xi32> to vector<16xi32>
      tpu.vector_store %arg8[%swap3A_473], %swap3A_476 {strides = array<i32>} : memref<128xi32, #tpu.memory_space<vmem>>, vector<16xi32>,
      %get3A_477 = arith.index_cast %min3A_350 : i32 to index
      %get3A_478 = arith.constant 112 : index
      %get3A_479 = tpu.vector_load %arg5[%get3A_477, %get3A_478] {strides = array<i32>} : memref<80x128xi32, #tpu.memory_space<vmem>>, vector<1x16xi32>,
      %get3A_480 = vector.shape_cast %get3A_479 : vector<1x16xi32> to vector<16xi32>
      %and3A_481 = arith.constant 16383 : i32
      %and3A_482 = vector.broadcast %and3A_481 : i32 to vector<16xi32>
      %and3A_483 = arith.andi %get3A_480, %and3A_482 : vector<16xi32>
      %swap3A_484 = arith.constant 112 : index
      %swap3A_485 = tpu.vector_load %arg6[%swap3A_484] {strides = array<i32>} : memref<128xi32, #tpu.memory_space<vmem>>, vector<16xi32>,
      %swap3A_486 = vector.shape_cast %swap3A_485 : vector<16xi32> to vector<16xi32>
      %swap3A_487 = vector.shape_cast %and3A_483 : vector<16xi32> to vector<16xi32>
      tpu.vector_store %arg6[%swap3A_484], %swap3A_487 {strides = array<i32>} : memref<128xi32, #tpu.memory_space<vmem>>, vector<16xi32>,
      %shift_right_logical3A_488 = arith.constant 14 : i32
      %shift_right_logical3A_489 = vector.broadcast %shift_right_logical3A_488 : i32 to vector<16xi32>
      %shift_right_logical3A_490 = arith.shrui %get3A_480, %shift_right_logical3A_489 : vector<16xi32>
      %swap3A_491 = arith.constant 112 : index
      %swap3A_492 = tpu.vector_load %arg8[%swap3A_491] {strides = array<i32>} : memref<128xi32, #tpu.memory_space<vmem>>, vector<16xi32>,
      %swap3A_493 = vector.shape_cast %swap3A_492 : vector<16xi32> to vector<16xi32>
      %swap3A_494 = vector.shape_cast %shift_right_logical3A_490 : vector<16xi32> to vector<16xi32>
      tpu.vector_store %arg8[%swap3A_491], %swap3A_494 {strides = array<i32>} : memref<128xi32, #tpu.memory_space<vmem>>, vector<16xi32>,
      %dma_start3A_495 = arith.constant 0 : i32
      %dma_start3A_496 = arith.constant 0 : i32
      %dma_start3A_497 = tpu.memref_slice %arg2[%dma_start3A_495, %dma_start3A_496] : memref<10240x128xf32, #tpu.memory_space<hbm>> -> memref<10240x128xf32, #tpu.memory_space<hbm>>
      tpu.enqueue_indirect_dma source(%dma_start3A_497 : memref<10240x128xf32, #tpu.memory_space<hbm>>) target(%arg10 : memref<128x128xf32, #tpu.memory_space<vmem>>) offsets(%arg6 : memref<128xi32, #tpu.memory_space<vmem>>) semaphore(%arg13 : memref<!tpu.dma_semaphore, #tpu.memory_space<semaphore_mem>>)
      %dma_wait3A_498 = arith.constant 0 : i32
      %dma_wait3A_499 = arith.constant 0 : i32
      %dma_wait3A_500 = tpu.memref_slice %arg2[%dma_wait3A_498, %dma_wait3A_499] : memref<10240x128xf32, #tpu.memory_space<hbm>> -> memref<10240x128xf32, #tpu.memory_space<hbm>>
      tpu.wait_indirect_dma semaphore(%arg14 : memref<!tpu.dma_semaphore, #tpu.memory_space<semaphore_mem>>) src(%dma_wait3A_500 : memref<10240x128xf32, #tpu.memory_space<hbm>>) dst(%arg11 : memref<128x128xf32, #tpu.memory_space<vmem>>)
      "tpu.region"() ({
        %run_scoped3A = tpu.sem_alloc : memref<!tpu.dma_semaphore, #tpu.memory_space<semaphore_mem>>
        %dma_start3A_501 = arith.constant 0 : i32
        %dma_start3A_502 = arith.constant 0 : i32
        %dma_start3A_503 = tpu.memref_slice %arg12[%dma_start3A_501, %dma_start3A_502] : memref<10240x128xf32, #tpu.memory_space<vmem_shared>> -> memref<10240x128xf32, #tpu.memory_space<vmem_shared>>
        tpu.enqueue_indirect_dma source(%arg11 : memref<128x128xf32, #tpu.memory_space<vmem>>) target(%dma_start3A_503 : memref<10240x128xf32, #tpu.memory_space<vmem_shared>>) offsets(%arg9 : memref<128xi32, #tpu.memory_space<vmem>>) semaphore(%run_scoped3A : memref<!tpu.dma_semaphore, #tpu.memory_space<semaphore_mem>>) {add = true}
        %dma_wait3A_504 = arith.constant 0 : i32
        %dma_wait3A_505 = arith.constant 0 : i32
        %dma_wait3A_506 = tpu.memref_slice %arg12[%dma_wait3A_504, %dma_wait3A_505] : memref<10240x128xf32, #tpu.memory_space<vmem_shared>> -> memref<10240x128xf32, #tpu.memory_space<vmem_shared>>
        tpu.wait_indirect_dma semaphore(%run_scoped3A : memref<!tpu.dma_semaphore, #tpu.memory_space<semaphore_mem>>) src(%arg11 : memref<128x128xf32, #tpu.memory_space<vmem>>) dst(%dma_wait3A_506 : memref<10240x128xf32, #tpu.memory_space<vmem_shared>>)
        tpu.yield
      }) : () -> ()
    }
    %scan3A_173 = arith.constant 40 : i32
    %dma_wait3A_174 = arith.constant 0 : i32
    %dma_wait3A_175 = arith.constant 0 : i32
    %dma_wait3A_176 = tpu.memref_slice %arg2[%dma_wait3A_174, %dma_wait3A_175] : memref<10240x128xf32, #tpu.memory_space<hbm>> -> memref<10240x128xf32, #tpu.memory_space<hbm>>
    tpu.wait_indirect_dma semaphore(%arg13 : memref<!tpu.dma_semaphore, #tpu.memory_space<semaphore_mem>>) src(%dma_wait3A_176 : memref<10240x128xf32, #tpu.memory_space<hbm>>) dst(%arg10 : memref<128x128xf32, #tpu.memory_space<vmem>>)
    %barrier3A_177 = arith.constant 0 : index
    tpu.barrier barrier_id(%barrier3A_177)
    %mul3A_178 = arith.constant 640 : i32
    %mul3A_179 = arith.muli %arg1, %mul3A_178 : i32
    %mul3A_180 = arith.constant 10240 : i32
    %mul3A_181 = arith.muli %arg0, %mul3A_180 : i32
    %mul3A_182 = arith.constant 640 : i32
    %mul3A_183 = arith.muli %arg1, %mul3A_182 : i32
    %add3A_184 = arith.addi %mul3A_181, %mul3A_183 : i32
    "tpu.region"() ({
      %run_scoped3A = tpu.sem_alloc : memref<!tpu.dma_semaphore, #tpu.memory_space<semaphore_mem>>
      %dma_start3A_185 = arith.constant 0 : i32
      %dma_start3A_186 = tpu.memref_slice %arg4[%add3A_184, %dma_start3A_185] : memref<20480x128xf32, #tpu.memory_space<hbm>> -> memref<640x128xf32, #tpu.memory_space<hbm>>
      %dma_start3A_187 = arith.constant 0 : i32
      %dma_start3A_188 = tpu.memref_slice %arg12[%mul3A_179, %dma_start3A_187] : memref<10240x128xf32, #tpu.memory_space<vmem_shared>> -> memref<640x128xf32, #tpu.memory_space<vmem_shared>>
      tpu.enqueue_dma source(%dma_start3A_188 : memref<640x128xf32, #tpu.memory_space<vmem_shared>>) target(%dma_start3A_186 : memref<640x128xf32, #tpu.memory_space<hbm>>) target_semaphore(%run_scoped3A : memref<!tpu.dma_semaphore, #tpu.memory_space<semaphore_mem>>)
      %dma_wait3A_189 = arith.constant 0 : i32
      %dma_wait3A_190 = tpu.memref_slice %arg4[%add3A_184, %dma_wait3A_189] : memref<20480x128xf32, #tpu.memory_space<hbm>> -> memref<640x128xf32, #tpu.memory_space<hbm>>
      %dma_wait3A_191 = arith.constant 0 : i32
      %dma_wait3A_192 = tpu.memref_slice %arg12[%mul3A_179, %dma_wait3A_191] : memref<10240x128xf32, #tpu.memory_space<vmem_shared>> -> memref<640x128xf32, #tpu.memory_space<vmem_shared>>
      tpu.wait_dma2 semaphore(%run_scoped3A : memref<!tpu.dma_semaphore, #tpu.memory_space<semaphore_mem>>) src(%dma_wait3A_192 : memref<640x128xf32, #tpu.memory_space<vmem_shared>>) dst(%dma_wait3A_190 : memref<640x128xf32, #tpu.memory_space<hbm>>)
      tpu.yield
    }) : () -> ()
    return
  }
}

module attributes {stable_mosaic.version = 14 : i64} {
  func.func @_y1_body(%arg0: i32, %arg1: memref<1024x128xf32, #tpu.memory_space<vmem>>, %arg2: memref<128x128xf32, #tpu.memory_space<vmem>>, %arg3: memref<2x1024x16xf32, #tpu.memory_space<vmem>>, %arg4: memref<1024x128xf32, #tpu.memory_space<vmem>>) attributes {dimension_semantics = [#tpu.dimension_semantics<arbitrary>], iteration_bounds = array<i64: 10>, scalar_prefetch = 0 : i64, scratch_operands = 0 : i64, tpu.core_type = #tpu.core_type<tc>, window_params = [{transform_indices = @transform_0, window_bounds = array<i64: 1024, 128>}, {pipeline_mode = #tpu.pipeline_mode<synchronous>, transform_indices = @transform_1, window_bounds = array<i64: 128, 128>}, {transform_indices = @transform_2, window_bounds = array<i64: 2, 1024, 16>}, {transform_indices = @transform_3, window_bounds = array<i64: 1024, 128>}]} {
    %get3A = arith.constant 0 : index
    %get3A_0 = arith.constant 0 : index
    %get3A_1 = vector.load %arg1[%get3A, %get3A_0] : memref<1024x128xf32, #tpu.memory_space<vmem>>, vector<1024x128xf32>
    %get3A_2 = arith.constant 0 : index
    %get3A_3 = arith.constant 0 : index
    %get3A_4 = vector.load %arg2[%get3A_2, %get3A_3] : memref<128x128xf32, #tpu.memory_space<vmem>>, vector<128x128xf32>
    %dot_general3A = arith.constant dense<0.000000e+00> : vector<1024x128xf32>
    %dot_general3A_5 = tpu.matmul %get3A_1, %get3A_4, %dot_general3A {dimension_numbers = #tpu.dot_dimension_numbers<[1], [0], [0], [1], [0, 0, 1, 1], [], []>, transpose_lhs_hint = false} : vector<1024x128xf32>, vector<128x128xf32>, vector<1024x128xf32> -> vector<1024x128xf32>
    %get3A_6 = arith.constant 0 : index
    %get3A_7 = arith.constant 0 : index
    %get3A_8 = arith.constant 0 : index
    %get3A_9 = vector.load %arg3[%get3A_6, %get3A_7, %get3A_8] : memref<2x1024x16xf32, #tpu.memory_space<vmem>>, vector<1x1024x1xf32>
    %get3A_10 = vector.shape_cast %get3A_9 : vector<1x1024x1xf32> to vector<1024x1xf32>
    %get3A_11 = arith.constant 1 : index
    %get3A_12 = arith.constant 0 : index
    %get3A_13 = arith.constant 0 : index
    %get3A_14 = vector.load %arg3[%get3A_11, %get3A_12, %get3A_13] : memref<2x1024x16xf32, #tpu.memory_space<vmem>>, vector<1x1024x1xf32>
    %get3A_15 = vector.shape_cast %get3A_14 : vector<1x1024x1xf32> to vector<1024x1xf32>
    %add3A = arith.addf %get3A_10, %get3A_15 : vector<1024x1xf32>
    %add3A_16 = arith.constant 1.000000e+00 : f32
    %add3A_17 = vector.broadcast %add3A_16 : f32 to vector<1024x1xf32>
    %add3A_18 = arith.addf %add3A_17, %add3A : vector<1024x1xf32>
    %rsqrt3A = math.rsqrt %add3A_18 : vector<1024x1xf32>
    %mul3A = vector.broadcast %rsqrt3A : vector<1024x1xf32> to vector<1024x128xf32>
    %mul3A_19 = arith.mulf %dot_general3A_5, %mul3A : vector<1024x128xf32>
    %swap3A = arith.constant 0 : index
    %swap3A_20 = arith.constant 0 : index
    %swap3A_21 = vector.load %arg4[%swap3A, %swap3A_20] : memref<1024x128xf32, #tpu.memory_space<vmem>>, vector<1024x128xf32>
    tpu.vector_store %arg4[%swap3A, %swap3A_20], %mul3A_19 {strides = array<i32>} : memref<1024x128xf32, #tpu.memory_space<vmem>>, vector<1024x128xf32>,
    return
  }
  func.func @transform_0(%arg0: i32) -> (i32, i32) {
    %c0_i32 = arith.constant 0 : i32
    %c0_i32_0 = arith.constant 0 : i32
    return %arg0, %c0_i32 : i32, i32
  }
  func.func @transform_1(%arg0: i32) -> (i32, i32) {
    %c0_i32 = arith.constant 0 : i32
    %c0_i32_0 = arith.constant 0 : i32
    %c0_i32_1 = arith.constant 0 : i32
    return %c0_i32, %c0_i32_0 : i32, i32
  }
  func.func @transform_2(%arg0: i32) -> (i32, i32, i32) {
    %c0_i32 = arith.constant 0 : i32
    %c0_i32_0 = arith.constant 0 : i32
    %c0_i32_1 = arith.constant 0 : i32
    return %c0_i32, %arg0, %c0_i32_0 : i32, i32, i32
  }
  func.func @transform_3(%arg0: i32) -> (i32, i32) {
    %c0_i32 = arith.constant 0 : i32
    %c0_i32_0 = arith.constant 0 : i32
    return %arg0, %c0_i32 : i32, i32
  }
}

module attributes {stable_mosaic.version = 14 : i64} {
  func.func @_mid_body(%arg0: i32, %arg1: memref<2x1024x128xf32, #tpu.memory_space<vmem>>, %arg2: memref<1024x128xf32, #tpu.memory_space<vmem>>, %arg3: memref<2x1024x16xf32, #tpu.memory_space<vmem>>, %arg4: memref<128x128xf32, #tpu.memory_space<vmem>>, %arg5: memref<1x128xf32, #tpu.memory_space<vmem>>, %arg6: memref<1024x128xf32, #tpu.memory_space<vmem>>) attributes {dimension_semantics = [#tpu.dimension_semantics<arbitrary>], iteration_bounds = array<i64: 10>, scalar_prefetch = 0 : i64, scratch_operands = 0 : i64, tpu.core_type = #tpu.core_type<tc>, window_params = [{transform_indices = @transform_0, window_bounds = array<i64: 2, 1024, 128>}, {transform_indices = @transform_1, window_bounds = array<i64: 1024, 128>}, {transform_indices = @transform_2, window_bounds = array<i64: 2, 1024, 16>}, {pipeline_mode = #tpu.pipeline_mode<synchronous>, transform_indices = @transform_3, window_bounds = array<i64: 128, 128>}, {pipeline_mode = #tpu.pipeline_mode<synchronous>, transform_indices = @transform_4, window_bounds = array<i64: 1, 128>}, {transform_indices = @transform_5, window_bounds = array<i64: 1024, 128>}]} {
    %get3A = arith.constant 0 : index
    %get3A_0 = arith.constant 0 : index
    %get3A_1 = arith.constant 0 : index
    %get3A_2 = vector.load %arg3[%get3A, %get3A_0, %get3A_1] : memref<2x1024x16xf32, #tpu.memory_space<vmem>>, vector<1x1024x1xf32>
    %get3A_3 = vector.shape_cast %get3A_2 : vector<1x1024x1xf32> to vector<1024x1xf32>
    %get3A_4 = arith.constant 1 : index
    %get3A_5 = arith.constant 0 : index
    %get3A_6 = arith.constant 0 : index
    %get3A_7 = vector.load %arg3[%get3A_4, %get3A_5, %get3A_6] : memref<2x1024x16xf32, #tpu.memory_space<vmem>>, vector<1x1024x1xf32>
    %get3A_8 = vector.shape_cast %get3A_7 : vector<1x1024x1xf32> to vector<1024x1xf32>
    %add3A = arith.addf %get3A_3, %get3A_8 : vector<1024x1xf32>
    %add3A_9 = arith.constant 1.000000e+00 : f32
    %add3A_10 = vector.broadcast %add3A_9 : f32 to vector<1024x1xf32>
    %add3A_11 = arith.addf %add3A_10, %add3A : vector<1024x1xf32>
    %rsqrt3A = math.rsqrt %add3A_11 : vector<1024x1xf32>
    %get3A_12 = arith.constant 0 : index
    %get3A_13 = arith.constant 0 : index
    %get3A_14 = arith.constant 0 : index
    %get3A_15 = vector.load %arg1[%get3A_12, %get3A_13, %get3A_14] : memref<2x1024x128xf32, #tpu.memory_space<vmem>>, vector<1x1024x128xf32>
    %get3A_16 = vector.shape_cast %get3A_15 : vector<1x1024x128xf32> to vector<1024x128xf32>
    %get3A_17 = arith.constant 1 : index
    %get3A_18 = arith.constant 0 : index
    %get3A_19 = arith.constant 0 : index
    %get3A_20 = vector.load %arg1[%get3A_17, %get3A_18, %get3A_19] : memref<2x1024x128xf32, #tpu.memory_space<vmem>>, vector<1x1024x128xf32>
    %get3A_21 = vector.shape_cast %get3A_20 : vector<1x1024x128xf32> to vector<1024x128xf32>
    %add3A_22 = arith.addf %get3A_16, %get3A_21 : vector<1024x128xf32>
    %get3A_23 = arith.constant 0 : index
    %get3A_24 = arith.constant 0 : index
    %get3A_25 = vector.load %arg2[%get3A_23, %get3A_24] : memref<1024x128xf32, #tpu.memory_space<vmem>>, vector<1024x128xf32>
    %add3A_26 = arith.addf %add3A_22, %get3A_25 : vector<1024x128xf32>
    %mul3A = vector.broadcast %rsqrt3A : vector<1024x1xf32> to vector<1024x128xf32>
    %mul3A_27 = arith.mulf %add3A_26, %mul3A : vector<1024x128xf32>
    %get3A_28 = arith.constant 0 : index
    %get3A_29 = arith.constant 0 : index
    %get3A_30 = vector.load %arg5[%get3A_28, %get3A_29] : memref<1x128xf32, #tpu.memory_space<vmem>>, vector<1x128xf32>
    %add3A_31 = vector.broadcast %get3A_30 : vector<1x128xf32> to vector<1024x128xf32>
    %add3A_32 = arith.addf %mul3A_27, %add3A_31 : vector<1024x128xf32>
    %max3A = arith.constant 0.000000e+00 : f32
    %max3A_33 = vector.broadcast %max3A : f32 to vector<1024x128xf32>
    %max3A_34 = arith.maximumf %add3A_32, %max3A_33 : vector<1024x128xf32>
    %get3A_35 = arith.constant 0 : index
    %get3A_36 = arith.constant 0 : index
    %get3A_37 = vector.load %arg4[%get3A_35, %get3A_36] : memref<128x128xf32, #tpu.memory_space<vmem>>, vector<128x128xf32>
    %dot_general3A = arith.constant dense<0.000000e+00> : vector<1024x128xf32>
    %dot_general3A_38 = tpu.matmul %max3A_34, %get3A_37, %dot_general3A {dimension_numbers = #tpu.dot_dimension_numbers<[1], [0], [0], [1], [0, 0, 1, 1], [], []>, transpose_lhs_hint = false} : vector<1024x128xf32>, vector<128x128xf32>, vector<1024x128xf32> -> vector<1024x128xf32>
    %mul3A_39 = vector.broadcast %rsqrt3A : vector<1024x1xf32> to vector<1024x128xf32>
    %mul3A_40 = arith.mulf %dot_general3A_38, %mul3A_39 : vector<1024x128xf32>
    %swap3A = arith.constant 0 : index
    %swap3A_41 = arith.constant 0 : index
    %swap3A_42 = vector.load %arg6[%swap3A, %swap3A_41] : memref<1024x128xf32, #tpu.memory_space<vmem>>, vector<1024x128xf32>
    tpu.vector_store %arg6[%swap3A, %swap3A_41], %mul3A_40 {strides = array<i32>} : memref<1024x128xf32, #tpu.memory_space<vmem>>, vector<1024x128xf32>,
    return
  }
  func.func @transform_0(%arg0: i32) -> (i32, i32, i32) {
    %c0_i32 = arith.constant 0 : i32
    %c0_i32_0 = arith.constant 0 : i32
    %c0_i32_1 = arith.constant 0 : i32
    return %c0_i32, %arg0, %c0_i32_0 : i32, i32, i32
  }
  func.func @transform_1(%arg0: i32) -> (i32, i32) {
    %c0_i32 = arith.constant 0 : i32
    %c0_i32_0 = arith.constant 0 : i32
    return %arg0, %c0_i32 : i32, i32
  }
  func.func @transform_2(%arg0: i32) -> (i32, i32, i32) {
    %c0_i32 = arith.constant 0 : i32
    %c0_i32_0 = arith.constant 0 : i32
    %c0_i32_1 = arith.constant 0 : i32
    return %c0_i32, %arg0, %c0_i32_0 : i32, i32, i32
  }
  func.func @transform_3(%arg0: i32) -> (i32, i32) {
    %c0_i32 = arith.constant 0 : i32
    %c0_i32_0 = arith.constant 0 : i32
    %c0_i32_1 = arith.constant 0 : i32
    return %c0_i32, %c0_i32_0 : i32, i32
  }
  func.func @transform_4(%arg0: i32) -> (i32, i32) {
    %c0_i32 = arith.constant 0 : i32
    %c0_i32_0 = arith.constant 0 : i32
    %c0_i32_1 = arith.constant 0 : i32
    return %c0_i32, %c0_i32_0 : i32, i32
  }
  func.func @transform_5(%arg0: i32) -> (i32, i32) {
    %c0_i32 = arith.constant 0 : i32
    %c0_i32_0 = arith.constant 0 : i32
    return %arg0, %c0_i32 : i32, i32
  }
}

module attributes {stable_mosaic.version = 14 : i64} {
  func.func @_out_body(%arg0: i32, %arg1: memref<2x1024x128xf32, #tpu.memory_space<vmem>>, %arg2: memref<1024x128xf32, #tpu.memory_space<vmem>>, %arg3: memref<2x1024x16xf32, #tpu.memory_space<vmem>>, %arg4: memref<1x128xf32, #tpu.memory_space<vmem>>, %arg5: memref<1024x64xf32, #tpu.memory_space<vmem>>, %arg6: memref<1024x64xf32, #tpu.memory_space<vmem>>) attributes {dimension_semantics = [#tpu.dimension_semantics<arbitrary>], iteration_bounds = array<i64: 10>, scalar_prefetch = 0 : i64, scratch_operands = 0 : i64, tpu.core_type = #tpu.core_type<tc>, window_params = [{transform_indices = @transform_0, window_bounds = array<i64: 2, 1024, 128>}, {transform_indices = @transform_1, window_bounds = array<i64: 1024, 128>}, {transform_indices = @transform_2, window_bounds = array<i64: 2, 1024, 16>}, {pipeline_mode = #tpu.pipeline_mode<synchronous>, transform_indices = @transform_3, window_bounds = array<i64: 1, 128>}, {transform_indices = @transform_4, window_bounds = array<i64: 1024, 64>}, {transform_indices = @transform_5, window_bounds = array<i64: 1024, 64>}]} {
    %get3A = arith.constant 0 : index
    %get3A_0 = arith.constant 0 : index
    %get3A_1 = arith.constant 0 : index
    %get3A_2 = vector.load %arg1[%get3A, %get3A_0, %get3A_1] : memref<2x1024x128xf32, #tpu.memory_space<vmem>>, vector<1x1024x128xf32>
    %get3A_3 = vector.shape_cast %get3A_2 : vector<1x1024x128xf32> to vector<1024x128xf32>
    %get3A_4 = arith.constant 1 : index
    %get3A_5 = arith.constant 0 : index
    %get3A_6 = arith.constant 0 : index
    %get3A_7 = vector.load %arg1[%get3A_4, %get3A_5, %get3A_6] : memref<2x1024x128xf32, #tpu.memory_space<vmem>>, vector<1x1024x128xf32>
    %get3A_8 = vector.shape_cast %get3A_7 : vector<1x1024x128xf32> to vector<1024x128xf32>
    %add3A = arith.addf %get3A_3, %get3A_8 : vector<1024x128xf32>
    %get3A_9 = arith.constant 0 : index
    %get3A_10 = arith.constant 0 : index
    %get3A_11 = vector.load %arg2[%get3A_9, %get3A_10] : memref<1024x128xf32, #tpu.memory_space<vmem>>, vector<1024x128xf32>
    %add3A_12 = arith.addf %add3A, %get3A_11 : vector<1024x128xf32>
    %get3A_13 = arith.constant 0 : index
    %get3A_14 = arith.constant 0 : index
    %get3A_15 = arith.constant 0 : index
    %get3A_16 = vector.load %arg3[%get3A_13, %get3A_14, %get3A_15] : memref<2x1024x16xf32, #tpu.memory_space<vmem>>, vector<1x1024x1xf32>
    %get3A_17 = vector.shape_cast %get3A_16 : vector<1x1024x1xf32> to vector<1024x1xf32>
    %get3A_18 = arith.constant 1 : index
    %get3A_19 = arith.constant 0 : index
    %get3A_20 = arith.constant 0 : index
    %get3A_21 = vector.load %arg3[%get3A_18, %get3A_19, %get3A_20] : memref<2x1024x16xf32, #tpu.memory_space<vmem>>, vector<1x1024x1xf32>
    %get3A_22 = vector.shape_cast %get3A_21 : vector<1x1024x1xf32> to vector<1024x1xf32>
    %add3A_23 = arith.addf %get3A_17, %get3A_22 : vector<1024x1xf32>
    %add3A_24 = arith.constant 1.000000e+00 : f32
    %add3A_25 = vector.broadcast %add3A_24 : f32 to vector<1024x1xf32>
    %add3A_26 = arith.addf %add3A_25, %add3A_23 : vector<1024x1xf32>
    %rsqrt3A = math.rsqrt %add3A_26 : vector<1024x1xf32>
    %mul3A = vector.broadcast %rsqrt3A : vector<1024x1xf32> to vector<1024x128xf32>
    %mul3A_27 = arith.mulf %add3A_12, %mul3A : vector<1024x128xf32>
    %get3A_28 = arith.constant 0 : index
    %get3A_29 = arith.constant 0 : index
    %get3A_30 = vector.load %arg4[%get3A_28, %get3A_29] : memref<1x128xf32, #tpu.memory_space<vmem>>, vector<1x128xf32>
    %add3A_31 = vector.broadcast %get3A_30 : vector<1x128xf32> to vector<1024x128xf32>
    %add3A_32 = arith.addf %mul3A_27, %add3A_31 : vector<1024x128xf32>
    %slice3A = vector.extract_strided_slice %add3A_32 {offsets = [0, 0], sizes = [1024, 64], strides = [1, 1]} : vector<1024x128xf32> to vector<1024x64xf32>
    %swap3A = arith.constant 0 : index
    %swap3A_33 = arith.constant 0 : index
    %swap3A_34 = vector.load %arg5[%swap3A, %swap3A_33] : memref<1024x64xf32, #tpu.memory_space<vmem>>, vector<1024x64xf32>
    tpu.vector_store %arg5[%swap3A, %swap3A_33], %slice3A {strides = array<i32>} : memref<1024x64xf32, #tpu.memory_space<vmem>>, vector<1024x64xf32>,
    %slice3A_35 = vector.extract_strided_slice %add3A_32 {offsets = [0, 64], sizes = [1024, 64], strides = [1, 1]} : vector<1024x128xf32> to vector<1024x64xf32>
    %swap3A_36 = arith.constant 0 : index
    %swap3A_37 = arith.constant 0 : index
    %swap3A_38 = vector.load %arg6[%swap3A_36, %swap3A_37] : memref<1024x64xf32, #tpu.memory_space<vmem>>, vector<1024x64xf32>
    tpu.vector_store %arg6[%swap3A_36, %swap3A_37], %slice3A_35 {strides = array<i32>} : memref<1024x64xf32, #tpu.memory_space<vmem>>, vector<1024x64xf32>,
    return
  }
  func.func @transform_0(%arg0: i32) -> (i32, i32, i32) {
    %c0_i32 = arith.constant 0 : i32
    %c0_i32_0 = arith.constant 0 : i32
    %c0_i32_1 = arith.constant 0 : i32
    return %c0_i32, %arg0, %c0_i32_0 : i32, i32, i32
  }
  func.func @transform_1(%arg0: i32) -> (i32, i32) {
    %c0_i32 = arith.constant 0 : i32
    %c0_i32_0 = arith.constant 0 : i32
    return %arg0, %c0_i32 : i32, i32
  }
  func.func @transform_2(%arg0: i32) -> (i32, i32, i32) {
    %c0_i32 = arith.constant 0 : i32
    %c0_i32_0 = arith.constant 0 : i32
    %c0_i32_1 = arith.constant 0 : i32
    return %c0_i32, %arg0, %c0_i32_0 : i32, i32, i32
  }
  func.func @transform_3(%arg0: i32) -> (i32, i32) {
    %c0_i32 = arith.constant 0 : i32
    %c0_i32_0 = arith.constant 0 : i32
    %c0_i32_1 = arith.constant 0 : i32
    return %c0_i32, %c0_i32_0 : i32, i32
  }
  func.func @transform_4(%arg0: i32) -> (i32, i32) {
    %c0_i32 = arith.constant 0 : i32
    %c0_i32_0 = arith.constant 0 : i32
    return %arg0, %c0_i32 : i32, i32
  }
  func.func @transform_5(%arg0: i32) -> (i32, i32) {
    %c0_i32 = arith.constant 0 : i32
    %c0_i32_0 = arith.constant 0 : i32
    return %arg0, %c0_i32 : i32, i32
  }
}

</mosaic_0001>

<sc_bundles>
// kernel: _run.11.cloned.1.call-start
scs
__scs_entry_jumppad:
0x0: {  	(pc) =	sbr.rel $0x88, $3  }
0x1: {  	(tag) =	ssettag $0x0;
	lr =	simm.s32 $0x1  }
0x2: {  	[smem:$0x3F99] =	sst lr;
	_ =	strace $0xD0000000  }
0x3: {  	_ = 	snop  }
0x4: {  	_ = 	snop  }
0x5: {  	_ = 	snop  }
0x6: {  	_ = 	snop  }
0x7: {  	_ = 	snop  }
__scs_overlays_trampoline_lowered:
0x8: {  	[smem:$0x3FA8] =	sst s0  }
0x9: {  	[smem:$0x3FA9] =	sst s1  }
0xa: {  	[smem:$0x3FAA] =	sst s2  }
0xb: {  	[smem:$0x3FAB] =	sst s3  }
0xc: {  	[smem:$0x3FAC] =	sst s4  }
0xd: {  	[smem:$0x3FAD] =	sst s5  }
0xe: {  	[smem:$0x3FAE] =	sst s6  }
0xf: {  	[smem:$0x3FAF] =	sst s7  }
0x10: {  	[smem:$0x3FB0] =	sst s8  }
0x11: {  	[smem:$0x3FB1] =	sst s9;
	s0 =	simm.s32 @!p0 $0x0  }
0x12: {  	s1 =	sld [smem:$0x3F97];
	s0 =	simm.s32 @p0 $0x1  }
0x13: {  	[smem:$0x3FB2] =	sst s0;
	s0 =	simm.s32 @!p1 $0x0  }
0x14: {  	s2 =	sld [smem:$0x3F96];
	s0 =	simm.s32 @p1 $0x1  }
0x15: {  	[smem:$0x3FB3] =	sst s0;
	s0 =	simm.s32 @!p2 $0x0  }
0x16: {  	s3 =	sld [smem:$0x3FDB];
	s0 =	simm.s32 @p2 $0x1  }
0x17: {  	s4 =	simm.s32 $0x1BF5;
	[smem:$0x3FB5] =	sst s0  }
0x18: {  	s0 =	sld [smem:$0x3F98];
	_ =	swait.ge [sflag:s4], $0x0  }
0x19: {  	s7 =	sld [smem:$0x3F99]  }
0x1a: {  	s8 =	sadd.s32 $0xFFFFE003, lr  }
0x1b: {  	s9 =	sadd.s32 $0xFFFFFEF7, lr;
	s5 =	simm.s32 $0xFFFFFFFF;
	p2 =	slt.u32 s8, $0xFFFFF086  }
0x1c: {  	p1 =	slt.u32 s9, $0xF7A;
	s5 =	simm.s32 @!p2 $0x0  }
0x1d: {  	s5 =	simm.s32 @p1 $0x1;
	p0 =	seq.s32 s7, s2  }
0x1e: {  	s7 =	smul.u32 @!p0 $0xF7A, s2;
	p2 =	seq.s32 @!p0 s5, $0x0  }
0x1f: {  	s9 =	smul.u32 $0xF7A, s1;
	s8 =	simm.s32 @!p0 $0x1BF5;
	p2 =	por !p2, p0  }
0x20: {  	[sflag:s8] =	ssyncset.s32 @!p0 $0xFFFFF086;
	s6 =	sadd.s32 @!p0 s3, s7;
	s7 =	simm.s32 @!p0 $0x108  }
0x21: {  	s3 =	sadd.s32 s3, s9;
	s6 =	sadd.s32 @!p0 $0x88, s6;
	s7 =	simm.s32 @p2 $0x1082  }
0x22: {  	[simem:s7], [sflag:s8] =	dma.local @!p0 [hbm:s6], $0xF7A  }
0x23: {  	s9 =	sor.u32 $0xD0000000, s2;
	s6 =	simm.s32 $0x108;
	_ =	swait.ge @!p0 [sflag:s8], $0x0  }
0x24: {  	s3 =	sadd.s32 $0x88, s3;
	s6 =	simm.s32 @!p1 $0x1082;
	[sflag:s4] =	ssyncset.s32 $0xFFFFF086  }
0x25: {  	[simem:s6], [sflag:s4] =	dma.local [hbm:s3], $0xF7A  }
0x26: {  	[smem:$0x3F99] =	sst s1;
	(tag) =	ssettag s2;
	_ =	strace s9  }
0x27: {  	s1 =	sld [smem:$0x3FA9]  }
0x28: {  	s2 =	sld [smem:$0x3FAA]  }
0x29: {  	s4 =	sld [smem:$0x3FAC]  }
0x2a: {  	p0 =	seq.s32 s5, $0x0;
	s5 =	sld [smem:$0x3FAD]  }
0x2b: {  	s6 =	sld [smem:$0x3FAE]  }
0x2c: {  	s7 =	sld [smem:$0x3FAF]  }
0x2d: {  	s3 =	simm.s32 $0x108;
	s8 =	sld [smem:$0x3FB0]  }
0x2e: {  	s3 =	simm.s32 @!p0 $0x1082;
	s9 =	sld [smem:$0x3FB1]  }
0x2f: {  	lr =	sadd.s32 s0, s3;
	s0 =	sld [smem:$0x3FA8]  }
0x30: {  	s3 =	sld [smem:$0x3FAB]  }
0x31: {  	[smem:$0x3FB4] =	sst s10  }
0x32: {  	s10 =	sld [smem:$0x3FB2];
	_ =	sdelay $0x3  }
0x33: {  	p0 =	seq.s32 s10, $0x1;
	s10 =	sld [smem:$0x3FB4];
	_ =	sdelay $0x3  }
0x34: {  	[smem:$0x3FB4] =	sst s10  }
0x35: {  	s10 =	sld [smem:$0x3FB3];
	_ =	sdelay $0x3  }
0x36: {  	p1 =	seq.s32 s10, $0x1;
	s10 =	sld [smem:$0x3FB4];
	_ =	sdelay $0x3  }
0x37: {  	[smem:$0x3FB4] =	sst s10  }
0x38: {  	s10 =	sld [smem:$0x3FB5]  }
0x39: {  	_ = 	snop;
	(pc) =	sbr.ind lr, $3  }
0x3a: {  	_ = 	snop  }
0x3b: {  	_ = 	snop  }
0x3c: {  	p2 =	seq.s32 s10, $0x1;
	s10 =	sld [smem:$0x3FB4]  }
0x3d: {  	_ =	shalt  }
0x3e: {  	_ =	shalt  }
0x3f: {  	_ =	shalt  }
0x40: {  	_ =	shalt  }
0x41: {  	_ =	shalt  }
0x42: {  	_ =	shalt  }
0x43: {  	_ =	shalt  }
0x44: {  	_ =	shalt  }
0x45: {  	_ =	shalt  }
0x46: {  	_ =	shalt  }
0x47: {  	_ =	shalt  }
0x48: {  	_ =	shalt  }
0x49: {  	_ =	shalt  }
0x4a: {  	_ =	shalt  }
0x4b: {  	_ =	shalt  }
0x4c: {  	_ =	shalt  }
0x4d: {  	_ =	shalt  }
0x4e: {  	_ =	shalt  }
0x4f: {  	_ =	shalt  }
0x50: {  	_ =	shalt  }
0x51: {  	_ =	shalt  }
0x52: {  	_ =	shalt  }
0x53: {  	_ =	shalt  }
0x54: {  	_ =	shalt  }
0x55: {  	_ =	shalt  }
0x56: {  	_ =	shalt  }
0x57: {  	_ =	shalt  }
0x58: {  	_ =	shalt  }
0x59: {  	_ =	shalt  }
0x5a: {  	_ =	shalt  }
0x5b: {  	_ =	shalt  }
0x5c: {  	_ =	shalt  }
0x5d: {  	_ =	shalt  }
0x5e: {  	_ =	shalt  }
0x5f: {  	_ =	shalt  }
0x60: {  	_ =	shalt  }
0x61: {  	_ =	shalt  }
0x62: {  	_ =	shalt  }
0x63: {  	_ =	shalt  }
0x64: {  	_ =	shalt  }
0x65: {  	_ =	shalt  }
0x66: {  	_ =	shalt  }
0x67: {  	_ =	shalt  }
0x68: {  	_ =	shalt  }
0x69: {  	_ =	shalt  }
0x6a: {  	_ =	shalt  }
0x6b: {  	_ =	shalt  }
0x6c: {  	_ =	shalt  }
0x6d: {  	_ =	shalt  }
0x6e: {  	_ =	shalt  }
0x6f: {  	_ =	shalt  }
0x70: {  	_ =	shalt  }
0x71: {  	_ =	shalt  }
0x72: {  	_ =	shalt  }
0x73: {  	_ =	shalt  }
0x74: {  	_ =	shalt  }
0x75: {  	_ =	shalt  }
0x76: {  	_ =	shalt  }
0x77: {  	_ =	shalt  }
0x78: {  	_ =	shalt  }
0x79: {  	_ =	shalt  }
0x7a: {  	_ =	shalt  }
0x7b: {  	_ =	shalt  }
0x7c: {  	_ =	shalt  }
0x7d: {  	_ =	shalt  }
0x7e: {  	_ =	shalt  }
0x7f: {  	_ =	shalt  }
0x80: {  	_ =	shalt  }
0x81: {  	_ =	shalt  }
0x82: {  	_ =	shalt  }
0x83: {  	_ =	shalt  }
0x84: {  	_ =	shalt  }
0x85: {  	_ =	shalt  }
0x86: {  	_ =	shalt  }
0x87: {  	_ =	shalt  }
.Lfunc_end0:
.L_simem_size_0:
called_computation.1_lowered:
.L_overlay_start_0:
0x88: {  	s2 =	sld [smem:$0x3FD9]  }
0x89: {  	s3 =	sld [smem:$0x3FFE];
	_ =	sdelay $0x1  }
0x8a: {  	s1 =	srdreg.scid  }
0x8b: {  	s0 =	sand.u32 $0x1, s1  }
0x8c: {  	s14 =	sshll.u32 s0, $0xA;
	s2 =	sadd.s32 s3, s2  }
0x8d: {  	s2 =	sadd.s32 s2, s14  }
0x8e: {  	[smem:$0x3FC0] =	sst s2  }
0x8f: {  	_ = 	snop  }
0x90: {  	s2 =	sld [smem:$0x3FD0];
	_ =	sdelay $0x2  }
0x91: {  	s15 =	simm.s32 $0xA;
	s4 =	simm.s32 $0x10  }
0x92: {  	[smem:s4], [sflag:s15] =	dma.local [hbm:s2], $0x1  }
0x93: {  	_ =	swait.eq [sflag:s15], $0x1  }
0x94: {  	[sflag:s15] =	ssyncset.done $0x0  }
0x95: {  	[sflag:s15] =	ssyncadd.s32 $0xFFFFFFFF  }
0x96: {  	s16 =	sld [smem:$0x11];
	(tm) =	ssettm $0x1  }
0x97: {  	s17 =	sld [smem:$0x3FFB];
	_ =	sdelay $0x3  }
0x98: {  	_ =	strace s17  }
0x99: {  	s3 =	sld [smem:$0x3FFC];
	_ =	sdelay $0x3  }
0x9a: {  	_ =	strace s3  }
0x9b: {  	s3 =	sld [smem:$0x3FFD];
	_ =	sdelay $0x3  }
0x9c: {  	_ =	strace s3  }
0x9d: {  	_ =	strace $0x8FFFFFFF  }
0x9e: {  	s18 =	sld [smem:$0x3FDB];
	_ =	sdelay $0x1  }
0x9f: {  	s19 =	simm.s32 $_scs_section_size  }
0xa0: {  	s5 =	simm.s32 $_size__tile_overlayer_lowered;
	s6 =	simm.s32 $_tile_overlayer_lowered  }
0xa1: {  	s22 =	simm.s32 $0x1BFF;
	s21 =	sshll.u32 s6, $0x1;
	s3 =	sadd.s32 s19, s18  }
0xa2: {  	s7 =	simm.s32 $0x0;
	s20 =	sshll.u32 s5, $0x1;
	s5 =	sadd.s32 s21, s3  }
0xa3: {  	[timem:s7], [sflag:s22] =	dma.local [hbm:s5], s20  }
0xa4: {  	_ =	swait.ge [sflag:s22], s20  }
0xa5: {  	s4 =	ssub.s32 $0x0, s20;
	[sflag:s22] =	ssyncset.done $0x0  }
0xa6: {  	[sflag:s22] =	ssyncadd.s32 s4;
	_ =	sdelay $0x1  }
0xa7: {  	s23 =	simm.s32 $0x1B8B  }
0xa8: {  	_ =	swait.ge [sflag:s23], $0x1  }
0xa9: {  	[sflag:s23] =	ssyncset.done $0x0  }
0xaa: {  	s25 =	simm.s32 $0x1B8E;
	s24 =	sld [smem:$0x3FFE];
	[sflag:s23] =	ssyncadd.s32 $0xFFFFFFFF  }
0xab: {  	s26 =	simm.s32 $execute0_lowered;
	[smem:$0x3FD2] =	sst s25  }
0xac: {  	s5 =	sshll.u32 s26, $0x1;
	_ =	strace $0x80000049;
	[dreg:$0x1] =	wrdreg $0xFFFFFFFF  }
0xad: {  	s28 =	simm.s32 $_size_execute0_lowered;
	s3 =	sadd.s32 s3, s5;
	[dreg:$0x0] =	wrdreg $0x0  }
0xae: {  	s5 =	sshll.u32 s28, $0x1;
	[dreg:$0x2] =	wrdreg s3  }
0xaf: {  	[dreg:$0x3] =	wrdreg s5  }
0xb0: {  	[dreg:$0x4] =	wrdreg $0xC0  }
0xb1: {  	_ =	task [dreg:s7], $0x5FFFF  }
0xb2: {  	[dreg:$0x1] =	wrdreg $0xFFFFFFFF  }
0xb3: {  	[dreg:$0x0] =	wrdreg $0x60  }
0xb4: {  	[dreg:$0x2] =	wrdreg s24  }
0xb5: {  	[dreg:$0x3] =	wrdreg s16  }
0xb6: {  	[dreg:$0x4] =	wrdreg $0xAA000  }
0xb7: {  	[dreg:$0x5] =	wrdreg $0x9  }
0xb8: {  	_ =	task.clear_ibuf [dreg:s7], $0x6FFFF;
	_ =	strace $0x90000049  }
0xb9: {  	s29 =	simm.s32 $0x9;
	_ =	strace $0x8000004B  }
0xba: {  	_ =	swait.ge [sflag:s29], $0x1  }
0xbb: {  	[sflag:s29] =	ssyncadd.s32 $0xFFFFFFFF  }
0xbc: {  	_ =	strace $0x9000004B  }
0xbd: {  	_ =	sfence  }
0xbe: {  	s30 =	sld [smem:$0x0];
	_ =	sdelay $0x2  }
0xbf: {  	s31 =	sshll.u32 s1, $0xD;
	s1 =	sshrl.u32 s1, $0x2  }
0xc0: {  	s3 =	sand.u32 $0x4000, s31;
	s1 =	sadd.s32 s1, s30  }
0xc1: {  	s0 =	sor.u32 s3, s0;
	s1 =	sshll.u32 s1, $0x11  }
0xc2: {  	s0 =	sor.u32 s1, s0  }
0xc3: {  	s0 =	sadd.s32 $0x8F2B, s0  }
0xc4: {  	[sflag:s0] =	ssyncadd.remote.s32 $0x1  }
0xc5: {  	_ =	sfence.sel $0xFFFF  }
0xc6: {  	[dreg:$0x0] =	wrdreg $0xFFFFFFFF;
	(pc) =	sbr.abs _section_cstart, $3  }
0xc7: {  	[dreg:$0x1] =	wrdreg $0xFFFFFFFF  }
0xc8: {  	_ =	task.clear_ibuf [dreg:s7], $0x2FFFF;
	_ =	strace $0x9FFFFFFF  }
0xc9: {  	(tm) =	ssettm $0x7FFFFFFF  }
tec
execute0_lowered:
.L_overlay_start_1:
0x0: {  	(tag) =	ssettag $0x1  }
0x1: {  	s5 =	rddreg [dreg:$0x0]  }
0x2: {  	s6 =	rddreg [dreg:$0x1]  }
0x3: {  	s1 =	rddreg [dreg:$0x2]  }
0x4: {  	s0 =	rddreg [dreg:$0x3];
	s2 =	simm.s32 $0x0  }
0x5: {  	s3 =	srdreg.scid;
	s13 =	simm.s32 $0x2A00;
	s14 =	simm.s32 $0x3  }
0x6: {  	s15 =	simm.s32 $0x2;
	s16 =	simm.s32 $0x80;
	s17 =	simm.s32 $0x2800  }
0x7: {  	s18 =	simm.s32 $0x2880;
	s19 =	simm.s32 $0x6A00;
	s20 =	simm.s32 $0x1  }
0x8: {  	s21 =	simm.s32 $0x2900;
	s22 =	simm.s32 $0x2980;
	s24 =	simm.s32 $0x0  }
0x9: {  	[smem:$0x7FF] =	sst s2;
	s7 =	sand.u32 $0x1, s3;
	s3 =	stileid.u32  }
0xa: {  	s4 =	sadd.s32 $0x52C00, s5;
	_ =	strace $0x8000004A;
	s8 =	smul.u32 $0x28000, s7  }
0xb: {  	s9 =	smul.u32 $0x2800, s3;
	s10 =	sshll.u32 s7, $0x4;
	s7 =	ssub.s32 $0x2, s7  }
0xc: {  	s11 =	smul.u32 $0x50000, s3;
	s23 =	sshll.u32 s3, $0x6;
	s10 =	sor.u32 s3, s10  }
0xd: {  	s30 =	sshrl.u32 s7, $0x1;
	s23 =	sor.u32 $0x1C03, s23;
	s10 =	smul.u32 $0x500, s10  }
0xe: {  	s8 =	sadd.s32 s9, s8;
	s9 =	ssub.s32 s7, s30;
	s31 =	sshrl.u32 s11, $0x2  }
0xf: {  	s8 =	sadd.s32 s8, s5;
	s5 =	sadd.s32 s6, s10;
	s6 =	sadd.s32 s31, s1  }
0x10: {  	s7 =	sadd.s32 $0x7AC00, s8;
	s8 =	smax.u32 s9, $0x1;
	s9 =	sadd.s32 $0x4000, s6  }
0x11: {  	v0 =	vimm.f32 $0.0e+00;
	s10 =	sadd.s32 $0x8000, s6;
	s11 =	sadd.s32 $0xC000, s6;
	s12 =	sadd.s32 $0x10000, s6  }
.LBB2_1:
0x12: {  	[tilespmem:s2], [sflag:$0x2] =	stream.linear.gather [hbm4b:s5+s2], $0x2800, $0x38;
	[tilespmem:$0x1EA00] =	vst v63  }
0x13: {  	s25 =	simm.s32 $0x0;
	s26 =	simm.s32 $0x200  }
.LBB2_2:
0x14: {  	p0 =	sne.s32 s26, $0xFE00;
	[tilespmem:s25+$0x2A70] =	vst v0  }
0x15: {  	[tilespmem:s25+$0x2A00] =	vst v0  }
0x16: {  	[tilespmem:s25+$0x2A10] =	vst v0  }
.Ltmp0:
0x17: {  	[tilespmem:s25+$0x2A20] =	vst v0;
	(pc) =	sbr.rel @p0 .LBB2_2-.Ltmp0, $4  }
0x18: {  	[tilespmem:s25+$0x2A30] =	vst v0  }
0x19: {  	[tilespmem:s25+$0x2A40] =	vst v0  }
0x1a: {  	[tilespmem:s25+$0x2A50] =	vst v0  }
0x1b: {  	[tilespmem:s25+$0x2A60] =	vst v0;
	s25 =	sshra.s32 s26, $0x2;
	s26 =	sadd.s32 $0x200, s26  }
0x1c: {  	[tilespmem:s25+$0x2A70] =	vst v0  }
0x1d: {  	[tilespmem:s25+$0x2A00] =	vst v0  }
0x1e: {  	[tilespmem:s25+$0x2A10] =	vst v0  }
0x1f: {  	[tilespmem:s25+$0x2A20] =	vst v0  }
0x20: {  	[tilespmem:s25+$0x2A30] =	vst v0  }
0x21: {  	[tilespmem:s25+$0x2A40] =	vst v0  }
0x22: {  	[tilespmem:s25+$0x2A50] =	vst v0  }
0x23: {  	[tilespmem:s25+$0x2A60] =	vst v0  }
0x24: {  	[spmem:s6] =	stream.linear.scatter [tilespmem:s13], [sflag:$0x3], $0x4000, $0x38;
	[tilespmem:$0x1EA00] =	vst v63  }
0x25: {  	_ =	swait.ge [sflag:s14], $0x4000  }
0x26: {  	[sflag:s14] =	ssyncset.done $0x0  }
0x27: {  	[sflag:s14] =	ssyncadd.s32 $0xFFFFC000  }
0x28: {  	[spmem:s9] =	stream.linear.scatter [tilespmem:s13], [sflag:$0x3], $0x4000, $0x38;
	[tilespmem:$0x1EA00] =	vst v63  }
0x29: {  	_ =	swait.ge [sflag:s14], $0x4000  }
0x2a: {  	[sflag:s14] =	ssyncset.done $0x0  }
0x2b: {  	[sflag:s14] =	ssyncadd.s32 $0xFFFFC000  }
0x2c: {  	[spmem:s10] =	stream.linear.scatter [tilespmem:s13], [sflag:$0x3], $0x4000, $0x38;
	[tilespmem:$0x1EA00] =	vst v63  }
0x2d: {  	_ =	swait.ge [sflag:s14], $0x4000  }
0x2e: {  	[sflag:s14] =	ssyncset.done $0x0  }
0x2f: {  	[sflag:s14] =	ssyncadd.s32 $0xFFFFC000  }
0x30: {  	[spmem:s11] =	stream.linear.scatter [tilespmem:s13], [sflag:$0x3], $0x4000, $0x38;
	[tilespmem:$0x1EA00] =	vst v63  }
0x31: {  	_ =	swait.ge [sflag:s14], $0x4000  }
0x32: {  	[sflag:s14] =	ssyncset.done $0x0  }
0x33: {  	[sflag:s14] =	ssyncadd.s32 $0xFFFFC000  }
0x34: {  	[spmem:s12] =	stream.linear.scatter [tilespmem:s13], [sflag:$0x3], $0x4000, $0x38;
	[tilespmem:$0x1EA00] =	vst v63  }
0x35: {  	_ =	swait.ge [sflag:s14], $0x4000  }
0x36: {  	[sflag:s14] =	ssyncset.done $0x0  }
0x37: {  	[sflag:s14] =	ssyncadd.s32 $0xFFFFC000  }
0x38: {  	_ =	swait.ge [sflag:s15], $0x2800  }
0x39: {  	[sflag:s15] =	ssyncset.done $0x0  }
0x3a: {  	[sflag:s15] =	ssyncadd.s32 $0xFFFFD800  }
0x3b: {  	v1 =	vld [tilespmem:$0x0];
	_ =	sdelay $0x1  }
0x3c: {  	v2 =	vld [tilespmem:$0x10];
	_ =	sdelay $0x1  }
0x3d: {  	v3 =	vld [tilespmem:$0x20]  }
0x3e: {  	v4 =	vand.u32 $0x3FFF, v1  }
0x3f: {  	v62 =	vld [tilespmem:$0x30];
	v1 =	vshrl.u32 v1, $0xE;
	[tilespmem:$0x2800] =	vst v4  }
0x40: {  	[tilespmem:$0x2900] =	vst v1;
	v1 =	vand.u32 $0x3FFF, v2  }
0x41: {  	[tilespmem:$0x2810] =	vst v1;
	v1 =	vshrl.u32 v2, $0xE;
	v2 =	vld [tilespmem:$0x40]  }
0x42: {  	[tilespmem:$0x2910] =	vst v1;
	v1 =	vand.u32 $0x3FFF, v3  }
0x43: {  	[tilespmem:$0x2820] =	vst v1;
	v1 =	vshrl.u32 v3, $0xE;
	v3 =	vld [tilespmem:$0x50]  }
0x44: {  	[tilespmem:$0x2920] =	vst v1;
	v1 =	vand.u32 $0x3FFF, v62  }
0x45: {  	v63 =	vld [tilespmem:$0x60];
	[tilespmem:$0x2830] =	vst v1;
	v1 =	vshrl.u32 v62, $0xE  }
0x46: {  	[tilespmem:$0x2930] =	vst v1;
	v1 =	vand.u32 $0x3FFF, v2  }
0x47: {  	[tilespmem:$0x2840] =	vst v1;
	v1 =	vshrl.u32 v2, $0xE;
	v2 =	vld [tilespmem:$0x70]  }
0x48: {  	[tilespmem:$0x2940] =	vst v1;
	v1 =	vand.u32 $0x3FFF, v3  }
0x49: {  	[tilespmem:$0x2850] =	vst v1;
	v1 =	vshrl.u32 v3, $0xE  }
0x4a: {  	[tilespmem:$0x2950] =	vst v1;
	v1 =	vand.u32 $0x3FFF, v63  }
0x4b: {  	[tilespmem:$0x2860] =	vst v1;
	v1 =	vshrl.u32 v63, $0xE  }
0x4c: {  	[tilespmem:$0x2960] =	vst v1;
	v1 =	vand.u32 $0x3FFF, v2  }
0x4d: {  	[tilespmem:$0x2870] =	vst v1;
	v1 =	vshrl.u32 v2, $0xE  }
0x4e: {  	[tilespmem:$0x2970] =	vst v1  }
0x4f: {  	[tilespmem:s13], [sflag:$0x1] =	stream.indirect.gather [hbm4b:s4+s16], $0x80, s17, s16, $0xb8;
	[tilespmem:$0x1EA00] =	vst v63  }
0x50: {  	s25 =	simm.s32 $0xF0;
	[bflag:$0x0] =	sbarrier.arrive $0xFFFF  }
0x51: {  	v1 =	vld [tilespmem:s25+$0xFFFFFF90];
	_ =	sdelay $0x4  }
0x52: {  	v2 =	vand.u32 $0x3FFF, v1  }
0x53: {  	v1 =	vshrl.u32 v1, $0xE;
	[tilespmem:$0x2880] =	vst v2  }
0x54: {  	[tilespmem:$0x2980] =	vst v1  }
0x55: {  	v1 =	vld [tilespmem:s25+$0xFFFFFFA0];
	_ =	sdelay $0x4  }
0x56: {  	v2 =	vand.u32 $0x3FFF, v1  }
0x57: {  	v1 =	vshrl.u32 v1, $0xE;
	[tilespmem:$0x2890] =	vst v2  }
0x58: {  	[tilespmem:$0x2990] =	vst v1  }
0x59: {  	v1 =	vld [tilespmem:s25+$0xFFFFFFB0];
	_ =	sdelay $0x4  }
0x5a: {  	v2 =	vand.u32 $0x3FFF, v1  }
0x5b: {  	v1 =	vshrl.u32 v1, $0xE;
	[tilespmem:$0x28A0] =	vst v2  }
0x5c: {  	[tilespmem:$0x29A0] =	vst v1  }
0x5d: {  	v1 =	vld [tilespmem:s25+$0xFFFFFFC0];
	_ =	sdelay $0x4  }
0x5e: {  	v2 =	vand.u32 $0x3FFF, v1  }
0x5f: {  	v1 =	vshrl.u32 v1, $0xE;
	[tilespmem:$0x28B0] =	vst v2  }
0x60: {  	[tilespmem:$0x29B0] =	vst v1  }
0x61: {  	v1 =	vld [tilespmem:s25+$0xFFFFFFD0];
	_ =	sdelay $0x4  }
0x62: {  	v2 =	vand.u32 $0x3FFF, v1  }
0x63: {  	v1 =	vshrl.u32 v1, $0xE;
	[tilespmem:$0x28C0] =	vst v2  }
0x64: {  	[tilespmem:$0x29C0] =	vst v1  }
0x65: {  	v1 =	vld [tilespmem:s25+$0xFFFFFFE0];
	_ =	sdelay $0x4  }
0x66: {  	v2 =	vand.u32 $0x3FFF, v1  }
0x67: {  	v1 =	vshrl.u32 v1, $0xE;
	[tilespmem:$0x28D0] =	vst v2  }
0x68: {  	[tilespmem:$0x29D0] =	vst v1  }
0x69: {  	v1 =	vld [tilespmem:s25+$0xFFFFFFF0];
	_ =	sdelay $0x4  }
0x6a: {  	v2 =	vand.u32 $0x3FFF, v1  }
0x6b: {  	v1 =	vshrl.u32 v1, $0xE;
	[tilespmem:$0x28E0] =	vst v2  }
0x6c: {  	[tilespmem:$0x29E0] =	vst v1  }
0x6d: {  	v1 =	vld [tilespmem:s25+$0x0];
	_ =	sdelay $0x4  }
0x6e: {  	v2 =	vand.u32 $0x3FFF, v1  }
0x6f: {  	v1 =	vshrl.u32 v1, $0xE;
	[tilespmem:$0x28F0] =	vst v2  }
0x70: {  	[tilespmem:$0x29F0] =	vst v1  }
0x71: {  	[tilespmem:s19], [sflag:$0x2] =	stream.indirect.gather [hbm4b:s4+s16], $0x80, s18, s16, $0xb8;
	[tilespmem:$0x1EA00] =	vst v63  }
0x72: {  	_ =	swait.ge [sflag:s20], $0x4000  }
0x73: {  	[sflag:s20] =	ssyncset.done $0x0  }
0x74: {  	[sflag:s20] =	ssyncadd.s32 $0xFFFFC000  }
0x75: {  	[spmem:s1] =	stream.indirect.scatter.add.f32 [tilespmem:s13], [sflag:$0x3], $0x80, s21, s16, $0xb8;
	[tilespmem:$0x1EA00] =	vst v63  }
0x76: {  	s26 =	simm.s32 $0x0;
	_ =	swait.ge [sflag:s14], $0x4000  }
0x77: {  	s26 =	smin.u32 s26, $0x4D;
	[sflag:s14] =	ssyncset.done $0x0  }
0x78: {  	s28 =	sshll.u32 s26, $0x7;
	[sflag:s14] =	ssyncadd.s32 $0xFFFFC000  }
0x79: {  	v1 =	vld [tilespmem:s28+$0x100];
	_ =	sdelay $0x4  }
0x7a: {  	v2 =	vand.u32 $0x3FFF, v1  }
0x7b: {  	v1 =	vshrl.u32 v1, $0xE;
	[tilespmem:$0x2800] =	vst v2  }
0x7c: {  	[tilespmem:$0x2900] =	vst v1  }
0x7d: {  	v1 =	vld [tilespmem:s28+$0x110];
	_ =	sdelay $0x4  }
0x7e: {  	v2 =	vand.u32 $0x3FFF, v1  }
0x7f: {  	v1 =	vshrl.u32 v1, $0xE;
	[tilespmem:$0x2810] =	vst v2  }
0x80: {  	[tilespmem:$0x2910] =	vst v1  }
0x81: {  	v1 =	vld [tilespmem:s28+$0x120];
	_ =	sdelay $0x4  }
0x82: {  	v2 =	vand.u32 $0x3FFF, v1  }
0x83: {  	v1 =	vshrl.u32 v1, $0xE;
	[tilespmem:$0x2820] =	vst v2  }
0x84: {  	[tilespmem:$0x2920] =	vst v1  }
0x85: {  	v1 =	vld [tilespmem:s28+$0x130];
	_ =	sdelay $0x4  }
0x86: {  	v2 =	vand.u32 $0x3FFF, v1  }
0x87: {  	v1 =	vshrl.u32 v1, $0xE;
	[tilespmem:$0x2830] =	vst v2  }
0x88: {  	[tilespmem:$0x2930] =	vst v1  }
0x89: {  	v1 =	vld [tilespmem:s28+$0x140];
	_ =	sdelay $0x4  }
0x8a: {  	v2 =	vand.u32 $0x3FFF, v1  }
0x8b: {  	v1 =	vshrl.u32 v1, $0xE;
	[tilespmem:$0x2840] =	vst v2  }
0x8c: {  	[tilespmem:$0x2940] =	vst v1  }
0x8d: {  	v1 =	vld [tilespmem:s28+$0x150];
	_ =	sdelay $0x4  }
0x8e: {  	v2 =	vand.u32 $0x3FFF, v1  }
0x8f: {  	v1 =	vshrl.u32 v1, $0xE;
	[tilespmem:$0x2850] =	vst v2  }
0x90: {  	[tilespmem:$0x2950] =	vst v1  }
0x91: {  	v1 =	vld [tilespmem:s28+$0x160];
	_ =	sdelay $0x4  }
0x92: {  	v2 =	vand.u32 $0x3FFF, v1  }
0x93: {  	s26 =	simm.s32 $0x2;
	v1 =	vshrl.u32 v1, $0xE;
	[tilespmem:$0x2860] =	vst v2  }
.LBB2_4:
0x94: {  	p0 =	sne.s32 s26, $0x4E  }
0x95: {  	[tilespmem:$0x2960] =	vst v1;
	s25 =	sadd.s32 $0x100, s25;
	s29 =	smov.u32 s26;
	s26 =	sadd.s32 $0x2, s26  }
0x96: {  	v1 =	vld [tilespmem:s28+$0x170];
	_ =	sdelay $0x4  }
0x97: {  	v2 =	vand.u32 $0x3FFF, v1;
	v1 =	vshrl.u32 v1, $0xE  }
0x98: {  	[tilespmem:$0x2870] =	vst v2  }
0x99: {  	[tilespmem:$0x2970] =	vst v1  }
0x9a: {  	[tilespmem:s13], [sflag:$0x1] =	stream.indirect.gather [hbm4b:s4+s16], $0x80, s17, s16, $0xb8;
	[tilespmem:$0x1EA00] =	vst v63  }
0x9b: {  	_ =	swait.ge [sflag:s15], $0x4000  }
0x9c: {  	[sflag:s15] =	ssyncset.done $0x0  }
0x9d: {  	[sflag:s15] =	ssyncadd.s32 $0xFFFFC000  }
0x9e: {  	[spmem:s1] =	stream.indirect.scatter.add.f32 [tilespmem:s19], [sflag:$0x3], $0x80, s22, s16, $0xb8;
	[tilespmem:$0x1EA00] =	vst v63  }
0x9f: {  	_ =	swait.ge [sflag:s14], $0x4000  }
0xa0: {  	[sflag:s14] =	ssyncset.done $0x0  }
0xa1: {  	[sflag:s14] =	ssyncadd.s32 $0xFFFFC000  }
0xa2: {  	v1 =	vld [tilespmem:s25+$0xFFFFFF90];
	_ =	sdelay $0x4  }
0xa3: {  	v2 =	vand.u32 $0x3FFF, v1;
	v1 =	vshrl.u32 v1, $0xE  }
0xa4: {  	[tilespmem:$0x2880] =	vst v2  }
0xa5: {  	[tilespmem:$0x2980] =	vst v1  }
0xa6: {  	v1 =	vld [tilespmem:s25+$0xFFFFFFA0];
	_ =	sdelay $0x4  }
0xa7: {  	v2 =	vand.u32 $0x3FFF, v1;
	v1 =	vshrl.u32 v1, $0xE  }
0xa8: {  	[tilespmem:$0x2890] =	vst v2  }
0xa9: {  	[tilespmem:$0x2990] =	vst v1  }
0xaa: {  	v1 =	vld [tilespmem:s25+$0xFFFFFFB0];
	_ =	sdelay $0x4  }
0xab: {  	v2 =	vand.u32 $0x3FFF, v1;
	v1 =	vshrl.u32 v1, $0xE  }
0xac: {  	[tilespmem:$0x28A0] =	vst v2  }
0xad: {  	[tilespmem:$0x29A0] =	vst v1  }
0xae: {  	v1 =	vld [tilespmem:s25+$0xFFFFFFC0];
	_ =	sdelay $0x4  }
0xaf: {  	v2 =	vand.u32 $0x3FFF, v1;
	v1 =	vshrl.u32 v1, $0xE  }
0xb0: {  	[tilespmem:$0x28B0] =	vst v2  }
0xb1: {  	[tilespmem:$0x29B0] =	vst v1  }
0xb2: {  	v1 =	vld [tilespmem:s25+$0xFFFFFFD0];
	_ =	sdelay $0x4  }
0xb3: {  	v2 =	vand.u32 $0x3FFF, v1;
	v1 =	vshrl.u32 v1, $0xE  }
0xb4: {  	[tilespmem:$0x28C0] =	vst v2  }
0xb5: {  	[tilespmem:$0x29C0] =	vst v1  }
0xb6: {  	v1 =	vld [tilespmem:s25+$0xFFFFFFE0];
	_ =	sdelay $0x4  }
0xb7: {  	v2 =	vand.u32 $0x3FFF, v1;
	v1 =	vshrl.u32 v1, $0xE  }
0xb8: {  	[tilespmem:$0x28D0] =	vst v2  }
0xb9: {  	[tilespmem:$0x29D0] =	vst v1  }
0xba: {  	v1 =	vld [tilespmem:s25+$0xFFFFFFF0];
	_ =	sdelay $0x4  }
0xbb: {  	v2 =	vand.u32 $0x3FFF, v1;
	v1 =	vshrl.u32 v1, $0xE  }
0xbc: {  	[tilespmem:$0x28E0] =	vst v2  }
0xbd: {  	[tilespmem:$0x29E0] =	vst v1  }
0xbe: {  	v1 =	vld [tilespmem:s25+$0x0];
	_ =	sdelay $0x4  }
0xbf: {  	v2 =	vand.u32 $0x3FFF, v1;
	v1 =	vshrl.u32 v1, $0xE  }
0xc0: {  	s28 =	smin.u32 s29, $0x4D;
	[tilespmem:$0x28F0] =	vst v2  }
0xc1: {  	s28 =	sshll.u32 s28, $0x7;
	[tilespmem:$0x29F0] =	vst v1  }
0xc2: {  	[tilespmem:s19], [sflag:$0x2] =	stream.indirect.gather [hbm4b:s4+s16], $0x80, s18, s16, $0xb8;
	[tilespmem:$0x1EA00] =	vst v63  }
0xc3: {  	_ =	swait.ge [sflag:s20], $0x4000  }
0xc4: {  	[sflag:s20] =	ssyncset.done $0x0  }
0xc5: {  	[sflag:s20] =	ssyncadd.s32 $0xFFFFC000  }
0xc6: {  	[spmem:s1] =	stream.indirect.scatter.add.f32 [tilespmem:s13], [sflag:$0x3], $0x80, s21, s16, $0xb8;
	[tilespmem:$0x1EA00] =	vst v63  }
0xc7: {  	_ =	swait.ge [sflag:s14], $0x4000  }
0xc8: {  	[sflag:s14] =	ssyncset.done $0x0  }
0xc9: {  	[sflag:s14] =	ssyncadd.s32 $0xFFFFC000  }
0xca: {  	v1 =	vld [tilespmem:s28+$0x100];
	_ =	sdelay $0x4  }
0xcb: {  	v2 =	vand.u32 $0x3FFF, v1;
	v1 =	vshrl.u32 v1, $0xE  }
0xcc: {  	[tilespmem:$0x2800] =	vst v2  }
0xcd: {  	[tilespmem:$0x2900] =	vst v1  }
0xce: {  	v1 =	vld [tilespmem:s28+$0x110];
	_ =	sdelay $0x4  }
0xcf: {  	v2 =	vand.u32 $0x3FFF, v1;
	v1 =	vshrl.u32 v1, $0xE  }
0xd0: {  	[tilespmem:$0x2810] =	vst v2  }
0xd1: {  	[tilespmem:$0x2910] =	vst v1  }
0xd2: {  	v1 =	vld [tilespmem:s28+$0x120];
	_ =	sdelay $0x4  }
0xd3: {  	v2 =	vand.u32 $0x3FFF, v1;
	v1 =	vshrl.u32 v1, $0xE  }
0xd4: {  	[tilespmem:$0x2820] =	vst v2  }
0xd5: {  	[tilespmem:$0x2920] =	vst v1  }
0xd6: {  	v1 =	vld [tilespmem:s28+$0x130];
	_ =	sdelay $0x4  }
0xd7: {  	v2 =	vand.u32 $0x3FFF, v1;
	v1 =	vshrl.u32 v1, $0xE  }
0xd8: {  	[tilespmem:$0x2830] =	vst v2  }
0xd9: {  	[tilespmem:$0x2930] =	vst v1  }
0xda: {  	v1 =	vld [tilespmem:s28+$0x140];
	_ =	sdelay $0x4  }
0xdb: {  	v2 =	vand.u32 $0x3FFF, v1;
	v1 =	vshrl.u32 v1, $0xE  }
0xdc: {  	[tilespmem:$0x2840] =	vst v2  }
0xdd: {  	[tilespmem:$0x2940] =	vst v1  }
0xde: {  	v1 =	vld [tilespmem:s28+$0x150];
	_ =	sdelay $0x4  }
0xdf: {  	v2 =	vand.u32 $0x3FFF, v1;
	v1 =	vshrl.u32 v1, $0xE  }
0xe0: {  	[tilespmem:$0x2850] =	vst v2  }
0xe1: {  	[tilespmem:$0x2950] =	vst v1  }
0xe2: {  	v1 =	vld [tilespmem:s28+$0x160];
	_ =	sdelay $0x1  }
.Ltmp1:
0xe3: {  	(pc) =	sbr.rel @p0 .LBB2_4-.Ltmp1, $3  }
0xe4: {  	_ =	sdelay $0x1  }
0xe5: {  	v2 =	vand.u32 $0x3FFF, v1;
	v1 =	vshrl.u32 v1, $0xE  }
0xe6: {  	[tilespmem:$0x2860] =	vst v2  }
0xe7: {  	[tilespmem:$0x2960] =	vst v1  }
0xe8: {  	v1 =	vld [tilespmem:s28+$0x170];
	_ =	sdelay $0x4  }
0xe9: {  	v2 =	vand.u32 $0x3FFF, v1  }
0xea: {  	v1 =	vshrl.u32 v1, $0xE;
	[tilespmem:$0x2870] =	vst v2  }
0xeb: {  	[tilespmem:$0x2970] =	vst v1  }
0xec: {  	[tilespmem:s13], [sflag:$0x1] =	stream.indirect.gather [hbm4b:s4+s16], $0x80, s17, s16, $0xb8;
	[tilespmem:$0x1EA00] =	vst v63  }
0xed: {  	_ =	swait.ge [sflag:s15], $0x4000  }
0xee: {  	[sflag:s15] =	ssyncset.done $0x0  }
0xef: {  	[sflag:s15] =	ssyncadd.s32 $0xFFFFC000  }
0xf0: {  	[spmem:s1] =	stream.indirect.scatter.add.f32 [tilespmem:s19], [sflag:$0x3], $0x80, s22, s16, $0xb8;
	[tilespmem:$0x1EA00] =	vst v63  }
0xf1: {  	_ =	swait.ge [sflag:s14], $0x4000  }
0xf2: {  	[sflag:s14] =	ssyncset.done $0x0  }
0xf3: {  	[sflag:s14] =	ssyncadd.s32 $0xFFFFC000  }
0xf4: {  	_ =	swait.ge [sflag:s20], $0x4000  }
0xf5: {  	s24 =	sadd.s32 $0x1, s24;
	[sflag:s20] =	ssyncset.done $0x0  }
0xf6: {  	p0 =	sne.s32 s24, s8;
	[sflag:s20] =	ssyncadd.s32 $0xFFFFC000  }
.Ltmp2:
0xf7: {  	s25 =	sshrl.u32 s6, $0x3;
	[bflag:$0x0] =	sbarrier.arrive $0xFFFF;
	(pc) =	sbr.rel @p0 .LBB2_1-.Ltmp2, $4  }
0xf8: {  	[hbm:s7], [sflag:s23] =	dma.local [spmem:s25], $0x2800  }
0xf9: {  	_ =	swait.ge [sflag:s14], $0x2800  }
0xfa: {  	[sflag:s14] =	ssyncset.done $0x0  }
0xfb: {  	[sflag:s14] =	ssyncadd.s32 $0xFFFFD800  }
0xfc: {  	_ =	sfence.sel $0x180000  }
0xfd: {  	[bflag:$0x0] =	sbarrier.arrive $0xFFFF  }
0xfe: {  	p0 =	sne.s32 s3, $0x0;
	_ =	strace $0x9000004A  }
0xff: {  	s0 =	sadd.s32 @!p0 $0x100000, s0;
	[bflag:$0x2] =	sbarrier.arrive $0xFFFF  }
0x100: {  	[sflag:s0] =	ssyncadd.tile.s32 @!p0 $0x1;
	_ =	shalt  }
.Lfunc_end2:
_tile_overlayer_lowered:
.L_overlay_start_2:
0x101: {  	(tag) =	ssettag $0x2  }
0x102: {  	s0 =	rddreg [dreg:$0x0];
	s2 =	stileid.u32  }
0x103: {  	s1 =	rddreg [dreg:$0x1];
	p0 =	sne.s32 s2, $0x0  }
0x104: {  	s3 =	rddreg [dreg:$0x2];
	[bflag:$0x3] =	sbarrier.arrive $0xFFFF;
	s2 =	simm.s32 @!p0 $0x1C03  }
0x105: {  	[timem:s3], [sflag:s2] =	dma.local @!p0 [hbm:s0], s1  }
0x106: {  	s0 =	simm.s32 @!p0 $0x3  }
0x107: {  	_ =	swait.ge @!p0 [sflag:s0], s1  }
0x108: {  	s1 =	ssub.s32 @!p0 $0x0, s1;
	[sflag:s0] =	ssyncset.done @!p0 $0x0  }
0x109: {  	[sflag:s0] =	ssyncadd.s32 @!p0 s1  }
0x10a: {  	[bflag:$0x3] =	sbarrier.arrive $0xFFFF  }
0x10b: {  	_ =	shalt  }

// kernel: _run.14.cloned.1.call-start
scs
__scs_entry_jumppad:
0x0: {  	(pc) =	sbr.rel $0x88, $3  }
0x1: {  	(tag) =	ssettag $0x0;
	lr =	simm.s32 $0x1  }
0x2: {  	[smem:$0x3F99] =	sst lr;
	_ =	strace $0xD0000000  }
0x3: {  	_ = 	snop  }
0x4: {  	_ = 	snop  }
0x5: {  	_ = 	snop  }
0x6: {  	_ = 	snop  }
0x7: {  	_ = 	snop  }
__scs_overlays_trampoline_lowered:
0x8: {  	[smem:$0x3FA8] =	sst s0  }
0x9: {  	[smem:$0x3FA9] =	sst s1  }
0xa: {  	[smem:$0x3FAA] =	sst s2  }
0xb: {  	[smem:$0x3FAB] =	sst s3  }
0xc: {  	[smem:$0x3FAC] =	sst s4  }
0xd: {  	[smem:$0x3FAD] =	sst s5  }
0xe: {  	[smem:$0x3FAE] =	sst s6  }
0xf: {  	[smem:$0x3FAF] =	sst s7  }
0x10: {  	[smem:$0x3FB0] =	sst s8  }
0x11: {  	[smem:$0x3FB1] =	sst s9;
	s0 =	simm.s32 @!p0 $0x0  }
0x12: {  	s1 =	sld [smem:$0x3F97];
	s0 =	simm.s32 @p0 $0x1  }
0x13: {  	[smem:$0x3FB2] =	sst s0;
	s0 =	simm.s32 @!p1 $0x0  }
0x14: {  	s2 =	sld [smem:$0x3F96];
	s0 =	simm.s32 @p1 $0x1  }
0x15: {  	[smem:$0x3FB3] =	sst s0;
	s0 =	simm.s32 @!p2 $0x0  }
0x16: {  	s3 =	sld [smem:$0x3FDB];
	s0 =	simm.s32 @p2 $0x1  }
0x17: {  	s4 =	simm.s32 $0x1BF5;
	[smem:$0x3FB5] =	sst s0  }
0x18: {  	s0 =	sld [smem:$0x3F98];
	_ =	swait.ge [sflag:s4], $0x0  }
0x19: {  	s7 =	sld [smem:$0x3F99]  }
0x1a: {  	s8 =	sadd.s32 $0xFFFFE003, lr  }
0x1b: {  	s9 =	sadd.s32 $0xFFFFFEF7, lr;
	s5 =	simm.s32 $0xFFFFFFFF;
	p2 =	slt.u32 s8, $0xFFFFF086  }
0x1c: {  	p1 =	slt.u32 s9, $0xF7A;
	s5 =	simm.s32 @!p2 $0x0  }
0x1d: {  	s5 =	simm.s32 @p1 $0x1;
	p0 =	seq.s32 s7, s2  }
0x1e: {  	s7 =	smul.u32 @!p0 $0xF7A, s2;
	p2 =	seq.s32 @!p0 s5, $0x0  }
0x1f: {  	s9 =	smul.u32 $0xF7A, s1;
	s8 =	simm.s32 @!p0 $0x1BF5;
	p2 =	por !p2, p0  }
0x20: {  	[sflag:s8] =	ssyncset.s32 @!p0 $0xFFFFF086;
	s6 =	sadd.s32 @!p0 s3, s7;
	s7 =	simm.s32 @!p0 $0x108  }
0x21: {  	s3 =	sadd.s32 s3, s9;
	s6 =	sadd.s32 @!p0 $0x88, s6;
	s7 =	simm.s32 @p2 $0x1082  }
0x22: {  	[simem:s7], [sflag:s8] =	dma.local @!p0 [hbm:s6], $0xF7A  }
0x23: {  	s9 =	sor.u32 $0xD0000000, s2;
	s6 =	simm.s32 $0x108;
	_ =	swait.ge @!p0 [sflag:s8], $0x0  }
0x24: {  	s3 =	sadd.s32 $0x88, s3;
	s6 =	simm.s32 @!p1 $0x1082;
	[sflag:s4] =	ssyncset.s32 $0xFFFFF086  }
0x25: {  	[simem:s6], [sflag:s4] =	dma.local [hbm:s3], $0xF7A  }
0x26: {  	[smem:$0x3F99] =	sst s1;
	(tag) =	ssettag s2;
	_ =	strace s9  }
0x27: {  	s1 =	sld [smem:$0x3FA9]  }
0x28: {  	s2 =	sld [smem:$0x3FAA]  }
0x29: {  	s4 =	sld [smem:$0x3FAC]  }
0x2a: {  	p0 =	seq.s32 s5, $0x0;
	s5 =	sld [smem:$0x3FAD]  }
0x2b: {  	s6 =	sld [smem:$0x3FAE]  }
0x2c: {  	s7 =	sld [smem:$0x3FAF]  }
0x2d: {  	s3 =	simm.s32 $0x108;
	s8 =	sld [smem:$0x3FB0]  }
0x2e: {  	s3 =	simm.s32 @!p0 $0x1082;
	s9 =	sld [smem:$0x3FB1]  }
0x2f: {  	lr =	sadd.s32 s0, s3;
	s0 =	sld [smem:$0x3FA8]  }
0x30: {  	s3 =	sld [smem:$0x3FAB]  }
0x31: {  	[smem:$0x3FB4] =	sst s10  }
0x32: {  	s10 =	sld [smem:$0x3FB2];
	_ =	sdelay $0x3  }
0x33: {  	p0 =	seq.s32 s10, $0x1;
	s10 =	sld [smem:$0x3FB4];
	_ =	sdelay $0x3  }
0x34: {  	[smem:$0x3FB4] =	sst s10  }
0x35: {  	s10 =	sld [smem:$0x3FB3];
	_ =	sdelay $0x3  }
0x36: {  	p1 =	seq.s32 s10, $0x1;
	s10 =	sld [smem:$0x3FB4];
	_ =	sdelay $0x3  }
0x37: {  	[smem:$0x3FB4] =	sst s10  }
0x38: {  	s10 =	sld [smem:$0x3FB5]  }
0x39: {  	_ = 	snop;
	(pc) =	sbr.ind lr, $3  }
0x3a: {  	_ = 	snop  }
0x3b: {  	_ = 	snop  }
0x3c: {  	p2 =	seq.s32 s10, $0x1;
	s10 =	sld [smem:$0x3FB4]  }
0x3d: {  	_ =	shalt  }
0x3e: {  	_ =	shalt  }
0x3f: {  	_ =	shalt  }
0x40: {  	_ =	shalt  }
0x41: {  	_ =	shalt  }
0x42: {  	_ =	shalt  }
0x43: {  	_ =	shalt  }
0x44: {  	_ =	shalt  }
0x45: {  	_ =	shalt  }
0x46: {  	_ =	shalt  }
0x47: {  	_ =	shalt  }
0x48: {  	_ =	shalt  }
0x49: {  	_ =	shalt  }
0x4a: {  	_ =	shalt  }
0x4b: {  	_ =	shalt  }
0x4c: {  	_ =	shalt  }
0x4d: {  	_ =	shalt  }
0x4e: {  	_ =	shalt  }
0x4f: {  	_ =	shalt  }
0x50: {  	_ =	shalt  }
0x51: {  	_ =	shalt  }
0x52: {  	_ =	shalt  }
0x53: {  	_ =	shalt  }
0x54: {  	_ =	shalt  }
0x55: {  	_ =	shalt  }
0x56: {  	_ =	shalt  }
0x57: {  	_ =	shalt  }
0x58: {  	_ =	shalt  }
0x59: {  	_ =	shalt  }
0x5a: {  	_ =	shalt  }
0x5b: {  	_ =	shalt  }
0x5c: {  	_ =	shalt  }
0x5d: {  	_ =	shalt  }
0x5e: {  	_ =	shalt  }
0x5f: {  	_ =	shalt  }
0x60: {  	_ =	shalt  }
0x61: {  	_ =	shalt  }
0x62: {  	_ =	shalt  }
0x63: {  	_ =	shalt  }
0x64: {  	_ =	shalt  }
0x65: {  	_ =	shalt  }
0x66: {  	_ =	shalt  }
0x67: {  	_ =	shalt  }
0x68: {  	_ =	shalt  }
0x69: {  	_ =	shalt  }
0x6a: {  	_ =	shalt  }
0x6b: {  	_ =	shalt  }
0x6c: {  	_ =	shalt  }
0x6d: {  	_ =	shalt  }
0x6e: {  	_ =	shalt  }
0x6f: {  	_ =	shalt  }
0x70: {  	_ =	shalt  }
0x71: {  	_ =	shalt  }
0x72: {  	_ =	shalt  }
0x73: {  	_ =	shalt  }
0x74: {  	_ =	shalt  }
0x75: {  	_ =	shalt  }
0x76: {  	_ =	shalt  }
0x77: {  	_ =	shalt  }
0x78: {  	_ =	shalt  }
0x79: {  	_ =	shalt  }
0x7a: {  	_ =	shalt  }
0x7b: {  	_ =	shalt  }
0x7c: {  	_ =	shalt  }
0x7d: {  	_ =	shalt  }
0x7e: {  	_ =	shalt  }
0x7f: {  	_ =	shalt  }
0x80: {  	_ =	shalt  }
0x81: {  	_ =	shalt  }
0x82: {  	_ =	shalt  }
0x83: {  	_ =	shalt  }
0x84: {  	_ =	shalt  }
0x85: {  	_ =	shalt  }
0x86: {  	_ =	shalt  }
0x87: {  	_ =	shalt  }
.Lfunc_end0:
.L_simem_size_0:
called_computation.2_lowered:
.L_overlay_start_0:
0x88: {  	s2 =	sld [smem:$0x3FD9]  }
0x89: {  	s3 =	sld [smem:$0x3FFE];
	_ =	sdelay $0x1  }
0x8a: {  	s1 =	srdreg.scid  }
0x8b: {  	s0 =	sand.u32 $0x1, s1  }
0x8c: {  	s14 =	sshll.u32 s0, $0xA;
	s2 =	sadd.s32 s3, s2  }
0x8d: {  	s2 =	sadd.s32 s2, s14  }
0x8e: {  	[smem:$0x3FC0] =	sst s2  }
0x8f: {  	_ = 	snop  }
0x90: {  	s2 =	sld [smem:$0x3FD0];
	_ =	sdelay $0x2  }
0x91: {  	s15 =	simm.s32 $0xA;
	s4 =	simm.s32 $0x10  }
0x92: {  	[smem:s4], [sflag:s15] =	dma.local [hbm:s2], $0x1  }
0x93: {  	_ =	swait.eq [sflag:s15], $0x1  }
0x94: {  	[sflag:s15] =	ssyncset.done $0x0  }
0x95: {  	[sflag:s15] =	ssyncadd.s32 $0xFFFFFFFF  }
0x96: {  	s16 =	sld [smem:$0x11];
	(tm) =	ssettm $0x1  }
0x97: {  	s17 =	sld [smem:$0x3FFB];
	_ =	sdelay $0x3  }
0x98: {  	_ =	strace s17  }
0x99: {  	s3 =	sld [smem:$0x3FFC];
	_ =	sdelay $0x3  }
0x9a: {  	_ =	strace s3  }
0x9b: {  	s3 =	sld [smem:$0x3FFD];
	_ =	sdelay $0x3  }
0x9c: {  	_ =	strace s3  }
0x9d: {  	_ =	strace $0x8FFFFFFF  }
0x9e: {  	s18 =	sld [smem:$0x3FDB];
	_ =	sdelay $0x1  }
0x9f: {  	s19 =	simm.s32 $_scs_section_size  }
0xa0: {  	s5 =	simm.s32 $_size__tile_overlayer_lowered;
	s6 =	simm.s32 $_tile_overlayer_lowered  }
0xa1: {  	s22 =	simm.s32 $0x1BFF;
	s21 =	sshll.u32 s6, $0x1;
	s3 =	sadd.s32 s19, s18  }
0xa2: {  	s7 =	simm.s32 $0x0;
	s20 =	sshll.u32 s5, $0x1;
	s5 =	sadd.s32 s21, s3  }
0xa3: {  	[timem:s7], [sflag:s22] =	dma.local [hbm:s5], s20  }
0xa4: {  	_ =	swait.ge [sflag:s22], s20  }
0xa5: {  	s4 =	ssub.s32 $0x0, s20;
	[sflag:s22] =	ssyncset.done $0x0  }
0xa6: {  	[sflag:s22] =	ssyncadd.s32 s4;
	_ =	sdelay $0x1  }
0xa7: {  	s23 =	simm.s32 $0x1B8B  }
0xa8: {  	_ =	swait.ge [sflag:s23], $0x1  }
0xa9: {  	[sflag:s23] =	ssyncset.done $0x0  }
0xaa: {  	s25 =	simm.s32 $0x1B8E;
	s24 =	sld [smem:$0x3FFE];
	[sflag:s23] =	ssyncadd.s32 $0xFFFFFFFF  }
0xab: {  	s26 =	simm.s32 $execute0_lowered;
	[smem:$0x3FD2] =	sst s25  }
0xac: {  	s5 =	sshll.u32 s26, $0x1;
	_ =	strace $0x8000004C;
	[dreg:$0x1] =	wrdreg $0xFFFFFFFF  }
0xad: {  	s28 =	simm.s32 $_size_execute0_lowered;
	s3 =	sadd.s32 s3, s5;
	[dreg:$0x0] =	wrdreg $0x0  }
0xae: {  	s5 =	sshll.u32 s28, $0x1;
	[dreg:$0x2] =	wrdreg s3  }
0xaf: {  	[dreg:$0x3] =	wrdreg s5  }
0xb0: {  	[dreg:$0x4] =	wrdreg $0xC0  }
0xb1: {  	_ =	task [dreg:s7], $0x5FFFF  }
0xb2: {  	[dreg:$0x1] =	wrdreg $0xFFFFFFFF  }
0xb3: {  	[dreg:$0x0] =	wrdreg $0x60  }
0xb4: {  	[dreg:$0x2] =	wrdreg s24  }
0xb5: {  	[dreg:$0x3] =	wrdreg s16  }
0xb6: {  	[dreg:$0x4] =	wrdreg $0xAA000  }
0xb7: {  	[dreg:$0x5] =	wrdreg $0x9  }
0xb8: {  	_ =	task.clear_ibuf [dreg:s7], $0x6FFFF;
	_ =	strace $0x9000004C  }
0xb9: {  	s29 =	simm.s32 $0x9;
	_ =	strace $0x8000004E  }
0xba: {  	_ =	swait.ge [sflag:s29], $0x1  }
0xbb: {  	[sflag:s29] =	ssyncadd.s32 $0xFFFFFFFF  }
0xbc: {  	_ =	strace $0x9000004E  }
0xbd: {  	_ =	sfence  }
0xbe: {  	s30 =	sld [smem:$0x0];
	_ =	sdelay $0x2  }
0xbf: {  	s31 =	sshll.u32 s1, $0xD;
	s1 =	sshrl.u32 s1, $0x2  }
0xc0: {  	s3 =	sand.u32 $0x4000, s31;
	s1 =	sadd.s32 s1, s30  }
0xc1: {  	s0 =	sor.u32 s3, s0;
	s1 =	sshll.u32 s1, $0x11  }
0xc2: {  	s0 =	sor.u32 s1, s0  }
0xc3: {  	s0 =	sadd.s32 $0x8F2B, s0  }
0xc4: {  	[sflag:s0] =	ssyncadd.remote.s32 $0x1  }
0xc5: {  	_ =	sfence.sel $0xFFFF  }
0xc6: {  	[dreg:$0x0] =	wrdreg $0xFFFFFFFF;
	(pc) =	sbr.abs _section_cstart, $3  }
0xc7: {  	[dreg:$0x1] =	wrdreg $0xFFFFFFFF  }
0xc8: {  	_ =	task.clear_ibuf [dreg:s7], $0x2FFFF;
	_ =	strace $0x9FFFFFFF  }
0xc9: {  	(tm) =	ssettm $0x7FFFFFFF  }
tec
execute0_lowered:
.L_overlay_start_1:
0x0: {  	(tag) =	ssettag $0x1  }
0x1: {  	s5 =	rddreg [dreg:$0x0]  }
0x2: {  	s6 =	rddreg [dreg:$0x1]  }
0x3: {  	s1 =	rddreg [dreg:$0x2]  }
0x4: {  	s0 =	rddreg [dreg:$0x3];
	s2 =	simm.s32 $0x0  }
0x5: {  	s3 =	srdreg.scid;
	s13 =	simm.s32 $0x2A00;
	s14 =	simm.s32 $0x3  }
0x6: {  	s15 =	simm.s32 $0x2;
	s16 =	simm.s32 $0x80;
	s17 =	simm.s32 $0x2800  }
0x7: {  	s18 =	simm.s32 $0x2880;
	s19 =	simm.s32 $0x6A00;
	s20 =	simm.s32 $0x1  }
0x8: {  	s21 =	simm.s32 $0x2900;
	s22 =	simm.s32 $0x2980;
	s24 =	simm.s32 $0x0  }
0x9: {  	[smem:$0x7FF] =	sst s2;
	s7 =	sand.u32 $0x1, s3;
	s3 =	stileid.u32  }
0xa: {  	s4 =	sadd.s32 $0x52C00, s5;
	_ =	strace $0x8000004D;
	s8 =	smul.u32 $0x28000, s7  }
0xb: {  	s9 =	smul.u32 $0x2800, s3;
	s10 =	sshll.u32 s7, $0x4;
	s7 =	ssub.s32 $0x2, s7  }
0xc: {  	s11 =	smul.u32 $0x50000, s3;
	s23 =	sshll.u32 s3, $0x6;
	s10 =	sor.u32 s3, s10  }
0xd: {  	s30 =	sshrl.u32 s7, $0x1;
	s23 =	sor.u32 $0x1C03, s23;
	s10 =	smul.u32 $0x500, s10  }
0xe: {  	s8 =	sadd.s32 s9, s8;
	s9 =	ssub.s32 s7, s30;
	s31 =	sshrl.u32 s11, $0x2  }
0xf: {  	s8 =	sadd.s32 s8, s5;
	s5 =	sadd.s32 s6, s10;
	s6 =	sadd.s32 s31, s1  }
0x10: {  	s7 =	sadd.s32 $0x7AC00, s8;
	s8 =	smax.u32 s9, $0x1;
	s9 =	sadd.s32 $0x4000, s6  }
0x11: {  	v0 =	vimm.f32 $0.0e+00;
	s10 =	sadd.s32 $0x8000, s6;
	s11 =	sadd.s32 $0xC000, s6;
	s12 =	sadd.s32 $0x10000, s6  }
.LBB2_1:
0x12: {  	[tilespmem:s2], [sflag:$0x2] =	stream.linear.gather [hbm4b:s5+s2], $0x2800, $0x38;
	[tilespmem:$0x1EA00] =	vst v63  }
0x13: {  	s25 =	simm.s32 $0x0;
	s26 =	simm.s32 $0x200  }
.LBB2_2:
0x14: {  	p0 =	sne.s32 s26, $0xFE00;
	[tilespmem:s25+$0x2A70] =	vst v0  }
0x15: {  	[tilespmem:s25+$0x2A00] =	vst v0  }
0x16: {  	[tilespmem:s25+$0x2A10] =	vst v0  }
.Ltmp0:
0x17: {  	[tilespmem:s25+$0x2A20] =	vst v0;
	(pc) =	sbr.rel @p0 .LBB2_2-.Ltmp0, $4  }
0x18: {  	[tilespmem:s25+$0x2A30] =	vst v0  }
0x19: {  	[tilespmem:s25+$0x2A40] =	vst v0  }
0x1a: {  	[tilespmem:s25+$0x2A50] =	vst v0  }
0x1b: {  	[tilespmem:s25+$0x2A60] =	vst v0;
	s25 =	sshra.s32 s26, $0x2;
	s26 =	sadd.s32 $0x200, s26  }
0x1c: {  	[tilespmem:s25+$0x2A70] =	vst v0  }
0x1d: {  	[tilespmem:s25+$0x2A00] =	vst v0  }
0x1e: {  	[tilespmem:s25+$0x2A10] =	vst v0  }
0x1f: {  	[tilespmem:s25+$0x2A20] =	vst v0  }
0x20: {  	[tilespmem:s25+$0x2A30] =	vst v0  }
0x21: {  	[tilespmem:s25+$0x2A40] =	vst v0  }
0x22: {  	[tilespmem:s25+$0x2A50] =	vst v0  }
0x23: {  	[tilespmem:s25+$0x2A60] =	vst v0  }
0x24: {  	[spmem:s6] =	stream.linear.scatter [tilespmem:s13], [sflag:$0x3], $0x4000, $0x38;
	[tilespmem:$0x1EA00] =	vst v63  }
0x25: {  	_ =	swait.ge [sflag:s14], $0x4000  }
0x26: {  	[sflag:s14] =	ssyncset.done $0x0  }
0x27: {  	[sflag:s14] =	ssyncadd.s32 $0xFFFFC000  }
0x28: {  	[spmem:s9] =	stream.linear.scatter [tilespmem:s13], [sflag:$0x3], $0x4000, $0x38;
	[tilespmem:$0x1EA00] =	vst v63  }
0x29: {  	_ =	swait.ge [sflag:s14], $0x4000  }
0x2a: {  	[sflag:s14] =	ssyncset.done $0x0  }
0x2b: {  	[sflag:s14] =	ssyncadd.s32 $0xFFFFC000  }
0x2c: {  	[spmem:s10] =	stream.linear.scatter [tilespmem:s13], [sflag:$0x3], $0x4000, $0x38;
	[tilespmem:$0x1EA00] =	vst v63  }
0x2d: {  	_ =	swait.ge [sflag:s14], $0x4000  }
0x2e: {  	[sflag:s14] =	ssyncset.done $0x0  }
0x2f: {  	[sflag:s14] =	ssyncadd.s32 $0xFFFFC000  }
0x30: {  	[spmem:s11] =	stream.linear.scatter [tilespmem:s13], [sflag:$0x3], $0x4000, $0x38;
	[tilespmem:$0x1EA00] =	vst v63  }
0x31: {  	_ =	swait.ge [sflag:s14], $0x4000  }
0x32: {  	[sflag:s14] =	ssyncset.done $0x0  }
0x33: {  	[sflag:s14] =	ssyncadd.s32 $0xFFFFC000  }
0x34: {  	[spmem:s12] =	stream.linear.scatter [tilespmem:s13], [sflag:$0x3], $0x4000, $0x38;
	[tilespmem:$0x1EA00] =	vst v63  }
0x35: {  	_ =	swait.ge [sflag:s14], $0x4000  }
0x36: {  	[sflag:s14] =	ssyncset.done $0x0  }
0x37: {  	[sflag:s14] =	ssyncadd.s32 $0xFFFFC000  }
0x38: {  	_ =	swait.ge [sflag:s15], $0x2800  }
0x39: {  	[sflag:s15] =	ssyncset.done $0x0  }
0x3a: {  	[sflag:s15] =	ssyncadd.s32 $0xFFFFD800  }
0x3b: {  	v1 =	vld [tilespmem:$0x0];
	_ =	sdelay $0x1  }
0x3c: {  	v2 =	vld [tilespmem:$0x10];
	_ =	sdelay $0x1  }
0x3d: {  	v3 =	vld [tilespmem:$0x20]  }
0x3e: {  	v4 =	vand.u32 $0x3FFF, v1  }
0x3f: {  	v62 =	vld [tilespmem:$0x30];
	v1 =	vshrl.u32 v1, $0xE;
	[tilespmem:$0x2800] =	vst v4  }
0x40: {  	[tilespmem:$0x2900] =	vst v1;
	v1 =	vand.u32 $0x3FFF, v2  }
0x41: {  	[tilespmem:$0x2810] =	vst v1;
	v1 =	vshrl.u32 v2, $0xE;
	v2 =	vld [tilespmem:$0x40]  }
0x42: {  	[tilespmem:$0x2910] =	vst v1;
	v1 =	vand.u32 $0x3FFF, v3  }
0x43: {  	[tilespmem:$0x2820] =	vst v1;
	v1 =	vshrl.u32 v3, $0xE;
	v3 =	vld [tilespmem:$0x50]  }
0x44: {  	[tilespmem:$0x2920] =	vst v1;
	v1 =	vand.u32 $0x3FFF, v62  }
0x45: {  	v63 =	vld [tilespmem:$0x60];
	[tilespmem:$0x2830] =	vst v1;
	v1 =	vshrl.u32 v62, $0xE  }
0x46: {  	[tilespmem:$0x2930] =	vst v1;
	v1 =	vand.u32 $0x3FFF, v2  }
0x47: {  	[tilespmem:$0x2840] =	vst v1;
	v1 =	vshrl.u32 v2, $0xE;
	v2 =	vld [tilespmem:$0x70]  }
0x48: {  	[tilespmem:$0x2940] =	vst v1;
	v1 =	vand.u32 $0x3FFF, v3  }
0x49: {  	[tilespmem:$0x2850] =	vst v1;
	v1 =	vshrl.u32 v3, $0xE  }
0x4a: {  	[tilespmem:$0x2950] =	vst v1;
	v1 =	vand.u32 $0x3FFF, v63  }
0x4b: {  	[tilespmem:$0x2860] =	vst v1;
	v1 =	vshrl.u32 v63, $0xE  }
0x4c: {  	[tilespmem:$0x2960] =	vst v1;
	v1 =	vand.u32 $0x3FFF, v2  }
0x4d: {  	[tilespmem:$0x2870] =	vst v1;
	v1 =	vshrl.u32 v2, $0xE  }
0x4e: {  	[tilespmem:$0x2970] =	vst v1  }
0x4f: {  	[tilespmem:s13], [sflag:$0x1] =	stream.indirect.gather [hbm4b:s4+s16], $0x80, s17, s16, $0xb8;
	[tilespmem:$0x1EA00] =	vst v63  }
0x50: {  	s25 =	simm.s32 $0xF0;
	[bflag:$0x0] =	sbarrier.arrive $0xFFFF  }
0x51: {  	v1 =	vld [tilespmem:s25+$0xFFFFFF90];
	_ =	sdelay $0x4  }
0x52: {  	v2 =	vand.u32 $0x3FFF, v1  }
0x53: {  	v1 =	vshrl.u32 v1, $0xE;
	[tilespmem:$0x2880] =	vst v2  }
0x54: {  	[tilespmem:$0x2980] =	vst v1  }
0x55: {  	v1 =	vld [tilespmem:s25+$0xFFFFFFA0];
	_ =	sdelay $0x4  }
0x56: {  	v2 =	vand.u32 $0x3FFF, v1  }
0x57: {  	v1 =	vshrl.u32 v1, $0xE;
	[tilespmem:$0x2890] =	vst v2  }
0x58: {  	[tilespmem:$0x2990] =	vst v1  }
0x59: {  	v1 =	vld [tilespmem:s25+$0xFFFFFFB0];
	_ =	sdelay $0x4  }
0x5a: {  	v2 =	vand.u32 $0x3FFF, v1  }
0x5b: {  	v1 =	vshrl.u32 v1, $0xE;
	[tilespmem:$0x28A0] =	vst v2  }
0x5c: {  	[tilespmem:$0x29A0] =	vst v1  }
0x5d: {  	v1 =	vld [tilespmem:s25+$0xFFFFFFC0];
	_ =	sdelay $0x4  }
0x5e: {  	v2 =	vand.u32 $0x3FFF, v1  }
0x5f: {  	v1 =	vshrl.u32 v1, $0xE;
	[tilespmem:$0x28B0] =	vst v2  }
0x60: {  	[tilespmem:$0x29B0] =	vst v1  }
0x61: {  	v1 =	vld [tilespmem:s25+$0xFFFFFFD0];
	_ =	sdelay $0x4  }
0x62: {  	v2 =	vand.u32 $0x3FFF, v1  }
0x63: {  	v1 =	vshrl.u32 v1, $0xE;
	[tilespmem:$0x28C0] =	vst v2  }
0x64: {  	[tilespmem:$0x29C0] =	vst v1  }
0x65: {  	v1 =	vld [tilespmem:s25+$0xFFFFFFE0];
	_ =	sdelay $0x4  }
0x66: {  	v2 =	vand.u32 $0x3FFF, v1  }
0x67: {  	v1 =	vshrl.u32 v1, $0xE;
	[tilespmem:$0x28D0] =	vst v2  }
0x68: {  	[tilespmem:$0x29D0] =	vst v1  }
0x69: {  	v1 =	vld [tilespmem:s25+$0xFFFFFFF0];
	_ =	sdelay $0x4  }
0x6a: {  	v2 =	vand.u32 $0x3FFF, v1  }
0x6b: {  	v1 =	vshrl.u32 v1, $0xE;
	[tilespmem:$0x28E0] =	vst v2  }
0x6c: {  	[tilespmem:$0x29E0] =	vst v1  }
0x6d: {  	v1 =	vld [tilespmem:s25+$0x0];
	_ =	sdelay $0x4  }
0x6e: {  	v2 =	vand.u32 $0x3FFF, v1  }
0x6f: {  	v1 =	vshrl.u32 v1, $0xE;
	[tilespmem:$0x28F0] =	vst v2  }
0x70: {  	[tilespmem:$0x29F0] =	vst v1  }
0x71: {  	[tilespmem:s19], [sflag:$0x2] =	stream.indirect.gather [hbm4b:s4+s16], $0x80, s18, s16, $0xb8;
	[tilespmem:$0x1EA00] =	vst v63  }
0x72: {  	_ =	swait.ge [sflag:s20], $0x4000  }
0x73: {  	[sflag:s20] =	ssyncset.done $0x0  }
0x74: {  	[sflag:s20] =	ssyncadd.s32 $0xFFFFC000  }
0x75: {  	[spmem:s1] =	stream.indirect.scatter.add.f32 [tilespmem:s13], [sflag:$0x3], $0x80, s21, s16, $0xb8;
	[tilespmem:$0x1EA00] =	vst v63  }
0x76: {  	s26 =	simm.s32 $0x0;
	_ =	swait.ge [sflag:s14], $0x4000  }
0x77: {  	s26 =	smin.u32 s26, $0x4D;
	[sflag:s14] =	ssyncset.done $0x0  }
0x78: {  	s28 =	sshll.u32 s26, $0x7;
	[sflag:s14] =	ssyncadd.s32 $0xFFFFC000  }
0x79: {  	v1 =	vld [tilespmem:s28+$0x100];
	_ =	sdelay $0x4  }
0x7a: {  	v2 =	vand.u32 $0x3FFF, v1  }
0x7b: {  	v1 =	vshrl.u32 v1, $0xE;
	[tilespmem:$0x2800] =	vst v2  }
0x7c: {  	[tilespmem:$0x2900] =	vst v1  }
0x7d: {  	v1 =	vld [tilespmem:s28+$0x110];
	_ =	sdelay $0x4  }
0x7e: {  	v2 =	vand.u32 $0x3FFF, v1  }
0x7f: {  	v1 =	vshrl.u32 v1, $0xE;
	[tilespmem:$0x2810] =	vst v2  }
0x80: {  	[tilespmem:$0x2910] =	vst v1  }
0x81: {  	v1 =	vld [tilespmem:s28+$0x120];
	_ =	sdelay $0x4  }
0x82: {  	v2 =	vand.u32 $0x3FFF, v1  }
0x83: {  	v1 =	vshrl.u32 v1, $0xE;
	[tilespmem:$0x2820] =	vst v2  }
0x84: {  	[tilespmem:$0x2920] =	vst v1  }
0x85: {  	v1 =	vld [tilespmem:s28+$0x130];
	_ =	sdelay $0x4  }
0x86: {  	v2 =	vand.u32 $0x3FFF, v1  }
0x87: {  	v1 =	vshrl.u32 v1, $0xE;
	[tilespmem:$0x2830] =	vst v2  }
0x88: {  	[tilespmem:$0x2930] =	vst v1  }
0x89: {  	v1 =	vld [tilespmem:s28+$0x140];
	_ =	sdelay $0x4  }
0x8a: {  	v2 =	vand.u32 $0x3FFF, v1  }
0x8b: {  	v1 =	vshrl.u32 v1, $0xE;
	[tilespmem:$0x2840] =	vst v2  }
0x8c: {  	[tilespmem:$0x2940] =	vst v1  }
0x8d: {  	v1 =	vld [tilespmem:s28+$0x150];
	_ =	sdelay $0x4  }
0x8e: {  	v2 =	vand.u32 $0x3FFF, v1  }
0x8f: {  	v1 =	vshrl.u32 v1, $0xE;
	[tilespmem:$0x2850] =	vst v2  }
0x90: {  	[tilespmem:$0x2950] =	vst v1  }
0x91: {  	v1 =	vld [tilespmem:s28+$0x160];
	_ =	sdelay $0x4  }
0x92: {  	v2 =	vand.u32 $0x3FFF, v1  }
0x93: {  	s26 =	simm.s32 $0x2;
	v1 =	vshrl.u32 v1, $0xE;
	[tilespmem:$0x2860] =	vst v2  }
.LBB2_4:
0x94: {  	p0 =	sne.s32 s26, $0x4E  }
0x95: {  	[tilespmem:$0x2960] =	vst v1;
	s25 =	sadd.s32 $0x100, s25;
	s29 =	smov.u32 s26;
	s26 =	sadd.s32 $0x2, s26  }
0x96: {  	v1 =	vld [tilespmem:s28+$0x170];
	_ =	sdelay $0x4  }
0x97: {  	v2 =	vand.u32 $0x3FFF, v1;
	v1 =	vshrl.u32 v1, $0xE  }
0x98: {  	[tilespmem:$0x2870] =	vst v2  }
0x99: {  	[tilespmem:$0x2970] =	vst v1  }
0x9a: {  	[tilespmem:s13], [sflag:$0x1] =	stream.indirect.gather [hbm4b:s4+s16], $0x80, s17, s16, $0xb8;
	[tilespmem:$0x1EA00] =	vst v63  }
0x9b: {  	_ =	swait.ge [sflag:s15], $0x4000  }
0x9c: {  	[sflag:s15] =	ssyncset.done $0x0  }
0x9d: {  	[sflag:s15] =	ssyncadd.s32 $0xFFFFC000  }
0x9e: {  	[spmem:s1] =	stream.indirect.scatter.add.f32 [tilespmem:s19], [sflag:$0x3], $0x80, s22, s16, $0xb8;
	[tilespmem:$0x1EA00] =	vst v63  }
0x9f: {  	_ =	swait.ge [sflag:s14], $0x4000  }
0xa0: {  	[sflag:s14] =	ssyncset.done $0x0  }
0xa1: {  	[sflag:s14] =	ssyncadd.s32 $0xFFFFC000  }
0xa2: {  	v1 =	vld [tilespmem:s25+$0xFFFFFF90];
	_ =	sdelay $0x4  }
0xa3: {  	v2 =	vand.u32 $0x3FFF, v1;
	v1 =	vshrl.u32 v1, $0xE  }
0xa4: {  	[tilespmem:$0x2880] =	vst v2  }
0xa5: {  	[tilespmem:$0x2980] =	vst v1  }
0xa6: {  	v1 =	vld [tilespmem:s25+$0xFFFFFFA0];
	_ =	sdelay $0x4  }
0xa7: {  	v2 =	vand.u32 $0x3FFF, v1;
	v1 =	vshrl.u32 v1, $0xE  }
0xa8: {  	[tilespmem:$0x2890] =	vst v2  }
0xa9: {  	[tilespmem:$0x2990] =	vst v1  }
0xaa: {  	v1 =	vld [tilespmem:s25+$0xFFFFFFB0];
	_ =	sdelay $0x4  }
0xab: {  	v2 =	vand.u32 $0x3FFF, v1;
	v1 =	vshrl.u32 v1, $0xE  }
0xac: {  	[tilespmem:$0x28A0] =	vst v2  }
0xad: {  	[tilespmem:$0x29A0] =	vst v1  }
0xae: {  	v1 =	vld [tilespmem:s25+$0xFFFFFFC0];
	_ =	sdelay $0x4  }
0xaf: {  	v2 =	vand.u32 $0x3FFF, v1;
	v1 =	vshrl.u32 v1, $0xE  }
0xb0: {  	[tilespmem:$0x28B0] =	vst v2  }
0xb1: {  	[tilespmem:$0x29B0] =	vst v1  }
0xb2: {  	v1 =	vld [tilespmem:s25+$0xFFFFFFD0];
	_ =	sdelay $0x4  }
0xb3: {  	v2 =	vand.u32 $0x3FFF, v1;
	v1 =	vshrl.u32 v1, $0xE  }
0xb4: {  	[tilespmem:$0x28C0] =	vst v2  }
0xb5: {  	[tilespmem:$0x29C0] =	vst v1  }
0xb6: {  	v1 =	vld [tilespmem:s25+$0xFFFFFFE0];
	_ =	sdelay $0x4  }
0xb7: {  	v2 =	vand.u32 $0x3FFF, v1;
	v1 =	vshrl.u32 v1, $0xE  }
0xb8: {  	[tilespmem:$0x28D0] =	vst v2  }
0xb9: {  	[tilespmem:$0x29D0] =	vst v1  }
0xba: {  	v1 =	vld [tilespmem:s25+$0xFFFFFFF0];
	_ =	sdelay $0x4  }
0xbb: {  	v2 =	vand.u32 $0x3FFF, v1;
	v1 =	vshrl.u32 v1, $0xE  }
0xbc: {  	[tilespmem:$0x28E0] =	vst v2  }
0xbd: {  	[tilespmem:$0x29E0] =	vst v1  }
0xbe: {  	v1 =	vld [tilespmem:s25+$0x0];
	_ =	sdelay $0x4  }
0xbf: {  	v2 =	vand.u32 $0x3FFF, v1;
	v1 =	vshrl.u32 v1, $0xE  }
0xc0: {  	s28 =	smin.u32 s29, $0x4D;
	[tilespmem:$0x28F0] =	vst v2  }
0xc1: {  	s28 =	sshll.u32 s28, $0x7;
	[tilespmem:$0x29F0] =	vst v1  }
0xc2: {  	[tilespmem:s19], [sflag:$0x2] =	stream.indirect.gather [hbm4b:s4+s16], $0x80, s18, s16, $0xb8;
	[tilespmem:$0x1EA00] =	vst v63  }
0xc3: {  	_ =	swait.ge [sflag:s20], $0x4000  }
0xc4: {  	[sflag:s20] =	ssyncset.done $0x0  }
0xc5: {  	[sflag:s20] =	ssyncadd.s32 $0xFFFFC000  }
0xc6: {  	[spmem:s1] =	stream.indirect.scatter.add.f32 [tilespmem:s13], [sflag:$0x3], $0x80, s21, s16, $0xb8;
	[tilespmem:$0x1EA00] =	vst v63  }
0xc7: {  	_ =	swait.ge [sflag:s14], $0x4000  }
0xc8: {  	[sflag:s14] =	ssyncset.done $0x0  }
0xc9: {  	[sflag:s14] =	ssyncadd.s32 $0xFFFFC000  }
0xca: {  	v1 =	vld [tilespmem:s28+$0x100];
	_ =	sdelay $0x4  }
0xcb: {  	v2 =	vand.u32 $0x3FFF, v1;
	v1 =	vshrl.u32 v1, $0xE  }
0xcc: {  	[tilespmem:$0x2800] =	vst v2  }
0xcd: {  	[tilespmem:$0x2900] =	vst v1  }
0xce: {  	v1 =	vld [tilespmem:s28+$0x110];
	_ =	sdelay $0x4  }
0xcf: {  	v2 =	vand.u32 $0x3FFF, v1;
	v1 =	vshrl.u32 v1, $0xE  }
0xd0: {  	[tilespmem:$0x2810] =	vst v2  }
0xd1: {  	[tilespmem:$0x2910] =	vst v1  }
0xd2: {  	v1 =	vld [tilespmem:s28+$0x120];
	_ =	sdelay $0x4  }
0xd3: {  	v2 =	vand.u32 $0x3FFF, v1;
	v1 =	vshrl.u32 v1, $0xE  }
0xd4: {  	[tilespmem:$0x2820] =	vst v2  }
0xd5: {  	[tilespmem:$0x2920] =	vst v1  }
0xd6: {  	v1 =	vld [tilespmem:s28+$0x130];
	_ =	sdelay $0x4  }
0xd7: {  	v2 =	vand.u32 $0x3FFF, v1;
	v1 =	vshrl.u32 v1, $0xE  }
0xd8: {  	[tilespmem:$0x2830] =	vst v2  }
0xd9: {  	[tilespmem:$0x2930] =	vst v1  }
0xda: {  	v1 =	vld [tilespmem:s28+$0x140];
	_ =	sdelay $0x4  }
0xdb: {  	v2 =	vand.u32 $0x3FFF, v1;
	v1 =	vshrl.u32 v1, $0xE  }
0xdc: {  	[tilespmem:$0x2840] =	vst v2  }
0xdd: {  	[tilespmem:$0x2940] =	vst v1  }
0xde: {  	v1 =	vld [tilespmem:s28+$0x150];
	_ =	sdelay $0x4  }
0xdf: {  	v2 =	vand.u32 $0x3FFF, v1;
	v1 =	vshrl.u32 v1, $0xE  }
0xe0: {  	[tilespmem:$0x2850] =	vst v2  }
0xe1: {  	[tilespmem:$0x2950] =	vst v1  }
0xe2: {  	v1 =	vld [tilespmem:s28+$0x160];
	_ =	sdelay $0x1  }
.Ltmp1:
0xe3: {  	(pc) =	sbr.rel @p0 .LBB2_4-.Ltmp1, $3  }
0xe4: {  	_ =	sdelay $0x1  }
0xe5: {  	v2 =	vand.u32 $0x3FFF, v1;
	v1 =	vshrl.u32 v1, $0xE  }
0xe6: {  	[tilespmem:$0x2860] =	vst v2  }
0xe7: {  	[tilespmem:$0x2960] =	vst v1  }
0xe8: {  	v1 =	vld [tilespmem:s28+$0x170];
	_ =	sdelay $0x4  }
0xe9: {  	v2 =	vand.u32 $0x3FFF, v1  }
0xea: {  	v1 =	vshrl.u32 v1, $0xE;
	[tilespmem:$0x2870] =	vst v2  }
0xeb: {  	[tilespmem:$0x2970] =	vst v1  }
0xec: {  	[tilespmem:s13], [sflag:$0x1] =	stream.indirect.gather [hbm4b:s4+s16], $0x80, s17, s16, $0xb8;
	[tilespmem:$0x1EA00] =	vst v63  }
0xed: {  	_ =	swait.ge [sflag:s15], $0x4000  }
0xee: {  	[sflag:s15] =	ssyncset.done $0x0  }
0xef: {  	[sflag:s15] =	ssyncadd.s32 $0xFFFFC000  }
0xf0: {  	[spmem:s1] =	stream.indirect.scatter.add.f32 [tilespmem:s19], [sflag:$0x3], $0x80, s22, s16, $0xb8;
	[tilespmem:$0x1EA00] =	vst v63  }
0xf1: {  	_ =	swait.ge [sflag:s14], $0x4000  }
0xf2: {  	[sflag:s14] =	ssyncset.done $0x0  }
0xf3: {  	[sflag:s14] =	ssyncadd.s32 $0xFFFFC000  }
0xf4: {  	_ =	swait.ge [sflag:s20], $0x4000  }
0xf5: {  	s24 =	sadd.s32 $0x1, s24;
	[sflag:s20] =	ssyncset.done $0x0  }
0xf6: {  	p0 =	sne.s32 s24, s8;
	[sflag:s20] =	ssyncadd.s32 $0xFFFFC000  }
.Ltmp2:
0xf7: {  	s25 =	sshrl.u32 s6, $0x3;
	[bflag:$0x0] =	sbarrier.arrive $0xFFFF;
	(pc) =	sbr.rel @p0 .LBB2_1-.Ltmp2, $4  }
0xf8: {  	[hbm:s7], [sflag:s23] =	dma.local [spmem:s25], $0x2800  }
0xf9: {  	_ =	swait.ge [sflag:s14], $0x2800  }
0xfa: {  	[sflag:s14] =	ssyncset.done $0x0  }
0xfb: {  	[sflag:s14] =	ssyncadd.s32 $0xFFFFD800  }
0xfc: {  	_ =	sfence.sel $0x180000  }
0xfd: {  	[bflag:$0x0] =	sbarrier.arrive $0xFFFF  }
0xfe: {  	p0 =	sne.s32 s3, $0x0;
	_ =	strace $0x9000004D  }
0xff: {  	s0 =	sadd.s32 @!p0 $0x100000, s0;
	[bflag:$0x2] =	sbarrier.arrive $0xFFFF  }
0x100: {  	[sflag:s0] =	ssyncadd.tile.s32 @!p0 $0x1;
	_ =	shalt  }
.Lfunc_end2:
_tile_overlayer_lowered:
.L_overlay_start_2:
0x101: {  	(tag) =	ssettag $0x2  }
0x102: {  	s0 =	rddreg [dreg:$0x0];
	s2 =	stileid.u32  }
0x103: {  	s1 =	rddreg [dreg:$0x1];
	p0 =	sne.s32 s2, $0x0  }
0x104: {  	s3 =	rddreg [dreg:$0x2];
	[bflag:$0x3] =	sbarrier.arrive $0xFFFF;
	s2 =	simm.s32 @!p0 $0x1C03  }
0x105: {  	[timem:s3], [sflag:s2] =	dma.local @!p0 [hbm:s0], s1  }
0x106: {  	s0 =	simm.s32 @!p0 $0x3  }
0x107: {  	_ =	swait.ge @!p0 [sflag:s0], s1  }
0x108: {  	s1 =	ssub.s32 @!p0 $0x0, s1;
	[sflag:s0] =	ssyncset.done @!p0 $0x0  }
0x109: {  	[sflag:s0] =	ssyncadd.s32 @!p0 s1  }
0x10a: {  	[bflag:$0x3] =	sbarrier.arrive $0xFFFF  }
0x10b: {  	_ =	shalt  }

// kernel: _run.8.cloned.1.call-start
scs
__scs_entry_jumppad:
0x0: {  	(pc) =	sbr.rel $0x88, $3  }
0x1: {  	(tag) =	ssettag $0x0;
	lr =	simm.s32 $0x1  }
0x2: {  	[smem:$0x3F99] =	sst lr;
	_ =	strace $0xD0000000  }
0x3: {  	_ = 	snop  }
0x4: {  	_ = 	snop  }
0x5: {  	_ = 	snop  }
0x6: {  	_ = 	snop  }
0x7: {  	_ = 	snop  }
__scs_overlays_trampoline_lowered:
0x8: {  	[smem:$0x3FA8] =	sst s0  }
0x9: {  	[smem:$0x3FA9] =	sst s1  }
0xa: {  	[smem:$0x3FAA] =	sst s2  }
0xb: {  	[smem:$0x3FAB] =	sst s3  }
0xc: {  	[smem:$0x3FAC] =	sst s4  }
0xd: {  	[smem:$0x3FAD] =	sst s5  }
0xe: {  	[smem:$0x3FAE] =	sst s6  }
0xf: {  	[smem:$0x3FAF] =	sst s7  }
0x10: {  	[smem:$0x3FB0] =	sst s8  }
0x11: {  	[smem:$0x3FB1] =	sst s9;
	s0 =	simm.s32 @!p0 $0x0  }
0x12: {  	s1 =	sld [smem:$0x3F97];
	s0 =	simm.s32 @p0 $0x1  }
0x13: {  	[smem:$0x3FB2] =	sst s0;
	s0 =	simm.s32 @!p1 $0x0  }
0x14: {  	s2 =	sld [smem:$0x3F96];
	s0 =	simm.s32 @p1 $0x1  }
0x15: {  	[smem:$0x3FB3] =	sst s0;
	s0 =	simm.s32 @!p2 $0x0  }
0x16: {  	s3 =	sld [smem:$0x3FDB];
	s0 =	simm.s32 @p2 $0x1  }
0x17: {  	s4 =	simm.s32 $0x1BF5;
	[smem:$0x3FB5] =	sst s0  }
0x18: {  	s0 =	sld [smem:$0x3F98];
	_ =	swait.ge [sflag:s4], $0x0  }
0x19: {  	s7 =	sld [smem:$0x3F99]  }
0x1a: {  	s8 =	sadd.s32 $0xFFFFE003, lr  }
0x1b: {  	s9 =	sadd.s32 $0xFFFFFEF7, lr;
	s5 =	simm.s32 $0xFFFFFFFF;
	p2 =	slt.u32 s8, $0xFFFFF086  }
0x1c: {  	p1 =	slt.u32 s9, $0xF7A;
	s5 =	simm.s32 @!p2 $0x0  }
0x1d: {  	s5 =	simm.s32 @p1 $0x1;
	p0 =	seq.s32 s7, s2  }
0x1e: {  	s7 =	smul.u32 @!p0 $0xF7A, s2;
	p2 =	seq.s32 @!p0 s5, $0x0  }
0x1f: {  	s9 =	smul.u32 $0xF7A, s1;
	s8 =	simm.s32 @!p0 $0x1BF5;
	p2 =	por !p2, p0  }
0x20: {  	[sflag:s8] =	ssyncset.s32 @!p0 $0xFFFFF086;
	s6 =	sadd.s32 @!p0 s3, s7;
	s7 =	simm.s32 @!p0 $0x108  }
0x21: {  	s3 =	sadd.s32 s3, s9;
	s6 =	sadd.s32 @!p0 $0x88, s6;
	s7 =	simm.s32 @p2 $0x1082  }
0x22: {  	[simem:s7], [sflag:s8] =	dma.local @!p0 [hbm:s6], $0xF7A  }
0x23: {  	s9 =	sor.u32 $0xD0000000, s2;
	s6 =	simm.s32 $0x108;
	_ =	swait.ge @!p0 [sflag:s8], $0x0  }
0x24: {  	s3 =	sadd.s32 $0x88, s3;
	s6 =	simm.s32 @!p1 $0x1082;
	[sflag:s4] =	ssyncset.s32 $0xFFFFF086  }
0x25: {  	[simem:s6], [sflag:s4] =	dma.local [hbm:s3], $0xF7A  }
0x26: {  	[smem:$0x3F99] =	sst s1;
	(tag) =	ssettag s2;
	_ =	strace s9  }
0x27: {  	s1 =	sld [smem:$0x3FA9]  }
0x28: {  	s2 =	sld [smem:$0x3FAA]  }
0x29: {  	s4 =	sld [smem:$0x3FAC]  }
0x2a: {  	p0 =	seq.s32 s5, $0x0;
	s5 =	sld [smem:$0x3FAD]  }
0x2b: {  	s6 =	sld [smem:$0x3FAE]  }
0x2c: {  	s7 =	sld [smem:$0x3FAF]  }
0x2d: {  	s3 =	simm.s32 $0x108;
	s8 =	sld [smem:$0x3FB0]  }
0x2e: {  	s3 =	simm.s32 @!p0 $0x1082;
	s9 =	sld [smem:$0x3FB1]  }
0x2f: {  	lr =	sadd.s32 s0, s3;
	s0 =	sld [smem:$0x3FA8]  }
0x30: {  	s3 =	sld [smem:$0x3FAB]  }
0x31: {  	[smem:$0x3FB4] =	sst s10  }
0x32: {  	s10 =	sld [smem:$0x3FB2];
	_ =	sdelay $0x3  }
0x33: {  	p0 =	seq.s32 s10, $0x1;
	s10 =	sld [smem:$0x3FB4];
	_ =	sdelay $0x3  }
0x34: {  	[smem:$0x3FB4] =	sst s10  }
0x35: {  	s10 =	sld [smem:$0x3FB3];
	_ =	sdelay $0x3  }
0x36: {  	p1 =	seq.s32 s10, $0x1;
	s10 =	sld [smem:$0x3FB4];
	_ =	sdelay $0x3  }
0x37: {  	[smem:$0x3FB4] =	sst s10  }
0x38: {  	s10 =	sld [smem:$0x3FB5]  }
0x39: {  	_ = 	snop;
	(pc) =	sbr.ind lr, $3  }
0x3a: {  	_ = 	snop  }
0x3b: {  	_ = 	snop  }
0x3c: {  	p2 =	seq.s32 s10, $0x1;
	s10 =	sld [smem:$0x3FB4]  }
0x3d: {  	_ =	shalt  }
0x3e: {  	_ =	shalt  }
0x3f: {  	_ =	shalt  }
0x40: {  	_ =	shalt  }
0x41: {  	_ =	shalt  }
0x42: {  	_ =	shalt  }
0x43: {  	_ =	shalt  }
0x44: {  	_ =	shalt  }
0x45: {  	_ =	shalt  }
0x46: {  	_ =	shalt  }
0x47: {  	_ =	shalt  }
0x48: {  	_ =	shalt  }
0x49: {  	_ =	shalt  }
0x4a: {  	_ =	shalt  }
0x4b: {  	_ =	shalt  }
0x4c: {  	_ =	shalt  }
0x4d: {  	_ =	shalt  }
0x4e: {  	_ =	shalt  }
0x4f: {  	_ =	shalt  }
0x50: {  	_ =	shalt  }
0x51: {  	_ =	shalt  }
0x52: {  	_ =	shalt  }
0x53: {  	_ =	shalt  }
0x54: {  	_ =	shalt  }
0x55: {  	_ =	shalt  }
0x56: {  	_ =	shalt  }
0x57: {  	_ =	shalt  }
0x58: {  	_ =	shalt  }
0x59: {  	_ =	shalt  }
0x5a: {  	_ =	shalt  }
0x5b: {  	_ =	shalt  }
0x5c: {  	_ =	shalt  }
0x5d: {  	_ =	shalt  }
0x5e: {  	_ =	shalt  }
0x5f: {  	_ =	shalt  }
0x60: {  	_ =	shalt  }
0x61: {  	_ =	shalt  }
0x62: {  	_ =	shalt  }
0x63: {  	_ =	shalt  }
0x64: {  	_ =	shalt  }
0x65: {  	_ =	shalt  }
0x66: {  	_ =	shalt  }
0x67: {  	_ =	shalt  }
0x68: {  	_ =	shalt  }
0x69: {  	_ =	shalt  }
0x6a: {  	_ =	shalt  }
0x6b: {  	_ =	shalt  }
0x6c: {  	_ =	shalt  }
0x6d: {  	_ =	shalt  }
0x6e: {  	_ =	shalt  }
0x6f: {  	_ =	shalt  }
0x70: {  	_ =	shalt  }
0x71: {  	_ =	shalt  }
0x72: {  	_ =	shalt  }
0x73: {  	_ =	shalt  }
0x74: {  	_ =	shalt  }
0x75: {  	_ =	shalt  }
0x76: {  	_ =	shalt  }
0x77: {  	_ =	shalt  }
0x78: {  	_ =	shalt  }
0x79: {  	_ =	shalt  }
0x7a: {  	_ =	shalt  }
0x7b: {  	_ =	shalt  }
0x7c: {  	_ =	shalt  }
0x7d: {  	_ =	shalt  }
0x7e: {  	_ =	shalt  }
0x7f: {  	_ =	shalt  }
0x80: {  	_ =	shalt  }
0x81: {  	_ =	shalt  }
0x82: {  	_ =	shalt  }
0x83: {  	_ =	shalt  }
0x84: {  	_ =	shalt  }
0x85: {  	_ =	shalt  }
0x86: {  	_ =	shalt  }
0x87: {  	_ =	shalt  }
.Lfunc_end0:
.L_simem_size_0:
called_computation_lowered:
.L_overlay_start_0:
0x88: {  	s2 =	sld [smem:$0x3FD9]  }
0x89: {  	s3 =	sld [smem:$0x3FFE];
	_ =	sdelay $0x1  }
0x8a: {  	s1 =	srdreg.scid  }
0x8b: {  	s0 =	sand.u32 $0x1, s1  }
0x8c: {  	s14 =	sshll.u32 s0, $0xA;
	s2 =	sadd.s32 s3, s2  }
0x8d: {  	s2 =	sadd.s32 s2, s14  }
0x8e: {  	[smem:$0x3FC0] =	sst s2  }
0x8f: {  	_ = 	snop  }
0x90: {  	s2 =	sld [smem:$0x3FD0];
	_ =	sdelay $0x2  }
0x91: {  	s15 =	simm.s32 $0xA;
	s4 =	simm.s32 $0x10  }
0x92: {  	[smem:s4], [sflag:s15] =	dma.local [hbm:s2], $0x1  }
0x93: {  	_ =	swait.eq [sflag:s15], $0x1  }
0x94: {  	[sflag:s15] =	ssyncset.done $0x0  }
0x95: {  	[sflag:s15] =	ssyncadd.s32 $0xFFFFFFFF  }
0x96: {  	s16 =	sld [smem:$0x11];
	(tm) =	ssettm $0x1  }
0x97: {  	s17 =	sld [smem:$0x3FFB];
	_ =	sdelay $0x3  }
0x98: {  	_ =	strace s17  }
0x99: {  	s3 =	sld [smem:$0x3FFC];
	_ =	sdelay $0x3  }
0x9a: {  	_ =	strace s3  }
0x9b: {  	s3 =	sld [smem:$0x3FFD];
	_ =	sdelay $0x3  }
0x9c: {  	_ =	strace s3  }
0x9d: {  	_ =	strace $0x8FFFFFFF  }
0x9e: {  	s18 =	sld [smem:$0x3FDB];
	_ =	sdelay $0x1  }
0x9f: {  	s19 =	simm.s32 $_scs_section_size  }
0xa0: {  	s5 =	simm.s32 $_size__tile_overlayer_lowered;
	s6 =	simm.s32 $_tile_overlayer_lowered  }
0xa1: {  	s22 =	simm.s32 $0x1BFF;
	s21 =	sshll.u32 s6, $0x1;
	s3 =	sadd.s32 s19, s18  }
0xa2: {  	s7 =	simm.s32 $0x0;
	s20 =	sshll.u32 s5, $0x1;
	s5 =	sadd.s32 s21, s3  }
0xa3: {  	[timem:s7], [sflag:s22] =	dma.local [hbm:s5], s20  }
0xa4: {  	_ =	swait.ge [sflag:s22], s20  }
0xa5: {  	s4 =	ssub.s32 $0x0, s20;
	[sflag:s22] =	ssyncset.done $0x0  }
0xa6: {  	[sflag:s22] =	ssyncadd.s32 s4;
	_ =	sdelay $0x1  }
0xa7: {  	s23 =	simm.s32 $0x1B8B  }
0xa8: {  	_ =	swait.ge [sflag:s23], $0x1  }
0xa9: {  	[sflag:s23] =	ssyncset.done $0x0  }
0xaa: {  	s25 =	simm.s32 $0x1B8E;
	s24 =	sld [smem:$0x3FFE];
	[sflag:s23] =	ssyncadd.s32 $0xFFFFFFFF  }
0xab: {  	s26 =	simm.s32 $execute0_lowered;
	[smem:$0x3FD2] =	sst s25  }
0xac: {  	s5 =	sshll.u32 s26, $0x1;
	_ =	strace $0x80000046;
	[dreg:$0x1] =	wrdreg $0xFFFFFFFF  }
0xad: {  	s28 =	simm.s32 $_size_execute0_lowered;
	s3 =	sadd.s32 s3, s5;
	[dreg:$0x0] =	wrdreg $0x0  }
0xae: {  	s5 =	sshll.u32 s28, $0x1;
	[dreg:$0x2] =	wrdreg s3  }
0xaf: {  	[dreg:$0x3] =	wrdreg s5  }
0xb0: {  	[dreg:$0x4] =	wrdreg $0xC0  }
0xb1: {  	_ =	task [dreg:s7], $0x5FFFF  }
0xb2: {  	[dreg:$0x1] =	wrdreg $0xFFFFFFFF  }
0xb3: {  	[dreg:$0x0] =	wrdreg $0x60  }
0xb4: {  	[dreg:$0x2] =	wrdreg s16  }
0xb5: {  	[dreg:$0x3] =	wrdreg s24  }
0xb6: {  	[dreg:$0x4] =	wrdreg $0x68800  }
0xb7: {  	[dreg:$0x5] =	wrdreg $0x9  }
0xb8: {  	_ =	task.clear_ibuf [dreg:s7], $0x6FFFF;
	_ =	strace $0x90000046  }
0xb9: {  	s29 =	simm.s32 $0x9;
	_ =	strace $0x80000048  }
0xba: {  	_ =	swait.ge [sflag:s29], $0x1  }
0xbb: {  	[sflag:s29] =	ssyncadd.s32 $0xFFFFFFFF  }
0xbc: {  	_ =	strace $0x90000048  }
0xbd: {  	_ =	sfence  }
0xbe: {  	s30 =	sld [smem:$0x0];
	_ =	sdelay $0x2  }
0xbf: {  	s31 =	sshll.u32 s1, $0xD;
	s1 =	sshrl.u32 s1, $0x2  }
0xc0: {  	s3 =	sand.u32 $0x4000, s31;
	s1 =	sadd.s32 s1, s30  }
0xc1: {  	s0 =	sor.u32 s3, s0;
	s1 =	sshll.u32 s1, $0x11  }
0xc2: {  	s0 =	sor.u32 s1, s0  }
0xc3: {  	s0 =	sadd.s32 $0x8F2B, s0  }
0xc4: {  	[sflag:s0] =	ssyncadd.remote.s32 $0x1  }
0xc5: {  	_ =	sfence.sel $0xFFFF  }
0xc6: {  	[dreg:$0x0] =	wrdreg $0xFFFFFFFF;
	(pc) =	sbr.abs _section_cstart, $3  }
0xc7: {  	[dreg:$0x1] =	wrdreg $0xFFFFFFFF  }
0xc8: {  	_ =	task.clear_ibuf [dreg:s7], $0x2FFFF;
	_ =	strace $0x9FFFFFFF  }
0xc9: {  	(tm) =	ssettm $0x7FFFFFFF  }
tec
execute0_lowered:
.L_overlay_start_1:
0x0: {  	(tag) =	ssettag $0x1  }
0x1: {  	s4 =	rddreg [dreg:$0x0]  }
0x2: {  	s5 =	rddreg [dreg:$0x1]  }
0x3: {  	s1 =	rddreg [dreg:$0x2]  }
0x4: {  	s2 =	srdreg.scid;
	s0 =	rddreg [dreg:$0x3];
	s3 =	simm.s32 $0x0  }
0x5: {  	s12 =	simm.s32 $0x2800;
	s13 =	simm.s32 $0x2;
	s14 =	simm.s32 $0x1  }
0x6: {  	s15 =	simm.s32 $0x80;
	s16 =	simm.s32 $0x6800;
	s6 =	sand.u32 $0x1, s2  }
0x7: {  	s19 =	simm.s32 $0x0;
	s2 =	stileid.u32;
	s7 =	smul.u32 $0x28000, s6  }
0x8: {  	[smem:$0x7FF] =	sst s3;
	s8 =	smul.u32 $0x2800, s2;
	s9 =	sshll.u32 s6, $0x4  }
0x9: {  	_ =	strace $0x80000047;
	s10 =	smul.u32 $0x50000, s2;
	s6 =	ssub.s32 $0x2, s6  }
0xa: {  	s17 =	sshll.u32 s2, $0x6;
	s9 =	sor.u32 s2, s9;
	s29 =	sshrl.u32 s6, $0x1  }
0xb: {  	s17 =	sor.u32 $0x1C02, s17;
	s7 =	sadd.s32 s8, s7;
	s28 =	smul.u32 $0x500, s9  }
0xc: {  	s30 =	sshrl.u32 s10, $0x2;
	s31 =	ssub.s32 s6, s29;
	s7 =	sadd.s32 s7, s5  }
0xd: {  	s5 =	sadd.s32 s30, s1;
	s4 =	sadd.s32 s4, s28;
	s6 =	sadd.s32 $0x2C00, s7  }
0xe: {  	s7 =	smax.u32 s31, $0x1;
	s8 =	sadd.s32 $0x4000, s5;
	s9 =	sadd.s32 $0x8000, s5  }
0xf: {  	v0 =	vimm.f32 $0.0e+00;
	v1 =	vimm.f32 $1.000000000e+00;
	s10 =	sadd.s32 $0xC000, s5;
	s11 =	sadd.s32 $0x10000, s5;
	s18 =	sshrl.u32 s5, $0x3  }
.LBB2_1:
0x10: {  	[tilespmem:s3], [sflag:$0x1] =	stream.linear.gather [hbm4b:s4+s3], $0x2800, $0x38;
	[tilespmem:$0x1A880] =	vst v63  }
0x11: {  	s20 =	simm.s32 $0x0;
	s21 =	simm.s32 $0x200  }
.LBB2_2:
0x12: {  	p0 =	sne.s32 s21, $0xFE00;
	[tilespmem:s20+$0x2870] =	vst v0  }
0x13: {  	[tilespmem:s20+$0x2800] =	vst v0  }
0x14: {  	[tilespmem:s20+$0x2810] =	vst v0  }
.Ltmp0:
0x15: {  	[tilespmem:s20+$0x2820] =	vst v0;
	(pc) =	sbr.rel @p0 .LBB2_2-.Ltmp0, $4  }
0x16: {  	[tilespmem:s20+$0x2830] =	vst v0  }
0x17: {  	[tilespmem:s20+$0x2840] =	vst v0  }
0x18: {  	[tilespmem:s20+$0x2850] =	vst v0  }
0x19: {  	[tilespmem:s20+$0x2860] =	vst v0;
	s20 =	sshra.s32 s21, $0x2;
	s21 =	sadd.s32 $0x200, s21  }
0x1a: {  	[tilespmem:s20+$0x2870] =	vst v0  }
0x1b: {  	[tilespmem:s20+$0x2800] =	vst v0  }
0x1c: {  	[tilespmem:s20+$0x2810] =	vst v0  }
0x1d: {  	[tilespmem:s20+$0x2820] =	vst v0  }
0x1e: {  	[tilespmem:s20+$0x2830] =	vst v0  }
0x1f: {  	[tilespmem:s20+$0x2840] =	vst v0  }
0x20: {  	[tilespmem:s20+$0x2850] =	vst v0  }
0x21: {  	[tilespmem:s20+$0x2860] =	vst v0  }
0x22: {  	[spmem:s5] =	stream.linear.scatter [tilespmem:s12], [sflag:$0x2], $0x4000, $0x38;
	[tilespmem:$0x1A880] =	vst v63  }
0x23: {  	_ =	swait.ge [sflag:s13], $0x4000  }
0x24: {  	[sflag:s13] =	ssyncset.done $0x0  }
0x25: {  	[sflag:s13] =	ssyncadd.s32 $0xFFFFC000  }
0x26: {  	[spmem:s8] =	stream.linear.scatter [tilespmem:s12], [sflag:$0x2], $0x4000, $0x38;
	[tilespmem:$0x1A880] =	vst v63  }
0x27: {  	_ =	swait.ge [sflag:s13], $0x4000  }
0x28: {  	[sflag:s13] =	ssyncset.done $0x0  }
0x29: {  	[sflag:s13] =	ssyncadd.s32 $0xFFFFC000  }
0x2a: {  	[spmem:s9] =	stream.linear.scatter [tilespmem:s12], [sflag:$0x2], $0x4000, $0x38;
	[tilespmem:$0x1A880] =	vst v63  }
0x2b: {  	_ =	swait.ge [sflag:s13], $0x4000  }
0x2c: {  	[sflag:s13] =	ssyncset.done $0x0  }
0x2d: {  	[sflag:s13] =	ssyncadd.s32 $0xFFFFC000  }
0x2e: {  	[spmem:s10] =	stream.linear.scatter [tilespmem:s12], [sflag:$0x2], $0x4000, $0x38;
	[tilespmem:$0x1A880] =	vst v63  }
0x2f: {  	_ =	swait.ge [sflag:s13], $0x4000  }
0x30: {  	[sflag:s13] =	ssyncset.done $0x0  }
0x31: {  	[sflag:s13] =	ssyncadd.s32 $0xFFFFC000  }
0x32: {  	[spmem:s11] =	stream.linear.scatter [tilespmem:s12], [sflag:$0x2], $0x4000, $0x38;
	[tilespmem:$0x1A880] =	vst v63  }
0x33: {  	_ =	swait.ge [sflag:s13], $0x4000  }
0x34: {  	[sflag:s13] =	ssyncset.done $0x0  }
0x35: {  	s20 =	simm.s32 $0x0;
	s21 =	simm.s32 $0x200;
	[sflag:s13] =	ssyncadd.s32 $0xFFFFC000  }
.LBB2_4:
0x36: {  	p0 =	sne.s32 s21, $0xFE00;
	[tilespmem:s20+$0x2870] =	vst v1  }
0x37: {  	[tilespmem:s20+$0x2800] =	vst v1  }
0x38: {  	[tilespmem:s20+$0x2810] =	vst v1  }
.Ltmp1:
0x39: {  	[tilespmem:s20+$0x2820] =	vst v1;
	(pc) =	sbr.rel @p0 .LBB2_4-.Ltmp1, $4  }
0x3a: {  	[tilespmem:s20+$0x2830] =	vst v1  }
0x3b: {  	[tilespmem:s20+$0x2840] =	vst v1  }
0x3c: {  	[tilespmem:s20+$0x2850] =	vst v1  }
0x3d: {  	[tilespmem:s20+$0x2860] =	vst v1;
	s20 =	sshra.s32 s21, $0x2;
	s21 =	sadd.s32 $0x200, s21  }
0x3e: {  	[tilespmem:s20+$0x2870] =	vst v1  }
0x3f: {  	[tilespmem:s20+$0x2800] =	vst v1  }
0x40: {  	[tilespmem:s20+$0x2810] =	vst v1  }
0x41: {  	[tilespmem:s20+$0x2820] =	vst v1  }
0x42: {  	[tilespmem:s20+$0x2830] =	vst v1  }
0x43: {  	[tilespmem:s20+$0x2840] =	vst v1  }
0x44: {  	[tilespmem:s20+$0x2850] =	vst v1  }
0x45: {  	[tilespmem:s20+$0x2860] =	vst v1  }
0x46: {  	_ =	swait.ge [sflag:s14], $0x2800  }
0x47: {  	[sflag:s14] =	ssyncset.done $0x0  }
0x48: {  	[sflag:s14] =	ssyncadd.s32 $0xFFFFD800  }
0x49: {  	s31 =	simm.s32 $0x0;
	[bflag:$0x0] =	sbarrier.arrive $0xFFFF  }
0x4a: {  	v2 =	vld [tilespmem:s31+$0x0];
	_ =	sdelay $0x4  }
0x4b: {  	v2 =	vshrl.u32 v2, $0xE  }
0x4c: {  	[tilespmem:$0x6800] =	vst v2  }
0x4d: {  	v2 =	vld [tilespmem:s31+$0x10];
	_ =	sdelay $0x4  }
0x4e: {  	v2 =	vshrl.u32 v2, $0xE  }
0x4f: {  	[tilespmem:$0x6810] =	vst v2  }
0x50: {  	v2 =	vld [tilespmem:s31+$0x20];
	_ =	sdelay $0x4  }
0x51: {  	v2 =	vshrl.u32 v2, $0xE  }
0x52: {  	[tilespmem:$0x6820] =	vst v2  }
0x53: {  	v2 =	vld [tilespmem:s31+$0x30];
	_ =	sdelay $0x4  }
0x54: {  	v2 =	vshrl.u32 v2, $0xE  }
0x55: {  	[tilespmem:$0x6830] =	vst v2  }
0x56: {  	v2 =	vld [tilespmem:s31+$0x40];
	_ =	sdelay $0x4  }
0x57: {  	v2 =	vshrl.u32 v2, $0xE  }
0x58: {  	[tilespmem:$0x6840] =	vst v2  }
0x59: {  	v2 =	vld [tilespmem:s31+$0x50];
	_ =	sdelay $0x4  }
0x5a: {  	v2 =	vshrl.u32 v2, $0xE  }
0x5b: {  	[tilespmem:$0x6850] =	vst v2  }
0x5c: {  	v2 =	vld [tilespmem:s31+$0x60];
	_ =	sdelay $0x4  }
0x5d: {  	v2 =	vshrl.u32 v2, $0xE  }
0x5e: {  	[tilespmem:$0x6860] =	vst v2  }
0x5f: {  	v2 =	vld [tilespmem:s31+$0x70];
	_ =	sdelay $0x4  }
0x60: {  	v2 =	vshrl.u32 v2, $0xE  }
0x61: {  	[tilespmem:$0x6870] =	vst v2  }
0x62: {  	[spmem:s1] =	stream.indirect.scatter.add.f32 [tilespmem:s12], [sflag:$0x2], $0x80, s16, s15, $0xb8;
	[tilespmem:$0x1A880] =	vst v63  }
0x63: {  	_ =	swait.ge [sflag:s13], $0x4000  }
0x64: {  	s20 =	simm.s32 $0x200;
	s23 =	simm.s32 $0x400;
	[sflag:s13] =	ssyncset.done $0x0  }
.LBB2_6:
0x65: {  	s22 =	sshra.s32 s20, $0x2  }
0x66: {  	[sflag:s13] =	ssyncadd.s32 $0xFFFFC000;
	s20 =	smov.u32 s23;
	s21 =	sadd.s32 $0x200, s23  }
0x67: {  	p0 =	sne.s32 s23, $0x9E00;
	v2 =	vld [tilespmem:s22+$0x0];
	_ =	sdelay $0x4  }
0x68: {  	v2 =	vshrl.u32 v2, $0xE  }
0x69: {  	[tilespmem:$0x6800] =	vst v2  }
0x6a: {  	v2 =	vld [tilespmem:s22+$0x10];
	_ =	sdelay $0x4  }
0x6b: {  	v2 =	vshrl.u32 v2, $0xE  }
0x6c: {  	[tilespmem:$0x6810] =	vst v2  }
0x6d: {  	v2 =	vld [tilespmem:s22+$0x20];
	_ =	sdelay $0x4  }
0x6e: {  	v2 =	vshrl.u32 v2, $0xE  }
0x6f: {  	[tilespmem:$0x6820] =	vst v2  }
0x70: {  	v2 =	vld [tilespmem:s22+$0x30];
	_ =	sdelay $0x4  }
0x71: {  	v2 =	vshrl.u32 v2, $0xE  }
0x72: {  	[tilespmem:$0x6830] =	vst v2  }
0x73: {  	v2 =	vld [tilespmem:s22+$0x40];
	_ =	sdelay $0x4  }
0x74: {  	v2 =	vshrl.u32 v2, $0xE  }
0x75: {  	[tilespmem:$0x6840] =	vst v2  }
0x76: {  	v2 =	vld [tilespmem:s22+$0x50];
	_ =	sdelay $0x4  }
0x77: {  	v2 =	vshrl.u32 v2, $0xE  }
0x78: {  	[tilespmem:$0x6850] =	vst v2  }
0x79: {  	v2 =	vld [tilespmem:s22+$0x60];
	_ =	sdelay $0x4  }
0x7a: {  	v2 =	vshrl.u32 v2, $0xE  }
0x7b: {  	[tilespmem:$0x6860] =	vst v2  }
0x7c: {  	v2 =	vld [tilespmem:s22+$0x70];
	_ =	sdelay $0x4  }
.Ltmp2:
0x7d: {  	v2 =	vshrl.u32 v2, $0xE;
	(pc) =	sbr.rel @p0 .LBB2_6-.Ltmp2, $4  }
0x7e: {  	[tilespmem:$0x6870] =	vst v2  }
0x7f: {  	[spmem:s1] =	stream.indirect.scatter.add.f32 [tilespmem:s12], [sflag:$0x2], $0x80, s16, s15, $0xb8;
	[tilespmem:$0x1A880] =	vst v63  }
0x80: {  	_ =	swait.ge [sflag:s13], $0x4000  }
0x81: {  	s23 =	smov.u32 s21;
	[sflag:s13] =	ssyncset.done $0x0  }
0x82: {  	s20 =	sshra.s32 s20, $0x2;
	[sflag:s13] =	ssyncadd.s32 $0xFFFFC000  }
0x83: {  	v2 =	vld [tilespmem:s20+$0x0];
	_ =	sdelay $0x4  }
0x84: {  	v2 =	vshrl.u32 v2, $0xE  }
0x85: {  	[tilespmem:$0x6800] =	vst v2  }
0x86: {  	v2 =	vld [tilespmem:s20+$0x10];
	_ =	sdelay $0x4  }
0x87: {  	v2 =	vshrl.u32 v2, $0xE  }
0x88: {  	[tilespmem:$0x6810] =	vst v2  }
0x89: {  	v2 =	vld [tilespmem:s20+$0x20];
	_ =	sdelay $0x4  }
0x8a: {  	v2 =	vshrl.u32 v2, $0xE  }
0x8b: {  	[tilespmem:$0x6820] =	vst v2  }
0x8c: {  	v2 =	vld [tilespmem:s20+$0x30];
	_ =	sdelay $0x4  }
0x8d: {  	v2 =	vshrl.u32 v2, $0xE  }
0x8e: {  	[tilespmem:$0x6830] =	vst v2  }
0x8f: {  	v2 =	vld [tilespmem:s20+$0x40];
	_ =	sdelay $0x4  }
0x90: {  	v2 =	vshrl.u32 v2, $0xE  }
0x91: {  	[tilespmem:$0x6840] =	vst v2  }
0x92: {  	v2 =	vld [tilespmem:s20+$0x50];
	_ =	sdelay $0x4  }
0x93: {  	v2 =	vshrl.u32 v2, $0xE  }
0x94: {  	[tilespmem:$0x6850] =	vst v2  }
0x95: {  	v2 =	vld [tilespmem:s20+$0x60];
	_ =	sdelay $0x4  }
0x96: {  	v2 =	vshrl.u32 v2, $0xE  }
0x97: {  	[tilespmem:$0x6860] =	vst v2  }
0x98: {  	v2 =	vld [tilespmem:s20+$0x70];
	_ =	sdelay $0x4  }
0x99: {  	v2 =	vshrl.u32 v2, $0xE  }
0x9a: {  	[tilespmem:$0x6870] =	vst v2  }
0x9b: {  	[spmem:s1] =	stream.indirect.scatter.add.f32 [tilespmem:s12], [sflag:$0x2], $0x80, s16, s15, $0xb8;
	[tilespmem:$0x1A880] =	vst v63  }
0x9c: {  	_ =	swait.ge [sflag:s13], $0x4000  }
0x9d: {  	s19 =	sadd.s32 $0x1, s19;
	[sflag:s13] =	ssyncset.done $0x0  }
0x9e: {  	p0 =	sne.s32 s19, s7;
	[sflag:s13] =	ssyncadd.s32 $0xFFFFC000  }
.Ltmp3:
0x9f: {  	[bflag:$0x0] =	sbarrier.arrive $0xFFFF;
	(pc) =	sbr.rel @p0 .LBB2_1-.Ltmp3, $4  }
0xa0: {  	[hbm:s6], [sflag:s17] =	dma.local [spmem:s18], $0x2800  }
0xa1: {  	_ =	swait.ge [sflag:s13], $0x2800  }
0xa2: {  	[sflag:s13] =	ssyncset.done $0x0  }
0xa3: {  	[sflag:s13] =	ssyncadd.s32 $0xFFFFD800  }
0xa4: {  	_ =	sfence.sel $0x180000  }
0xa5: {  	[bflag:$0x0] =	sbarrier.arrive $0xFFFF  }
0xa6: {  	p0 =	sne.s32 s2, $0x0;
	_ =	strace $0x90000047  }
0xa7: {  	s0 =	sadd.s32 @!p0 $0x100000, s0;
	[bflag:$0x2] =	sbarrier.arrive $0xFFFF  }
0xa8: {  	[sflag:s0] =	ssyncadd.tile.s32 @!p0 $0x1;
	_ =	shalt  }
.Lfunc_end2:
_tile_overlayer_lowered:
.L_overlay_start_2:
0xa9: {  	(tag) =	ssettag $0x2  }
0xaa: {  	s0 =	rddreg [dreg:$0x0];
	s2 =	stileid.u32  }
0xab: {  	s1 =	rddreg [dreg:$0x1];
	p0 =	sne.s32 s2, $0x0  }
0xac: {  	s3 =	rddreg [dreg:$0x2];
	[bflag:$0x3] =	sbarrier.arrive $0xFFFF;
	s2 =	simm.s32 @!p0 $0x1C02  }
0xad: {  	[timem:s3], [sflag:s2] =	dma.local @!p0 [hbm:s0], s1  }
0xae: {  	s0 =	simm.s32 @!p0 $0x2  }
0xaf: {  	_ =	swait.ge @!p0 [sflag:s0], s1  }
0xb0: {  	s1 =	ssub.s32 @!p0 $0x0, s1;
	[sflag:s0] =	ssyncset.done @!p0 $0x0  }
0xb1: {  	[sflag:s0] =	ssyncadd.s32 @!p0 s1  }
0xb2: {  	[bflag:$0x3] =	sbarrier.arrive $0xFFFF  }
0xb3: {  	_ =	shalt  }

</sc_bundles>
